<compile_context>
chip_gen: v7x
topology: tpu7x:2x2x1
jax: 0.10.2.dev20260603
libtpu: 0.0.44.dev20260713+nightly
codegen_flags: <defaults>
</compile_context>

<pallas_src>
import functools
import math

import jax
import jax.numpy as jnp
from jax import lax
from jax.experimental import pallas as pl
from jax.experimental.pallas import tpu as pltpu
from jax.experimental.pallas import tpu_sc as plsc

H = 16
K = 8

_NC = 2
_NS = 16
_L = 16
_NW = _NC * _NS


def _qkv_body(x_ref, wq_ref, wk_ref, wv_ref, bq_ref, bk_ref, bv_ref,
              q_ref, k_ref, v_ref):
    xb = x_ref[...]
    q_ref[...] = jnp.dot(xb, wq_ref[...], preferred_element_type=jnp.float32) + bq_ref[...]
    k_ref[...] = jnp.dot(xb, wk_ref[...], preferred_element_type=jnp.float32) + bk_ref[...]
    v_ref[...] = jnp.dot(xb, wv_ref[...], preferred_element_type=jnp.float32) + bv_ref[...]


def _head_attn(q, k, v, scale):
    s = jax.lax.dot_general(
        q, k, (((1,), (1,)), ((), ())), preferred_element_type=jnp.float32
    ) * scale
    half = s.shape[1] // 2
    s1 = s[:, :half]
    s2 = s[:, half:]
    v1 = v[:half]
    v2 = v[half:]

    m1 = jnp.max(s1, axis=1, keepdims=True)
    e1 = jnp.exp(s1 - m1)
    bs1 = jnp.sum(e1, axis=1, keepdims=True)
    o1 = jnp.dot(e1, v1, preferred_element_type=jnp.float32)
    out1 = o1 * (1.0 / bs1)

    m2 = jnp.max(s2, axis=1, keepdims=True)
    mnew = jnp.maximum(m1, m2)
    delta = jnp.where(m1 == mnew, 0.0, m1 - mnew)
    ed = jnp.exp(delta)
    e2 = jnp.exp(s2 - mnew)
    bs2 = jnp.sum(e2, axis=1, keepdims=True)
    resc = ed * bs1
    sum2 = resc + bs2
    acc = resc * out1
    o2 = jnp.dot(e2, v2, preferred_element_type=jnp.float32) + acc
    return o2 * (1.0 / sum2)


def _attn_body(q_ref, k_ref, v_ref, o_ref, k0_s, k1_s, v0_s, v1_s, *, scale, dh):
    j = pl.program_id(1)

    @pl.when(j == 0)
    def _stash():
        kp = k_ref[...]
        vp = v_ref[...]
        k0_s[...] = kp[:, :dh]
        k1_s[...] = kp[:, dh:]
        v0_s[...] = vp[:, :dh]
        v1_s[...] = vp[:, dh:]

    qp = q_ref[...]
    c0 = _head_attn(qp[:, :dh], k0_s[...], v0_s[...], scale)
    c1 = _head_attn(qp[:, dh:], k1_s[...], v1_s[...], scale)
    o_ref[...] = jnp.concatenate([c0, c1], axis=1)


def _sc_gather_mix(neurons, idx_flat, wrep, S, D):
    TPW = S // _NW
    CH = 4
    NCH = TPW // CH
    RPC = CH * K
    DL = D // _L
    idx2d = idx_flat.reshape(S * K // RPC, RPC)
    mesh = plsc.VectorSubcoreMesh(core_axis_name="c", subcore_axis_name="s")

    import functools as _ft

    @_ft.partial(
        pl.kernel, mesh=mesh,
        out_type=jax.ShapeDtypeStruct((S, D), jnp.float32),
        scratch_types=[
            pltpu.VMEM((NCH, RPC), jnp.int32),
            pltpu.VMEM((CH * K, _L), jnp.float32),
            pltpu.VMEM((CH * K, _L), jnp.float32),
            pltpu.VMEM((RPC, D), jnp.float32),
            pltpu.VMEM((RPC, D), jnp.float32),
            pltpu.VMEM((CH, D), jnp.float32),
            pltpu.SemaphoreType.DMA,
            pltpu.SemaphoreType.DMA,
        ],
    )
    def k(neurons_hbm, idx_hbm, w_hbm, out_hbm,
          idx_v, w0_v, w1_v, r0_v, r1_v, out_v, sem0, sem1):
        wid = lax.axis_index("s") * _NC + lax.axis_index("c")
        tok0 = wid * TPW
        pltpu.sync_copy(idx_hbm.at[pl.ds(wid * NCH, NCH)], idx_v)

        def compute_store(c, rows_v, w_v):
            for t in range(CH):
                ws = [w_v[t * K + kk, :] for kk in range(K)]

                @plsc.parallel_loop(0, DL, step=1, unroll=4)
                def dbody(i, ws=ws, t=t, rows_v=rows_v):
                    dd = pl.multiple_of(i * _L, _L)
                    prods = [ws[kk] * rows_v[t * K + kk, pl.ds(dd, _L)]
                             for kk in range(K)]
                    while len(prods) > 1:
                        prods = [a + b for a, b in zip(prods[::2], prods[1::2])]
                    out_v[t, pl.ds(dd, _L)] = prods[0]
            pltpu.sync_copy(out_v, out_hbm.at[pl.ds(tok0 + c * CH, CH)])

        pltpu.async_copy(neurons_hbm.at[idx_v.at[0]], r0_v, sem0)
        pltpu.sync_copy(w_hbm.at[pl.ds(tok0 * K, CH * K)], w0_v)

        def pair(p, _):
            c0 = 2 * p
            pltpu.async_copy(neurons_hbm.at[idx_v.at[c0 + 1]], r1_v, sem1)
            pltpu.sync_copy(
                w_hbm.at[pl.ds((tok0 + (c0 + 1) * CH) * K, CH * K)], w1_v)
            pltpu.make_async_copy(
                neurons_hbm.at[idx_v.at[c0]], r0_v, sem0).wait()
            compute_store(c0, r0_v, w0_v)

            @pl.when(c0 + 2 < NCH)
            def _():
                pltpu.async_copy(
                    neurons_hbm.at[idx_v.at[c0 + 2]], r0_v, sem0)
                pltpu.sync_copy(
                    w_hbm.at[pl.ds((tok0 + (c0 + 2) * CH) * K, CH * K)], w0_v)
            pltpu.make_async_copy(
                neurons_hbm.at[idx_v.at[c0 + 1]], r1_v, sem1).wait()
            compute_store(c0 + 1, r1_v, w1_v)
            return _
        lax.fori_loop(0, NCH // 2, pair, None)

    return k(neurons, idx2d, wrep)


def _router_body(x_ref, c_ref, wp_ref, bp_ref, n_ref,
                 idx_ref, tw_ref, sel_ref, *, n_neurons):
    xb = x_ref[...]
    cb = c_ref[...]
    comb = jnp.concatenate([xb, cb], axis=1)
    logits = (
        jnp.dot(comb, wp_ref[...], preferred_element_type=jnp.float32)
        + bp_ref[...]
    )
    m = jnp.max(logits, axis=1, keepdims=True)
    e = jnp.exp(logits - m)
    w = e / jnp.sum(e, axis=1, keepdims=True)
    token_s = jax.lax.dot_general(
        xb, n_ref[...], (((1,), (1,)), ((), ())),
        preferred_element_type=jnp.float32,
    )
    ctx_s = jax.lax.dot_general(
        cb, n_ref[...], (((1,), (1,)), ((), ())),
        preferred_element_type=jnp.float32,
    )
    scores = w[:, 0:1] * token_s + w[:, 1:2] * ctx_s

    bt = scores.shape[0]
    iota_n = jax.lax.broadcasted_iota(jnp.int32, (bt, n_neurons), 1)
    iota_k = jax.lax.broadcasted_iota(jnp.int32, (bt, K), 1)
    s = scores
    tv = jnp.zeros((bt, K), dtype=jnp.float32)
    ti = jnp.zeros((bt, K), dtype=jnp.int32)
    picks = []
    for k in range(K):
        mk = jnp.max(s, axis=1, keepdims=True)
        ak = jnp.min(
            jnp.where(s == mk, iota_n, n_neurons), axis=1, keepdims=True
        )
        picks.append(ak)
        tv = jnp.where(iota_k == k, mk, tv)
        ti = jnp.where(iota_k == k, ak, ti)
        s = jnp.where(iota_n == ak, -jnp.inf, s)

    ew = jnp.exp(tv - tv[:, 0:1])
    tw = ew / jnp.sum(ew, axis=1, keepdims=True)

    idx_ref[...] = ti
    tw_ref[...] = tw

    sel = jnp.zeros((bt, n_neurons), dtype=jnp.float32)
    for k in range(K):
        sel = sel + jnp.where(iota_n == picks[k], tw[:, k:k + 1], 0.0)
    sel_ref[...] = sel


def kernel(x, neurons, Wq, bq, Wk, bk, Wv, bv, Wp, bp):
    Bsz, S, D = x.shape
    dh = D // H
    n_neurons = neurons.shape[0]
    x2 = x.reshape(S, D)

    BT = min(1024, S)
    nblk = S // BT

    q2, k2, v2 = pl.pallas_call(
        _qkv_body,
        grid=(nblk,),
        in_specs=[
            pl.BlockSpec((BT, D), lambda j: (j, 0)),
            pl.BlockSpec((D, D), lambda j: (0, 0)),
            pl.BlockSpec((D, D), lambda j: (0, 0)),
            pl.BlockSpec((D, D), lambda j: (0, 0)),
            pl.BlockSpec((1, D), lambda j: (0, 0)),
            pl.BlockSpec((1, D), lambda j: (0, 0)),
            pl.BlockSpec((1, D), lambda j: (0, 0)),
        ],
        out_specs=[
            pl.BlockSpec((BT, D), lambda j: (j, 0)),
            pl.BlockSpec((BT, D), lambda j: (j, 0)),
            pl.BlockSpec((BT, D), lambda j: (j, 0)),
        ],
        out_shape=[
            jax.ShapeDtypeStruct((S, D), jnp.float32),
            jax.ShapeDtypeStruct((S, D), jnp.float32),
            jax.ShapeDtypeStruct((S, D), jnp.float32),
        ],
    )(x2, Wq, Wk, Wv, bq.reshape(1, D), bk.reshape(1, D), bv.reshape(1, D))

    hp = H // 2
    context = pl.pallas_call(
        functools.partial(_attn_body, scale=1.0 / math.sqrt(dh), dh=dh),
        grid=(hp, nblk),
        in_specs=[
            pl.BlockSpec((BT, 2 * dh), lambda h, j: (j, h)),
            pl.BlockSpec((S, 2 * dh), lambda h, j: (0, h)),
            pl.BlockSpec((S, 2 * dh), lambda h, j: (0, h)),
        ],
        out_specs=pl.BlockSpec((BT, 2 * dh), lambda h, j: (j, h)),
        out_shape=jax.ShapeDtypeStruct((S, D), jnp.float32),
        scratch_shapes=[
            pltpu.VMEM((S, dh), jnp.float32),
            pltpu.VMEM((S, dh), jnp.float32),
            pltpu.VMEM((S, dh), jnp.float32),
            pltpu.VMEM((S, dh), jnp.float32),
        ],
    )(q2, k2, v2)

    topk_idx, topk_w, sel = pl.pallas_call(
        functools.partial(_router_body, n_neurons=n_neurons),
        grid=(nblk,),
        in_specs=[
            pl.BlockSpec((BT, D), lambda j: (j, 0)),
            pl.BlockSpec((BT, D), lambda j: (j, 0)),
            pl.BlockSpec((2 * D, 2), lambda j: (0, 0)),
            pl.BlockSpec((1, 2), lambda j: (0, 0)),
            pl.BlockSpec((n_neurons, D), lambda j: (0, 0)),
        ],
        out_specs=[
            pl.BlockSpec((BT, K), lambda j: (j, 0)),
            pl.BlockSpec((BT, K), lambda j: (j, 0)),
            pl.BlockSpec((BT, n_neurons), lambda j: (j, 0)),
        ],
        out_shape=[
            jax.ShapeDtypeStruct((S, K), jnp.int32),
            jax.ShapeDtypeStruct((S, K), jnp.float32),
            jax.ShapeDtypeStruct((S, n_neurons), jnp.float32),
        ],
    )(x2, context, Wp, bp.reshape(1, 2), neurons)

    wrep = jnp.broadcast_to(topk_w.reshape(S * K, 1), (S * K, _L))
    out = _sc_gather_mix(neurons, topk_idx.reshape(S * K), wrep, S, D)

    return (
        out.reshape(Bsz, S, D),
        topk_idx.reshape(Bsz, S, K),
        topk_w.reshape(Bsz, S, K),
        sel.reshape(Bsz, S, n_neurons),
    )

# --- scband reference (transcript-rebuilt; emitter-appended) ---
"""Pipeline reference for scband-neuron-router-22282290331738 (READ-ONLY COPY).

The authoritative reference and input builder live on the scoring server;
editing this copy changes nothing except your own understanding.
"""

import jax, jax.numpy as jnp
import numpy as np
import math

B, S, D = 1, 2048, 1024
H = 16
DH = D // H
N_NEURONS = 1024
K = 8


def setup_inputs(seed: int = 0) -> dict:
    key = jax.random.key(seed)
    ks = jax.random.split(key, 11)
    x = jax.random.normal(ks[0], (B, S, D), dtype=jnp.float32)
    neurons = jax.random.normal(ks[1], (N_NEURONS, D), dtype=jnp.float32) * 0.02
    s = 1.0 / math.sqrt(D)
    Wq = jax.random.uniform(ks[2], (D, D), minval=-s, maxval=s, dtype=jnp.float32)
    bq = jax.random.uniform(ks[3], (D,), minval=-s, maxval=s, dtype=jnp.float32)
    Wk = jax.random.uniform(ks[4], (D, D), minval=-s, maxval=s, dtype=jnp.float32)
    bk = jax.random.uniform(ks[5], (D,), minval=-s, maxval=s, dtype=jnp.float32)
    Wv = jax.random.uniform(ks[6], (D, D), minval=-s, maxval=s, dtype=jnp.float32)
    bv = jax.random.uniform(ks[7], (D,), minval=-s, maxval=s, dtype=jnp.float32)
    sp = 1.0 / math.sqrt(2 * D)
    Wp = jax.random.uniform(ks[8], (2 * D, 2), minval=-sp, maxval=sp, dtype=jnp.float32)
    bp = jax.random.uniform(ks[9], (2,), minval=-sp, maxval=sp, dtype=jnp.float32)
    return {"x": x, "neurons": neurons, "Wq": Wq, "bq": bq, "Wk": Wk, "bk": bk, "Wv": Wv, "bv": bv, "Wp": Wp, "bp": bp}


def reference(x, neurons, Wq, bq, Wk, bk, Wv, bv, Wp, bp):
    Bsz, Ssz, Dsz = x.shape
    dh = Dsz // H
    q = (x @ Wq + bq).reshape(Bsz, Ssz, H, dh).transpose(0, 2, 1, 3)
    k = (x @ Wk + bk).reshape(Bsz, Ssz, H, dh).transpose(0, 2, 1, 3)
    v = (x @ Wv + bv).reshape(Bsz, Ssz, H, dh).transpose(0, 2, 1, 3)
    attn = jnp.matmul(q, jnp.swapaxes(k, -2, -1)) / math.sqrt(dh)
    attn = jax.nn.softmax(attn, axis=-1)
    context = jnp.matmul(attn, v)
    context = context.transpose(0, 2, 1, 3).reshape(Bsz, Ssz, Dsz)
    token_scores = jnp.matmul(x, neurons.T)
    context_scores = jnp.matmul(context, neurons.T)
    combined = jnp.concatenate([x, context], axis=-1)
    weights = jax.nn.softmax(combined @ Wp + bp, axis=-1)
    scores = weights[:, :, 0:1] * token_scores + weights[:, :, 1:2] * context_scores
    topk_scores, topk_idx = jax.lax.top_k(scores, K)
    topk_weights = jax.nn.softmax(topk_scores, axis=-1)
    selected = neurons[topk_idx]
    output = jnp.sum(topk_weights[..., None] * selected, axis=2)
    onehot = jax.nn.one_hot(topk_idx, neurons.shape[0], dtype=x.dtype)
    selection_out = jnp.sum(onehot * topk_weights[..., None], axis=2)
    return (output, topk_idx, topk_weights, selection_out)

if __name__ == "__main__":
    import jax
    _d = setup_inputs()
    print(jax.jit(kernel)(*tuple(_d.values())))

</pallas_src>

<mosaic_0001>
#map = affine_map<(d0, d1) -> (0, 0)>
module attributes {stable_mosaic.version = 14 : i64} {
  func.func @k(%arg0: i32, %arg1: i32, %arg2: memref<1024x1024xf32, #tpu.memory_space<hbm>>, %arg3: memref<512x32xi32, #tpu.memory_space<hbm>>, %arg4: memref<16384x16xf32, #tpu.memory_space<hbm>>, %arg5: memref<2048x1024xf32, #tpu.memory_space<hbm>>, %arg6: memref<16x32xi32, #tpu.memory_space<vmem>>, %arg7: memref<32x16xf32, #tpu.memory_space<vmem>>, %arg8: memref<32x16xf32, #tpu.memory_space<vmem>>, %arg9: memref<32x1024xf32, #tpu.memory_space<vmem>>, %arg10: memref<32x1024xf32, #tpu.memory_space<vmem>>, %arg11: memref<4x1024xf32, #tpu.memory_space<vmem>>, %arg12: memref<!tpu.dma_semaphore, #tpu.memory_space<semaphore_mem>>, %arg13: memref<!tpu.dma_semaphore, #tpu.memory_space<semaphore_mem>>) attributes {dimension_semantics = [#tpu.dimension_semantics<core_parallel>, #tpu.dimension_semantics<subcore_parallel>], iteration_bounds = array<i64: 2, 16>, scalar_prefetch = 0 : i64, scratch_operands = 8 : i64, tpu.core_type = #tpu.core_type<sc_vector_subcore>, window_params = [{transform_indices = #map}, {transform_indices = #map}, {transform_indices = #map}, {transform_indices = #map}]} {
    %mul3A = arith.constant 2 : i32
    %mul3A_0 = arith.muli %arg1, %mul3A : i32
    %add3A = arith.addi %mul3A_0, %arg0 : i32
    %mul3A_1 = arith.constant 64 : i32
    %mul3A_2 = arith.muli %add3A, %mul3A_1 : i32
    %mul3A_3 = arith.constant 16 : i32
    %mul3A_4 = arith.muli %add3A, %mul3A_3 : i32
    "tpu.region"() ({
      %run_scoped3A = tpu.sem_alloc : memref<!tpu.dma_semaphore, #tpu.memory_space<semaphore_mem>>
      %dma_start3A_17 = arith.constant 0 : i32
      %dma_start3A_18 = tpu.memref_slice %arg3[%mul3A_4, %dma_start3A_17] : memref<512x32xi32, #tpu.memory_space<hbm>> -> memref<16x32xi32, #tpu.memory_space<hbm>>
      %dma_start3A_19 = arith.constant 0 : i32
      %dma_start3A_20 = tpu.memref_slice %arg3[%mul3A_4, %dma_start3A_19] : memref<512x32xi32, #tpu.memory_space<hbm>> -> memref<16x32xi32, #tpu.memory_space<hbm>>
      tpu.enqueue_dma source(%dma_start3A_20 : memref<16x32xi32, #tpu.memory_space<hbm>>) target(%arg6 : memref<16x32xi32, #tpu.memory_space<vmem>>) target_semaphore(%run_scoped3A : memref<!tpu.dma_semaphore, #tpu.memory_space<semaphore_mem>>)
      %dma_wait3A = arith.constant 0 : i32
      %dma_wait3A_21 = tpu.memref_slice %arg3[%mul3A_4, %dma_wait3A] : memref<512x32xi32, #tpu.memory_space<hbm>> -> memref<16x32xi32, #tpu.memory_space<hbm>>
      %dma_wait3A_22 = arith.constant 0 : i32
      %dma_wait3A_23 = tpu.memref_slice %arg3[%mul3A_4, %dma_wait3A_22] : memref<512x32xi32, #tpu.memory_space<hbm>> -> memref<16x32xi32, #tpu.memory_space<hbm>>
      tpu.wait_dma2 semaphore(%run_scoped3A : memref<!tpu.dma_semaphore, #tpu.memory_space<semaphore_mem>>) src(%dma_wait3A_23 : memref<16x32xi32, #tpu.memory_space<hbm>>) dst(%arg6 : memref<16x32xi32, #tpu.memory_space<vmem>>)
      tpu.yield
    }) : () -> ()
    %dma_start3A = arith.constant 0 : i32
    %dma_start3A_5 = arith.constant 0 : i32
    %dma_start3A_6 = tpu.memref_slice %arg6[%dma_start3A, %dma_start3A_5] : memref<16x32xi32, #tpu.memory_space<vmem>> -> memref<1x32xi32, #tpu.memory_space<vmem>>
    %dma_start3A_7 = tpu.memref_squeeze %dma_start3A_6 : memref<1x32xi32, #tpu.memory_space<vmem>> -> memref<32xi32, #tpu.memory_space<vmem>>
    %dma_start3A_8 = arith.constant 0 : i32
    %dma_start3A_9 = arith.constant 0 : i32
    %dma_start3A_10 = tpu.memref_slice %arg2[%dma_start3A_8, %dma_start3A_9] : memref<1024x1024xf32, #tpu.memory_space<hbm>> -> memref<1024x1024xf32, #tpu.memory_space<hbm>>
    tpu.enqueue_indirect_dma source(%dma_start3A_10 : memref<1024x1024xf32, #tpu.memory_space<hbm>>) target(%arg9 : memref<32x1024xf32, #tpu.memory_space<vmem>>) offsets(%dma_start3A_7 : memref<32xi32, #tpu.memory_space<vmem>>) semaphore(%arg12 : memref<!tpu.dma_semaphore, #tpu.memory_space<semaphore_mem>>)
    %mul3A_11 = arith.constant 8 : i32
    %mul3A_12 = arith.muli %mul3A_2, %mul3A_11 : i32
    "tpu.region"() ({
      %run_scoped3A = tpu.sem_alloc : memref<!tpu.dma_semaphore, #tpu.memory_space<semaphore_mem>>
      %dma_start3A_17 = arith.constant 0 : i32
      %dma_start3A_18 = tpu.memref_slice %arg4[%mul3A_12, %dma_start3A_17] : memref<16384x16xf32, #tpu.memory_space<hbm>> -> memref<32x16xf32, #tpu.memory_space<hbm>>
      %dma_start3A_19 = arith.constant 0 : i32
      %dma_start3A_20 = tpu.memref_slice %arg4[%mul3A_12, %dma_start3A_19] : memref<16384x16xf32, #tpu.memory_space<hbm>> -> memref<32x16xf32, #tpu.memory_space<hbm>>
      tpu.enqueue_dma source(%dma_start3A_20 : memref<32x16xf32, #tpu.memory_space<hbm>>) target(%arg7 : memref<32x16xf32, #tpu.memory_space<vmem>>) target_semaphore(%run_scoped3A : memref<!tpu.dma_semaphore, #tpu.memory_space<semaphore_mem>>)
      %dma_wait3A = arith.constant 0 : i32
      %dma_wait3A_21 = tpu.memref_slice %arg4[%mul3A_12, %dma_wait3A] : memref<16384x16xf32, #tpu.memory_space<hbm>> -> memref<32x16xf32, #tpu.memory_space<hbm>>
      %dma_wait3A_22 = arith.constant 0 : i32
      %dma_wait3A_23 = tpu.memref_slice %arg4[%mul3A_12, %dma_wait3A_22] : memref<16384x16xf32, #tpu.memory_space<hbm>> -> memref<32x16xf32, #tpu.memory_space<hbm>>
      tpu.wait_dma2 semaphore(%run_scoped3A : memref<!tpu.dma_semaphore, #tpu.memory_space<semaphore_mem>>) src(%dma_wait3A_23 : memref<32x16xf32, #tpu.memory_space<hbm>>) dst(%arg7 : memref<32x16xf32, #tpu.memory_space<vmem>>)
      tpu.yield
    }) : () -> ()
    %scan3A = arith.constant 0 : i32
    %scan3A_13 = arith.constant 8 : i32
    %scan3A_14 = arith.addi %scan3A, %scan3A_13 : i32
    %scan3A_15 = arith.constant 1 : i32
    scf.for %scan3A_17 = %scan3A to %scan3A_14 step %scan3A_15  : i32 {
      %mul3A_18 = arith.constant 2 : i32
      %mul3A_19 = arith.muli %mul3A_18, %scan3A_17 : i32
      %add3A_20 = arith.constant 1 : i32
      %add3A_21 = arith.addi %mul3A_19, %add3A_20 : i32
      %dma_start3A_22 = arith.constant 0 : i32
      %dma_start3A_23 = tpu.memref_slice %arg6[%add3A_21, %dma_start3A_22] : memref<16x32xi32, #tpu.memory_space<vmem>> -> memref<1x32xi32, #tpu.memory_space<vmem>>
      %dma_start3A_24 = tpu.memref_squeeze %dma_start3A_23 : memref<1x32xi32, #tpu.memory_space<vmem>> -> memref<32xi32, #tpu.memory_space<vmem>>
      %dma_start3A_25 = arith.constant 0 : i32
      %dma_start3A_26 = arith.constant 0 : i32
      %dma_start3A_27 = tpu.memref_slice %arg2[%dma_start3A_25, %dma_start3A_26] : memref<1024x1024xf32, #tpu.memory_space<hbm>> -> memref<1024x1024xf32, #tpu.memory_space<hbm>>
      tpu.enqueue_indirect_dma source(%dma_start3A_27 : memref<1024x1024xf32, #tpu.memory_space<hbm>>) target(%arg10 : memref<32x1024xf32, #tpu.memory_space<vmem>>) offsets(%dma_start3A_24 : memref<32xi32, #tpu.memory_space<vmem>>) semaphore(%arg13 : memref<!tpu.dma_semaphore, #tpu.memory_space<semaphore_mem>>)
      %add3A_28 = arith.constant 1 : i32
      %add3A_29 = arith.addi %mul3A_19, %add3A_28 : i32
      %mul3A_30 = arith.constant 4 : i32
      %mul3A_31 = arith.muli %add3A_29, %mul3A_30 : i32
      %add3A_32 = arith.addi %mul3A_2, %mul3A_31 : i32
      %mul3A_33 = arith.constant 8 : i32
      %mul3A_34 = arith.muli %add3A_32, %mul3A_33 : i32
      "tpu.region"() ({
        %run_scoped3A = tpu.sem_alloc : memref<!tpu.dma_semaphore, #tpu.memory_space<semaphore_mem>>
        %dma_start3A_402 = arith.constant 0 : i32
        %dma_start3A_403 = tpu.memref_slice %arg4[%mul3A_34, %dma_start3A_402] : memref<16384x16xf32, #tpu.memory_space<hbm>> -> memref<32x16xf32, #tpu.memory_space<hbm>>
        %dma_start3A_404 = arith.constant 0 : i32
        %dma_start3A_405 = tpu.memref_slice %arg4[%mul3A_34, %dma_start3A_404] : memref<16384x16xf32, #tpu.memory_space<hbm>> -> memref<32x16xf32, #tpu.memory_space<hbm>>
        tpu.enqueue_dma source(%dma_start3A_405 : memref<32x16xf32, #tpu.memory_space<hbm>>) target(%arg8 : memref<32x16xf32, #tpu.memory_space<vmem>>) target_semaphore(%run_scoped3A : memref<!tpu.dma_semaphore, #tpu.memory_space<semaphore_mem>>)
        %dma_wait3A_406 = arith.constant 0 : i32
        %dma_wait3A_407 = tpu.memref_slice %arg4[%mul3A_34, %dma_wait3A_406] : memref<16384x16xf32, #tpu.memory_space<hbm>> -> memref<32x16xf32, #tpu.memory_space<hbm>>
        %dma_wait3A_408 = arith.constant 0 : i32
        %dma_wait3A_409 = tpu.memref_slice %arg4[%mul3A_34, %dma_wait3A_408] : memref<16384x16xf32, #tpu.memory_space<hbm>> -> memref<32x16xf32, #tpu.memory_space<hbm>>
        tpu.wait_dma2 semaphore(%run_scoped3A : memref<!tpu.dma_semaphore, #tpu.memory_space<semaphore_mem>>) src(%dma_wait3A_409 : memref<32x16xf32, #tpu.memory_space<hbm>>) dst(%arg8 : memref<32x16xf32, #tpu.memory_space<vmem>>)
        tpu.yield
      }) : () -> ()
      %dma_wait3A = arith.constant 0 : i32
      %dma_wait3A_35 = tpu.memref_slice %arg6[%mul3A_19, %dma_wait3A] : memref<16x32xi32, #tpu.memory_space<vmem>> -> memref<1x32xi32, #tpu.memory_space<vmem>>
      %dma_wait3A_36 = tpu.memref_squeeze %dma_wait3A_35 : memref<1x32xi32, #tpu.memory_space<vmem>> -> memref<32xi32, #tpu.memory_space<vmem>>
      %dma_wait3A_37 = arith.constant 0 : i32
      %dma_wait3A_38 = arith.constant 0 : i32
      %dma_wait3A_39 = tpu.memref_slice %arg2[%dma_wait3A_37, %dma_wait3A_38] : memref<1024x1024xf32, #tpu.memory_space<hbm>> -> memref<1024x1024xf32, #tpu.memory_space<hbm>>
      tpu.wait_indirect_dma semaphore(%arg12 : memref<!tpu.dma_semaphore, #tpu.memory_space<semaphore_mem>>) src(%dma_wait3A_39 : memref<1024x1024xf32, #tpu.memory_space<hbm>>) dst(%arg9 : memref<32x1024xf32, #tpu.memory_space<vmem>>)
      %get3A = arith.constant 0 : i32
      %get3A_40 = arith.index_cast %get3A : i32 to index
      %get3A_41 = arith.constant 0 : index
      %get3A_42 = tpu.vector_load %arg7[%get3A_40, %get3A_41] {strides = array<i32>} : memref<32x16xf32, #tpu.memory_space<vmem>>, vector<1x16xf32>,
      %get3A_43 = vector.shape_cast %get3A_42 : vector<1x16xf32> to vector<16xf32>
      %get3A_44 = arith.constant 1 : i32
      %get3A_45 = arith.index_cast %get3A_44 : i32 to index
      %get3A_46 = arith.constant 0 : index
      %get3A_47 = tpu.vector_load %arg7[%get3A_45, %get3A_46] {strides = array<i32>} : memref<32x16xf32, #tpu.memory_space<vmem>>, vector<1x16xf32>,
      %get3A_48 = vector.shape_cast %get3A_47 : vector<1x16xf32> to vector<16xf32>
      %get3A_49 = arith.constant 2 : i32
      %get3A_50 = arith.index_cast %get3A_49 : i32 to index
      %get3A_51 = arith.constant 0 : index
      %get3A_52 = tpu.vector_load %arg7[%get3A_50, %get3A_51] {strides = array<i32>} : memref<32x16xf32, #tpu.memory_space<vmem>>, vector<1x16xf32>,
      %get3A_53 = vector.shape_cast %get3A_52 : vector<1x16xf32> to vector<16xf32>
      %get3A_54 = arith.constant 3 : i32
      %get3A_55 = arith.index_cast %get3A_54 : i32 to index
      %get3A_56 = arith.constant 0 : index
      %get3A_57 = tpu.vector_load %arg7[%get3A_55, %get3A_56] {strides = array<i32>} : memref<32x16xf32, #tpu.memory_space<vmem>>, vector<1x16xf32>,
      %get3A_58 = vector.shape_cast %get3A_57 : vector<1x16xf32> to vector<16xf32>
      %get3A_59 = arith.constant 4 : i32
      %get3A_60 = arith.index_cast %get3A_59 : i32 to index
      %get3A_61 = arith.constant 0 : index
      %get3A_62 = tpu.vector_load %arg7[%get3A_60, %get3A_61] {strides = array<i32>} : memref<32x16xf32, #tpu.memory_space<vmem>>, vector<1x16xf32>,
      %get3A_63 = vector.shape_cast %get3A_62 : vector<1x16xf32> to vector<16xf32>
      %get3A_64 = arith.constant 5 : i32
      %get3A_65 = arith.index_cast %get3A_64 : i32 to index
      %get3A_66 = arith.constant 0 : index
      %get3A_67 = tpu.vector_load %arg7[%get3A_65, %get3A_66] {strides = array<i32>} : memref<32x16xf32, #tpu.memory_space<vmem>>, vector<1x16xf32>,
      %get3A_68 = vector.shape_cast %get3A_67 : vector<1x16xf32> to vector<16xf32>
      %get3A_69 = arith.constant 6 : i32
      %get3A_70 = arith.index_cast %get3A_69 : i32 to index
      %get3A_71 = arith.constant 0 : index
      %get3A_72 = tpu.vector_load %arg7[%get3A_70, %get3A_71] {strides = array<i32>} : memref<32x16xf32, #tpu.memory_space<vmem>>, vector<1x16xf32>,
      %get3A_73 = vector.shape_cast %get3A_72 : vector<1x16xf32> to vector<16xf32>
      %get3A_74 = arith.constant 7 : i32
      %get3A_75 = arith.index_cast %get3A_74 : i32 to index
      %get3A_76 = arith.constant 0 : index
      %get3A_77 = tpu.vector_load %arg7[%get3A_75, %get3A_76] {strides = array<i32>} : memref<32x16xf32, #tpu.memory_space<vmem>>, vector<1x16xf32>,
      %get3A_78 = vector.shape_cast %get3A_77 : vector<1x16xf32> to vector<16xf32>
      %parallel_loop3A = arith.constant 0 : i32
      %parallel_loop3A_79 = arith.constant 64 : i32
      %parallel_loop3A_80 = arith.constant 1 : i32
      scf.for %parallel_loop3A_402 = %parallel_loop3A to %parallel_loop3A_79 step %parallel_loop3A_80  : i32 {
        %parallel_loop3A_403 = arith.constant 16 : i32
        %parallel_loop3A_404 = arith.muli %parallel_loop3A_402, %parallel_loop3A_403 : i32
        %parallel_loop3A_405 = tpu.assume_multiple %parallel_loop3A_404, 16 : i32
        %parallel_loop3A_406 = arith.constant 0 : i32
        %parallel_loop3A_407 = arith.index_cast %parallel_loop3A_406 : i32 to index
        %parallel_loop3A_408 = arith.index_cast %parallel_loop3A_405 : i32 to index
        %parallel_loop3A_409 = tpu.vector_load %arg9[%parallel_loop3A_407, %parallel_loop3A_408] {strides = array<i32>} : memref<32x1024xf32, #tpu.memory_space<vmem>>, vector<1x16xf32>,
        %parallel_loop3A_410 = vector.shape_cast %parallel_loop3A_409 : vector<1x16xf32> to vector<16xf32>
        %parallel_loop3A_411 = arith.mulf %get3A_43, %parallel_loop3A_410 : vector<16xf32>
        %parallel_loop3A_412 = arith.constant 1 : i32
        %parallel_loop3A_413 = arith.index_cast %parallel_loop3A_412 : i32 to index
        %parallel_loop3A_414 = arith.index_cast %parallel_loop3A_405 : i32 to index
        %parallel_loop3A_415 = tpu.vector_load %arg9[%parallel_loop3A_413, %parallel_loop3A_414] {strides = array<i32>} : memref<32x1024xf32, #tpu.memory_space<vmem>>, vector<1x16xf32>,
        %parallel_loop3A_416 = vector.shape_cast %parallel_loop3A_415 : vector<1x16xf32> to vector<16xf32>
        %parallel_loop3A_417 = arith.mulf %get3A_48, %parallel_loop3A_416 : vector<16xf32>
        %parallel_loop3A_418 = arith.constant 2 : i32
        %parallel_loop3A_419 = arith.index_cast %parallel_loop3A_418 : i32 to index
        %parallel_loop3A_420 = arith.index_cast %parallel_loop3A_405 : i32 to index
        %parallel_loop3A_421 = tpu.vector_load %arg9[%parallel_loop3A_419, %parallel_loop3A_420] {strides = array<i32>} : memref<32x1024xf32, #tpu.memory_space<vmem>>, vector<1x16xf32>,
        %parallel_loop3A_422 = vector.shape_cast %parallel_loop3A_421 : vector<1x16xf32> to vector<16xf32>
        %parallel_loop3A_423 = arith.mulf %get3A_53, %parallel_loop3A_422 : vector<16xf32>
        %parallel_loop3A_424 = arith.constant 3 : i32
        %parallel_loop3A_425 = arith.index_cast %parallel_loop3A_424 : i32 to index
        %parallel_loop3A_426 = arith.index_cast %parallel_loop3A_405 : i32 to index
        %parallel_loop3A_427 = tpu.vector_load %arg9[%parallel_loop3A_425, %parallel_loop3A_426] {strides = array<i32>} : memref<32x1024xf32, #tpu.memory_space<vmem>>, vector<1x16xf32>,
        %parallel_loop3A_428 = vector.shape_cast %parallel_loop3A_427 : vector<1x16xf32> to vector<16xf32>
        %parallel_loop3A_429 = arith.mulf %get3A_58, %parallel_loop3A_428 : vector<16xf32>
        %parallel_loop3A_430 = arith.constant 4 : i32
        %parallel_loop3A_431 = arith.index_cast %parallel_loop3A_430 : i32 to index
        %parallel_loop3A_432 = arith.index_cast %parallel_loop3A_405 : i32 to index
        %parallel_loop3A_433 = tpu.vector_load %arg9[%parallel_loop3A_431, %parallel_loop3A_432] {strides = array<i32>} : memref<32x1024xf32, #tpu.memory_space<vmem>>, vector<1x16xf32>,
        %parallel_loop3A_434 = vector.shape_cast %parallel_loop3A_433 : vector<1x16xf32> to vector<16xf32>
        %parallel_loop3A_435 = arith.mulf %get3A_63, %parallel_loop3A_434 : vector<16xf32>
        %parallel_loop3A_436 = arith.constant 5 : i32
        %parallel_loop3A_437 = arith.index_cast %parallel_loop3A_436 : i32 to index
        %parallel_loop3A_438 = arith.index_cast %parallel_loop3A_405 : i32 to index
        %parallel_loop3A_439 = tpu.vector_load %arg9[%parallel_loop3A_437, %parallel_loop3A_438] {strides = array<i32>} : memref<32x1024xf32, #tpu.memory_space<vmem>>, vector<1x16xf32>,
        %parallel_loop3A_440 = vector.shape_cast %parallel_loop3A_439 : vector<1x16xf32> to vector<16xf32>
        %parallel_loop3A_441 = arith.mulf %get3A_68, %parallel_loop3A_440 : vector<16xf32>
        %parallel_loop3A_442 = arith.constant 6 : i32
        %parallel_loop3A_443 = arith.index_cast %parallel_loop3A_442 : i32 to index
        %parallel_loop3A_444 = arith.index_cast %parallel_loop3A_405 : i32 to index
        %parallel_loop3A_445 = tpu.vector_load %arg9[%parallel_loop3A_443, %parallel_loop3A_444] {strides = array<i32>} : memref<32x1024xf32, #tpu.memory_space<vmem>>, vector<1x16xf32>,
        %parallel_loop3A_446 = vector.shape_cast %parallel_loop3A_445 : vector<1x16xf32> to vector<16xf32>
        %parallel_loop3A_447 = arith.mulf %get3A_73, %parallel_loop3A_446 : vector<16xf32>
        %parallel_loop3A_448 = arith.constant 7 : i32
        %parallel_loop3A_449 = arith.index_cast %parallel_loop3A_448 : i32 to index
        %parallel_loop3A_450 = arith.index_cast %parallel_loop3A_405 : i32 to index
        %parallel_loop3A_451 = tpu.vector_load %arg9[%parallel_loop3A_449, %parallel_loop3A_450] {strides = array<i32>} : memref<32x1024xf32, #tpu.memory_space<vmem>>, vector<1x16xf32>,
        %parallel_loop3A_452 = vector.shape_cast %parallel_loop3A_451 : vector<1x16xf32> to vector<16xf32>
        %parallel_loop3A_453 = arith.mulf %get3A_78, %parallel_loop3A_452 : vector<16xf32>
        %parallel_loop3A_454 = arith.addf %parallel_loop3A_411, %parallel_loop3A_417 : vector<16xf32>
        %parallel_loop3A_455 = arith.addf %parallel_loop3A_423, %parallel_loop3A_429 : vector<16xf32>
        %parallel_loop3A_456 = arith.addf %parallel_loop3A_435, %parallel_loop3A_441 : vector<16xf32>
        %parallel_loop3A_457 = arith.addf %parallel_loop3A_447, %parallel_loop3A_453 : vector<16xf32>
        %parallel_loop3A_458 = arith.addf %parallel_loop3A_454, %parallel_loop3A_455 : vector<16xf32>
        %parallel_loop3A_459 = arith.addf %parallel_loop3A_456, %parallel_loop3A_457 : vector<16xf32>
        %parallel_loop3A_460 = arith.addf %parallel_loop3A_458, %parallel_loop3A_459 : vector<16xf32>
        %parallel_loop3A_461 = arith.constant 0 : i32
        %parallel_loop3A_462 = arith.index_cast %parallel_loop3A_461 : i32 to index
        %parallel_loop3A_463 = arith.index_cast %parallel_loop3A_405 : i32 to index
        %parallel_loop3A_464 = tpu.vector_load %arg11[%parallel_loop3A_462, %parallel_loop3A_463] {strides = array<i32>} : memref<4x1024xf32, #tpu.memory_space<vmem>>, vector<1x16xf32>,
        %parallel_loop3A_465 = vector.shape_cast %parallel_loop3A_464 : vector<1x16xf32> to vector<16xf32>
        %parallel_loop3A_466 = vector.shape_cast %parallel_loop3A_460 : vector<16xf32> to vector<1x16xf32>
        tpu.vector_store %arg11[%parallel_loop3A_462, %parallel_loop3A_463], %parallel_loop3A_466 {strides = array<i32>} : memref<4x1024xf32, #tpu.memory_space<vmem>>, vector<1x16xf32>,
      } {sc.loop_unroll_factor = 4 : i64, sc.parallel_access}
      %get3A_81 = arith.constant 8 : i32
      %get3A_82 = arith.index_cast %get3A_81 : i32 to index
      %get3A_83 = arith.constant 0 : index
      %get3A_84 = tpu.vector_load %arg7[%get3A_82, %get3A_83] {strides = array<i32>} : memref<32x16xf32, #tpu.memory_space<vmem>>, vector<1x16xf32>,
      %get3A_85 = vector.shape_cast %get3A_84 : vector<1x16xf32> to vector<16xf32>
      %get3A_86 = arith.constant 9 : i32
      %get3A_87 = arith.index_cast %get3A_86 : i32 to index
      %get3A_88 = arith.constant 0 : index
      %get3A_89 = tpu.vector_load %arg7[%get3A_87, %get3A_88] {strides = array<i32>} : memref<32x16xf32, #tpu.memory_space<vmem>>, vector<1x16xf32>,
      %get3A_90 = vector.shape_cast %get3A_89 : vector<1x16xf32> to vector<16xf32>
      %get3A_91 = arith.constant 10 : i32
      %get3A_92 = arith.index_cast %get3A_91 : i32 to index
      %get3A_93 = arith.constant 0 : index
      %get3A_94 = tpu.vector_load %arg7[%get3A_92, %get3A_93] {strides = array<i32>} : memref<32x16xf32, #tpu.memory_space<vmem>>, vector<1x16xf32>,
      %get3A_95 = vector.shape_cast %get3A_94 : vector<1x16xf32> to vector<16xf32>
      %get3A_96 = arith.constant 11 : i32
      %get3A_97 = arith.index_cast %get3A_96 : i32 to index
      %get3A_98 = arith.constant 0 : index
      %get3A_99 = tpu.vector_load %arg7[%get3A_97, %get3A_98] {strides = array<i32>} : memref<32x16xf32, #tpu.memory_space<vmem>>, vector<1x16xf32>,
      %get3A_100 = vector.shape_cast %get3A_99 : vector<1x16xf32> to vector<16xf32>
      %get3A_101 = arith.constant 12 : i32
      %get3A_102 = arith.index_cast %get3A_101 : i32 to index
      %get3A_103 = arith.constant 0 : index
      %get3A_104 = tpu.vector_load %arg7[%get3A_102, %get3A_103] {strides = array<i32>} : memref<32x16xf32, #tpu.memory_space<vmem>>, vector<1x16xf32>,
      %get3A_105 = vector.shape_cast %get3A_104 : vector<1x16xf32> to vector<16xf32>
      %get3A_106 = arith.constant 13 : i32
      %get3A_107 = arith.index_cast %get3A_106 : i32 to index
      %get3A_108 = arith.constant 0 : index
      %get3A_109 = tpu.vector_load %arg7[%get3A_107, %get3A_108] {strides = array<i32>} : memref<32x16xf32, #tpu.memory_space<vmem>>, vector<1x16xf32>,
      %get3A_110 = vector.shape_cast %get3A_109 : vector<1x16xf32> to vector<16xf32>
      %get3A_111 = arith.constant 14 : i32
      %get3A_112 = arith.index_cast %get3A_111 : i32 to index
      %get3A_113 = arith.constant 0 : index
      %get3A_114 = tpu.vector_load %arg7[%get3A_112, %get3A_113] {strides = array<i32>} : memref<32x16xf32, #tpu.memory_space<vmem>>, vector<1x16xf32>,
      %get3A_115 = vector.shape_cast %get3A_114 : vector<1x16xf32> to vector<16xf32>
      %get3A_116 = arith.constant 15 : i32
      %get3A_117 = arith.index_cast %get3A_116 : i32 to index
      %get3A_118 = arith.constant 0 : index
      %get3A_119 = tpu.vector_load %arg7[%get3A_117, %get3A_118] {strides = array<i32>} : memref<32x16xf32, #tpu.memory_space<vmem>>, vector<1x16xf32>,
      %get3A_120 = vector.shape_cast %get3A_119 : vector<1x16xf32> to vector<16xf32>
      %parallel_loop3A_121 = arith.constant 0 : i32
      %parallel_loop3A_122 = arith.constant 64 : i32
      %parallel_loop3A_123 = arith.constant 1 : i32
      scf.for %parallel_loop3A_402 = %parallel_loop3A_121 to %parallel_loop3A_122 step %parallel_loop3A_123  : i32 {
        %parallel_loop3A_403 = arith.constant 16 : i32
        %parallel_loop3A_404 = arith.muli %parallel_loop3A_402, %parallel_loop3A_403 : i32
        %parallel_loop3A_405 = tpu.assume_multiple %parallel_loop3A_404, 16 : i32
        %parallel_loop3A_406 = arith.constant 8 : i32
        %parallel_loop3A_407 = arith.index_cast %parallel_loop3A_406 : i32 to index
        %parallel_loop3A_408 = arith.index_cast %parallel_loop3A_405 : i32 to index
        %parallel_loop3A_409 = tpu.vector_load %arg9[%parallel_loop3A_407, %parallel_loop3A_408] {strides = array<i32>} : memref<32x1024xf32, #tpu.memory_space<vmem>>, vector<1x16xf32>,
        %parallel_loop3A_410 = vector.shape_cast %parallel_loop3A_409 : vector<1x16xf32> to vector<16xf32>
        %parallel_loop3A_411 = arith.mulf %get3A_85, %parallel_loop3A_410 : vector<16xf32>
        %parallel_loop3A_412 = arith.constant 9 : i32
        %parallel_loop3A_413 = arith.index_cast %parallel_loop3A_412 : i32 to index
        %parallel_loop3A_414 = arith.index_cast %parallel_loop3A_405 : i32 to index
        %parallel_loop3A_415 = tpu.vector_load %arg9[%parallel_loop3A_413, %parallel_loop3A_414] {strides = array<i32>} : memref<32x1024xf32, #tpu.memory_space<vmem>>, vector<1x16xf32>,
        %parallel_loop3A_416 = vector.shape_cast %parallel_loop3A_415 : vector<1x16xf32> to vector<16xf32>
        %parallel_loop3A_417 = arith.mulf %get3A_90, %parallel_loop3A_416 : vector<16xf32>
        %parallel_loop3A_418 = arith.constant 10 : i32
        %parallel_loop3A_419 = arith.index_cast %parallel_loop3A_418 : i32 to index
        %parallel_loop3A_420 = arith.index_cast %parallel_loop3A_405 : i32 to index
        %parallel_loop3A_421 = tpu.vector_load %arg9[%parallel_loop3A_419, %parallel_loop3A_420] {strides = array<i32>} : memref<32x1024xf32, #tpu.memory_space<vmem>>, vector<1x16xf32>,
        %parallel_loop3A_422 = vector.shape_cast %parallel_loop3A_421 : vector<1x16xf32> to vector<16xf32>
        %parallel_loop3A_423 = arith.mulf %get3A_95, %parallel_loop3A_422 : vector<16xf32>
        %parallel_loop3A_424 = arith.constant 11 : i32
        %parallel_loop3A_425 = arith.index_cast %parallel_loop3A_424 : i32 to index
        %parallel_loop3A_426 = arith.index_cast %parallel_loop3A_405 : i32 to index
        %parallel_loop3A_427 = tpu.vector_load %arg9[%parallel_loop3A_425, %parallel_loop3A_426] {strides = array<i32>} : memref<32x1024xf32, #tpu.memory_space<vmem>>, vector<1x16xf32>,
        %parallel_loop3A_428 = vector.shape_cast %parallel_loop3A_427 : vector<1x16xf32> to vector<16xf32>
        %parallel_loop3A_429 = arith.mulf %get3A_100, %parallel_loop3A_428 : vector<16xf32>
        %parallel_loop3A_430 = arith.constant 12 : i32
        %parallel_loop3A_431 = arith.index_cast %parallel_loop3A_430 : i32 to index
        %parallel_loop3A_432 = arith.index_cast %parallel_loop3A_405 : i32 to index
        %parallel_loop3A_433 = tpu.vector_load %arg9[%parallel_loop3A_431, %parallel_loop3A_432] {strides = array<i32>} : memref<32x1024xf32, #tpu.memory_space<vmem>>, vector<1x16xf32>,
        %parallel_loop3A_434 = vector.shape_cast %parallel_loop3A_433 : vector<1x16xf32> to vector<16xf32>
        %parallel_loop3A_435 = arith.mulf %get3A_105, %parallel_loop3A_434 : vector<16xf32>
        %parallel_loop3A_436 = arith.constant 13 : i32
        %parallel_loop3A_437 = arith.index_cast %parallel_loop3A_436 : i32 to index
        %parallel_loop3A_438 = arith.index_cast %parallel_loop3A_405 : i32 to index
        %parallel_loop3A_439 = tpu.vector_load %arg9[%parallel_loop3A_437, %parallel_loop3A_438] {strides = array<i32>} : memref<32x1024xf32, #tpu.memory_space<vmem>>, vector<1x16xf32>,
        %parallel_loop3A_440 = vector.shape_cast %parallel_loop3A_439 : vector<1x16xf32> to vector<16xf32>
        %parallel_loop3A_441 = arith.mulf %get3A_110, %parallel_loop3A_440 : vector<16xf32>
        %parallel_loop3A_442 = arith.constant 14 : i32
        %parallel_loop3A_443 = arith.index_cast %parallel_loop3A_442 : i32 to index
        %parallel_loop3A_444 = arith.index_cast %parallel_loop3A_405 : i32 to index
        %parallel_loop3A_445 = tpu.vector_load %arg9[%parallel_loop3A_443, %parallel_loop3A_444] {strides = array<i32>} : memref<32x1024xf32, #tpu.memory_space<vmem>>, vector<1x16xf32>,
        %parallel_loop3A_446 = vector.shape_cast %parallel_loop3A_445 : vector<1x16xf32> to vector<16xf32>
        %parallel_loop3A_447 = arith.mulf %get3A_115, %parallel_loop3A_446 : vector<16xf32>
        %parallel_loop3A_448 = arith.constant 15 : i32
        %parallel_loop3A_449 = arith.index_cast %parallel_loop3A_448 : i32 to index
        %parallel_loop3A_450 = arith.index_cast %parallel_loop3A_405 : i32 to index
        %parallel_loop3A_451 = tpu.vector_load %arg9[%parallel_loop3A_449, %parallel_loop3A_450] {strides = array<i32>} : memref<32x1024xf32, #tpu.memory_space<vmem>>, vector<1x16xf32>,
        %parallel_loop3A_452 = vector.shape_cast %parallel_loop3A_451 : vector<1x16xf32> to vector<16xf32>
        %parallel_loop3A_453 = arith.mulf %get3A_120, %parallel_loop3A_452 : vector<16xf32>
        %parallel_loop3A_454 = arith.addf %parallel_loop3A_411, %parallel_loop3A_417 : vector<16xf32>
        %parallel_loop3A_455 = arith.addf %parallel_loop3A_423, %parallel_loop3A_429 : vector<16xf32>
        %parallel_loop3A_456 = arith.addf %parallel_loop3A_435, %parallel_loop3A_441 : vector<16xf32>
        %parallel_loop3A_457 = arith.addf %parallel_loop3A_447, %parallel_loop3A_453 : vector<16xf32>
        %parallel_loop3A_458 = arith.addf %parallel_loop3A_454, %parallel_loop3A_455 : vector<16xf32>
        %parallel_loop3A_459 = arith.addf %parallel_loop3A_456, %parallel_loop3A_457 : vector<16xf32>
        %parallel_loop3A_460 = arith.addf %parallel_loop3A_458, %parallel_loop3A_459 : vector<16xf32>
        %parallel_loop3A_461 = arith.constant 1 : i32
        %parallel_loop3A_462 = arith.index_cast %parallel_loop3A_461 : i32 to index
        %parallel_loop3A_463 = arith.index_cast %parallel_loop3A_405 : i32 to index
        %parallel_loop3A_464 = tpu.vector_load %arg11[%parallel_loop3A_462, %parallel_loop3A_463] {strides = array<i32>} : memref<4x1024xf32, #tpu.memory_space<vmem>>, vector<1x16xf32>,
        %parallel_loop3A_465 = vector.shape_cast %parallel_loop3A_464 : vector<1x16xf32> to vector<16xf32>
        %parallel_loop3A_466 = vector.shape_cast %parallel_loop3A_460 : vector<16xf32> to vector<1x16xf32>
        tpu.vector_store %arg11[%parallel_loop3A_462, %parallel_loop3A_463], %parallel_loop3A_466 {strides = array<i32>} : memref<4x1024xf32, #tpu.memory_space<vmem>>, vector<1x16xf32>,
      } {sc.loop_unroll_factor = 4 : i64, sc.parallel_access}
      %get3A_124 = arith.constant 16 : i32
      %get3A_125 = arith.index_cast %get3A_124 : i32 to index
      %get3A_126 = arith.constant 0 : index
      %get3A_127 = tpu.vector_load %arg7[%get3A_125, %get3A_126] {strides = array<i32>} : memref<32x16xf32, #tpu.memory_space<vmem>>, vector<1x16xf32>,
      %get3A_128 = vector.shape_cast %get3A_127 : vector<1x16xf32> to vector<16xf32>
      %get3A_129 = arith.constant 17 : i32
      %get3A_130 = arith.index_cast %get3A_129 : i32 to index
      %get3A_131 = arith.constant 0 : index
      %get3A_132 = tpu.vector_load %arg7[%get3A_130, %get3A_131] {strides = array<i32>} : memref<32x16xf32, #tpu.memory_space<vmem>>, vector<1x16xf32>,
      %get3A_133 = vector.shape_cast %get3A_132 : vector<1x16xf32> to vector<16xf32>
      %get3A_134 = arith.constant 18 : i32
      %get3A_135 = arith.index_cast %get3A_134 : i32 to index
      %get3A_136 = arith.constant 0 : index
      %get3A_137 = tpu.vector_load %arg7[%get3A_135, %get3A_136] {strides = array<i32>} : memref<32x16xf32, #tpu.memory_space<vmem>>, vector<1x16xf32>,
      %get3A_138 = vector.shape_cast %get3A_137 : vector<1x16xf32> to vector<16xf32>
      %get3A_139 = arith.constant 19 : i32
      %get3A_140 = arith.index_cast %get3A_139 : i32 to index
      %get3A_141 = arith.constant 0 : index
      %get3A_142 = tpu.vector_load %arg7[%get3A_140, %get3A_141] {strides = array<i32>} : memref<32x16xf32, #tpu.memory_space<vmem>>, vector<1x16xf32>,
      %get3A_143 = vector.shape_cast %get3A_142 : vector<1x16xf32> to vector<16xf32>
      %get3A_144 = arith.constant 20 : i32
      %get3A_145 = arith.index_cast %get3A_144 : i32 to index
      %get3A_146 = arith.constant 0 : index
      %get3A_147 = tpu.vector_load %arg7[%get3A_145, %get3A_146] {strides = array<i32>} : memref<32x16xf32, #tpu.memory_space<vmem>>, vector<1x16xf32>,
      %get3A_148 = vector.shape_cast %get3A_147 : vector<1x16xf32> to vector<16xf32>
      %get3A_149 = arith.constant 21 : i32
      %get3A_150 = arith.index_cast %get3A_149 : i32 to index
      %get3A_151 = arith.constant 0 : index
      %get3A_152 = tpu.vector_load %arg7[%get3A_150, %get3A_151] {strides = array<i32>} : memref<32x16xf32, #tpu.memory_space<vmem>>, vector<1x16xf32>,
      %get3A_153 = vector.shape_cast %get3A_152 : vector<1x16xf32> to vector<16xf32>
      %get3A_154 = arith.constant 22 : i32
      %get3A_155 = arith.index_cast %get3A_154 : i32 to index
      %get3A_156 = arith.constant 0 : index
      %get3A_157 = tpu.vector_load %arg7[%get3A_155, %get3A_156] {strides = array<i32>} : memref<32x16xf32, #tpu.memory_space<vmem>>, vector<1x16xf32>,
      %get3A_158 = vector.shape_cast %get3A_157 : vector<1x16xf32> to vector<16xf32>
      %get3A_159 = arith.constant 23 : i32
      %get3A_160 = arith.index_cast %get3A_159 : i32 to index
      %get3A_161 = arith.constant 0 : index
      %get3A_162 = tpu.vector_load %arg7[%get3A_160, %get3A_161] {strides = array<i32>} : memref<32x16xf32, #tpu.memory_space<vmem>>, vector<1x16xf32>,
      %get3A_163 = vector.shape_cast %get3A_162 : vector<1x16xf32> to vector<16xf32>
      %parallel_loop3A_164 = arith.constant 0 : i32
      %parallel_loop3A_165 = arith.constant 64 : i32
      %parallel_loop3A_166 = arith.constant 1 : i32
      scf.for %parallel_loop3A_402 = %parallel_loop3A_164 to %parallel_loop3A_165 step %parallel_loop3A_166  : i32 {
        %parallel_loop3A_403 = arith.constant 16 : i32
        %parallel_loop3A_404 = arith.muli %parallel_loop3A_402, %parallel_loop3A_403 : i32
        %parallel_loop3A_405 = tpu.assume_multiple %parallel_loop3A_404, 16 : i32
        %parallel_loop3A_406 = arith.constant 16 : i32
        %parallel_loop3A_407 = arith.index_cast %parallel_loop3A_406 : i32 to index
        %parallel_loop3A_408 = arith.index_cast %parallel_loop3A_405 : i32 to index
        %parallel_loop3A_409 = tpu.vector_load %arg9[%parallel_loop3A_407, %parallel_loop3A_408] {strides = array<i32>} : memref<32x1024xf32, #tpu.memory_space<vmem>>, vector<1x16xf32>,
        %parallel_loop3A_410 = vector.shape_cast %parallel_loop3A_409 : vector<1x16xf32> to vector<16xf32>
        %parallel_loop3A_411 = arith.mulf %get3A_128, %parallel_loop3A_410 : vector<16xf32>
        %parallel_loop3A_412 = arith.constant 17 : i32
        %parallel_loop3A_413 = arith.index_cast %parallel_loop3A_412 : i32 to index
        %parallel_loop3A_414 = arith.index_cast %parallel_loop3A_405 : i32 to index
        %parallel_loop3A_415 = tpu.vector_load %arg9[%parallel_loop3A_413, %parallel_loop3A_414] {strides = array<i32>} : memref<32x1024xf32, #tpu.memory_space<vmem>>, vector<1x16xf32>,
        %parallel_loop3A_416 = vector.shape_cast %parallel_loop3A_415 : vector<1x16xf32> to vector<16xf32>
        %parallel_loop3A_417 = arith.mulf %get3A_133, %parallel_loop3A_416 : vector<16xf32>
        %parallel_loop3A_418 = arith.constant 18 : i32
        %parallel_loop3A_419 = arith.index_cast %parallel_loop3A_418 : i32 to index
        %parallel_loop3A_420 = arith.index_cast %parallel_loop3A_405 : i32 to index
        %parallel_loop3A_421 = tpu.vector_load %arg9[%parallel_loop3A_419, %parallel_loop3A_420] {strides = array<i32>} : memref<32x1024xf32, #tpu.memory_space<vmem>>, vector<1x16xf32>,
        %parallel_loop3A_422 = vector.shape_cast %parallel_loop3A_421 : vector<1x16xf32> to vector<16xf32>
        %parallel_loop3A_423 = arith.mulf %get3A_138, %parallel_loop3A_422 : vector<16xf32>
        %parallel_loop3A_424 = arith.constant 19 : i32
        %parallel_loop3A_425 = arith.index_cast %parallel_loop3A_424 : i32 to index
        %parallel_loop3A_426 = arith.index_cast %parallel_loop3A_405 : i32 to index
        %parallel_loop3A_427 = tpu.vector_load %arg9[%parallel_loop3A_425, %parallel_loop3A_426] {strides = array<i32>} : memref<32x1024xf32, #tpu.memory_space<vmem>>, vector<1x16xf32>,
        %parallel_loop3A_428 = vector.shape_cast %parallel_loop3A_427 : vector<1x16xf32> to vector<16xf32>
        %parallel_loop3A_429 = arith.mulf %get3A_143, %parallel_loop3A_428 : vector<16xf32>
        %parallel_loop3A_430 = arith.constant 20 : i32
        %parallel_loop3A_431 = arith.index_cast %parallel_loop3A_430 : i32 to index
        %parallel_loop3A_432 = arith.index_cast %parallel_loop3A_405 : i32 to index
        %parallel_loop3A_433 = tpu.vector_load %arg9[%parallel_loop3A_431, %parallel_loop3A_432] {strides = array<i32>} : memref<32x1024xf32, #tpu.memory_space<vmem>>, vector<1x16xf32>,
        %parallel_loop3A_434 = vector.shape_cast %parallel_loop3A_433 : vector<1x16xf32> to vector<16xf32>
        %parallel_loop3A_435 = arith.mulf %get3A_148, %parallel_loop3A_434 : vector<16xf32>
        %parallel_loop3A_436 = arith.constant 21 : i32
        %parallel_loop3A_437 = arith.index_cast %parallel_loop3A_436 : i32 to index
        %parallel_loop3A_438 = arith.index_cast %parallel_loop3A_405 : i32 to index
        %parallel_loop3A_439 = tpu.vector_load %arg9[%parallel_loop3A_437, %parallel_loop3A_438] {strides = array<i32>} : memref<32x1024xf32, #tpu.memory_space<vmem>>, vector<1x16xf32>,
        %parallel_loop3A_440 = vector.shape_cast %parallel_loop3A_439 : vector<1x16xf32> to vector<16xf32>
        %parallel_loop3A_441 = arith.mulf %get3A_153, %parallel_loop3A_440 : vector<16xf32>
        %parallel_loop3A_442 = arith.constant 22 : i32
        %parallel_loop3A_443 = arith.index_cast %parallel_loop3A_442 : i32 to index
        %parallel_loop3A_444 = arith.index_cast %parallel_loop3A_405 : i32 to index
        %parallel_loop3A_445 = tpu.vector_load %arg9[%parallel_loop3A_443, %parallel_loop3A_444] {strides = array<i32>} : memref<32x1024xf32, #tpu.memory_space<vmem>>, vector<1x16xf32>,
        %parallel_loop3A_446 = vector.shape_cast %parallel_loop3A_445 : vector<1x16xf32> to vector<16xf32>
        %parallel_loop3A_447 = arith.mulf %get3A_158, %parallel_loop3A_446 : vector<16xf32>
        %parallel_loop3A_448 = arith.constant 23 : i32
        %parallel_loop3A_449 = arith.index_cast %parallel_loop3A_448 : i32 to index
        %parallel_loop3A_450 = arith.index_cast %parallel_loop3A_405 : i32 to index
        %parallel_loop3A_451 = tpu.vector_load %arg9[%parallel_loop3A_449, %parallel_loop3A_450] {strides = array<i32>} : memref<32x1024xf32, #tpu.memory_space<vmem>>, vector<1x16xf32>,
        %parallel_loop3A_452 = vector.shape_cast %parallel_loop3A_451 : vector<1x16xf32> to vector<16xf32>
        %parallel_loop3A_453 = arith.mulf %get3A_163, %parallel_loop3A_452 : vector<16xf32>
        %parallel_loop3A_454 = arith.addf %parallel_loop3A_411, %parallel_loop3A_417 : vector<16xf32>
        %parallel_loop3A_455 = arith.addf %parallel_loop3A_423, %parallel_loop3A_429 : vector<16xf32>
        %parallel_loop3A_456 = arith.addf %parallel_loop3A_435, %parallel_loop3A_441 : vector<16xf32>
        %parallel_loop3A_457 = arith.addf %parallel_loop3A_447, %parallel_loop3A_453 : vector<16xf32>
        %parallel_loop3A_458 = arith.addf %parallel_loop3A_454, %parallel_loop3A_455 : vector<16xf32>
        %parallel_loop3A_459 = arith.addf %parallel_loop3A_456, %parallel_loop3A_457 : vector<16xf32>
        %parallel_loop3A_460 = arith.addf %parallel_loop3A_458, %parallel_loop3A_459 : vector<16xf32>
        %parallel_loop3A_461 = arith.constant 2 : i32
        %parallel_loop3A_462 = arith.index_cast %parallel_loop3A_461 : i32 to index
        %parallel_loop3A_463 = arith.index_cast %parallel_loop3A_405 : i32 to index
        %parallel_loop3A_464 = tpu.vector_load %arg11[%parallel_loop3A_462, %parallel_loop3A_463] {strides = array<i32>} : memref<4x1024xf32, #tpu.memory_space<vmem>>, vector<1x16xf32>,
        %parallel_loop3A_465 = vector.shape_cast %parallel_loop3A_464 : vector<1x16xf32> to vector<16xf32>
        %parallel_loop3A_466 = vector.shape_cast %parallel_loop3A_460 : vector<16xf32> to vector<1x16xf32>
        tpu.vector_store %arg11[%parallel_loop3A_462, %parallel_loop3A_463], %parallel_loop3A_466 {strides = array<i32>} : memref<4x1024xf32, #tpu.memory_space<vmem>>, vector<1x16xf32>,
      } {sc.loop_unroll_factor = 4 : i64, sc.parallel_access}
      %get3A_167 = arith.constant 24 : i32
      %get3A_168 = arith.index_cast %get3A_167 : i32 to index
      %get3A_169 = arith.constant 0 : index
      %get3A_170 = tpu.vector_load %arg7[%get3A_168, %get3A_169] {strides = array<i32>} : memref<32x16xf32, #tpu.memory_space<vmem>>, vector<1x16xf32>,
      %get3A_171 = vector.shape_cast %get3A_170 : vector<1x16xf32> to vector<16xf32>
      %get3A_172 = arith.constant 25 : i32
      %get3A_173 = arith.index_cast %get3A_172 : i32 to index
      %get3A_174 = arith.constant 0 : index
      %get3A_175 = tpu.vector_load %arg7[%get3A_173, %get3A_174] {strides = array<i32>} : memref<32x16xf32, #tpu.memory_space<vmem>>, vector<1x16xf32>,
      %get3A_176 = vector.shape_cast %get3A_175 : vector<1x16xf32> to vector<16xf32>
      %get3A_177 = arith.constant 26 : i32
      %get3A_178 = arith.index_cast %get3A_177 : i32 to index
      %get3A_179 = arith.constant 0 : index
      %get3A_180 = tpu.vector_load %arg7[%get3A_178, %get3A_179] {strides = array<i32>} : memref<32x16xf32, #tpu.memory_space<vmem>>, vector<1x16xf32>,
      %get3A_181 = vector.shape_cast %get3A_180 : vector<1x16xf32> to vector<16xf32>
      %get3A_182 = arith.constant 27 : i32
      %get3A_183 = arith.index_cast %get3A_182 : i32 to index
      %get3A_184 = arith.constant 0 : index
      %get3A_185 = tpu.vector_load %arg7[%get3A_183, %get3A_184] {strides = array<i32>} : memref<32x16xf32, #tpu.memory_space<vmem>>, vector<1x16xf32>,
      %get3A_186 = vector.shape_cast %get3A_185 : vector<1x16xf32> to vector<16xf32>
      %get3A_187 = arith.constant 28 : i32
      %get3A_188 = arith.index_cast %get3A_187 : i32 to index
      %get3A_189 = arith.constant 0 : index
      %get3A_190 = tpu.vector_load %arg7[%get3A_188, %get3A_189] {strides = array<i32>} : memref<32x16xf32, #tpu.memory_space<vmem>>, vector<1x16xf32>,
      %get3A_191 = vector.shape_cast %get3A_190 : vector<1x16xf32> to vector<16xf32>
      %get3A_192 = arith.constant 29 : i32
      %get3A_193 = arith.index_cast %get3A_192 : i32 to index
      %get3A_194 = arith.constant 0 : index
      %get3A_195 = tpu.vector_load %arg7[%get3A_193, %get3A_194] {strides = array<i32>} : memref<32x16xf32, #tpu.memory_space<vmem>>, vector<1x16xf32>,
      %get3A_196 = vector.shape_cast %get3A_195 : vector<1x16xf32> to vector<16xf32>
      %get3A_197 = arith.constant 30 : i32
      %get3A_198 = arith.index_cast %get3A_197 : i32 to index
      %get3A_199 = arith.constant 0 : index
      %get3A_200 = tpu.vector_load %arg7[%get3A_198, %get3A_199] {strides = array<i32>} : memref<32x16xf32, #tpu.memory_space<vmem>>, vector<1x16xf32>,
      %get3A_201 = vector.shape_cast %get3A_200 : vector<1x16xf32> to vector<16xf32>
      %get3A_202 = arith.constant 31 : i32
      %get3A_203 = arith.index_cast %get3A_202 : i32 to index
      %get3A_204 = arith.constant 0 : index
      %get3A_205 = tpu.vector_load %arg7[%get3A_203, %get3A_204] {strides = array<i32>} : memref<32x16xf32, #tpu.memory_space<vmem>>, vector<1x16xf32>,
      %get3A_206 = vector.shape_cast %get3A_205 : vector<1x16xf32> to vector<16xf32>
      %parallel_loop3A_207 = arith.constant 0 : i32
      %parallel_loop3A_208 = arith.constant 64 : i32
      %parallel_loop3A_209 = arith.constant 1 : i32
      scf.for %parallel_loop3A_402 = %parallel_loop3A_207 to %parallel_loop3A_208 step %parallel_loop3A_209  : i32 {
        %parallel_loop3A_403 = arith.constant 16 : i32
        %parallel_loop3A_404 = arith.muli %parallel_loop3A_402, %parallel_loop3A_403 : i32
        %parallel_loop3A_405 = tpu.assume_multiple %parallel_loop3A_404, 16 : i32
        %parallel_loop3A_406 = arith.constant 24 : i32
        %parallel_loop3A_407 = arith.index_cast %parallel_loop3A_406 : i32 to index
        %parallel_loop3A_408 = arith.index_cast %parallel_loop3A_405 : i32 to index
        %parallel_loop3A_409 = tpu.vector_load %arg9[%parallel_loop3A_407, %parallel_loop3A_408] {strides = array<i32>} : memref<32x1024xf32, #tpu.memory_space<vmem>>, vector<1x16xf32>,
        %parallel_loop3A_410 = vector.shape_cast %parallel_loop3A_409 : vector<1x16xf32> to vector<16xf32>
        %parallel_loop3A_411 = arith.mulf %get3A_171, %parallel_loop3A_410 : vector<16xf32>
        %parallel_loop3A_412 = arith.constant 25 : i32
        %parallel_loop3A_413 = arith.index_cast %parallel_loop3A_412 : i32 to index
        %parallel_loop3A_414 = arith.index_cast %parallel_loop3A_405 : i32 to index
        %parallel_loop3A_415 = tpu.vector_load %arg9[%parallel_loop3A_413, %parallel_loop3A_414] {strides = array<i32>} : memref<32x1024xf32, #tpu.memory_space<vmem>>, vector<1x16xf32>,
        %parallel_loop3A_416 = vector.shape_cast %parallel_loop3A_415 : vector<1x16xf32> to vector<16xf32>
        %parallel_loop3A_417 = arith.mulf %get3A_176, %parallel_loop3A_416 : vector<16xf32>
        %parallel_loop3A_418 = arith.constant 26 : i32
        %parallel_loop3A_419 = arith.index_cast %parallel_loop3A_418 : i32 to index
        %parallel_loop3A_420 = arith.index_cast %parallel_loop3A_405 : i32 to index
        %parallel_loop3A_421 = tpu.vector_load %arg9[%parallel_loop3A_419, %parallel_loop3A_420] {strides = array<i32>} : memref<32x1024xf32, #tpu.memory_space<vmem>>, vector<1x16xf32>,
        %parallel_loop3A_422 = vector.shape_cast %parallel_loop3A_421 : vector<1x16xf32> to vector<16xf32>
        %parallel_loop3A_423 = arith.mulf %get3A_181, %parallel_loop3A_422 : vector<16xf32>
        %parallel_loop3A_424 = arith.constant 27 : i32
        %parallel_loop3A_425 = arith.index_cast %parallel_loop3A_424 : i32 to index
        %parallel_loop3A_426 = arith.index_cast %parallel_loop3A_405 : i32 to index
        %parallel_loop3A_427 = tpu.vector_load %arg9[%parallel_loop3A_425, %parallel_loop3A_426] {strides = array<i32>} : memref<32x1024xf32, #tpu.memory_space<vmem>>, vector<1x16xf32>,
        %parallel_loop3A_428 = vector.shape_cast %parallel_loop3A_427 : vector<1x16xf32> to vector<16xf32>
        %parallel_loop3A_429 = arith.mulf %get3A_186, %parallel_loop3A_428 : vector<16xf32>
        %parallel_loop3A_430 = arith.constant 28 : i32
        %parallel_loop3A_431 = arith.index_cast %parallel_loop3A_430 : i32 to index
        %parallel_loop3A_432 = arith.index_cast %parallel_loop3A_405 : i32 to index
        %parallel_loop3A_433 = tpu.vector_load %arg9[%parallel_loop3A_431, %parallel_loop3A_432] {strides = array<i32>} : memref<32x1024xf32, #tpu.memory_space<vmem>>, vector<1x16xf32>,
        %parallel_loop3A_434 = vector.shape_cast %parallel_loop3A_433 : vector<1x16xf32> to vector<16xf32>
        %parallel_loop3A_435 = arith.mulf %get3A_191, %parallel_loop3A_434 : vector<16xf32>
        %parallel_loop3A_436 = arith.constant 29 : i32
        %parallel_loop3A_437 = arith.index_cast %parallel_loop3A_436 : i32 to index
        %parallel_loop3A_438 = arith.index_cast %parallel_loop3A_405 : i32 to index
        %parallel_loop3A_439 = tpu.vector_load %arg9[%parallel_loop3A_437, %parallel_loop3A_438] {strides = array<i32>} : memref<32x1024xf32, #tpu.memory_space<vmem>>, vector<1x16xf32>,
        %parallel_loop3A_440 = vector.shape_cast %parallel_loop3A_439 : vector<1x16xf32> to vector<16xf32>
        %parallel_loop3A_441 = arith.mulf %get3A_196, %parallel_loop3A_440 : vector<16xf32>
        %parallel_loop3A_442 = arith.constant 30 : i32
        %parallel_loop3A_443 = arith.index_cast %parallel_loop3A_442 : i32 to index
        %parallel_loop3A_444 = arith.index_cast %parallel_loop3A_405 : i32 to index
        %parallel_loop3A_445 = tpu.vector_load %arg9[%parallel_loop3A_443, %parallel_loop3A_444] {strides = array<i32>} : memref<32x1024xf32, #tpu.memory_space<vmem>>, vector<1x16xf32>,
        %parallel_loop3A_446 = vector.shape_cast %parallel_loop3A_445 : vector<1x16xf32> to vector<16xf32>
        %parallel_loop3A_447 = arith.mulf %get3A_201, %parallel_loop3A_446 : vector<16xf32>
        %parallel_loop3A_448 = arith.constant 31 : i32
        %parallel_loop3A_449 = arith.index_cast %parallel_loop3A_448 : i32 to index
        %parallel_loop3A_450 = arith.index_cast %parallel_loop3A_405 : i32 to index
        %parallel_loop3A_451 = tpu.vector_load %arg9[%parallel_loop3A_449, %parallel_loop3A_450] {strides = array<i32>} : memref<32x1024xf32, #tpu.memory_space<vmem>>, vector<1x16xf32>,
        %parallel_loop3A_452 = vector.shape_cast %parallel_loop3A_451 : vector<1x16xf32> to vector<16xf32>
        %parallel_loop3A_453 = arith.mulf %get3A_206, %parallel_loop3A_452 : vector<16xf32>
        %parallel_loop3A_454 = arith.addf %parallel_loop3A_411, %parallel_loop3A_417 : vector<16xf32>
        %parallel_loop3A_455 = arith.addf %parallel_loop3A_423, %parallel_loop3A_429 : vector<16xf32>
        %parallel_loop3A_456 = arith.addf %parallel_loop3A_435, %parallel_loop3A_441 : vector<16xf32>
        %parallel_loop3A_457 = arith.addf %parallel_loop3A_447, %parallel_loop3A_453 : vector<16xf32>
        %parallel_loop3A_458 = arith.addf %parallel_loop3A_454, %parallel_loop3A_455 : vector<16xf32>
        %parallel_loop3A_459 = arith.addf %parallel_loop3A_456, %parallel_loop3A_457 : vector<16xf32>
        %parallel_loop3A_460 = arith.addf %parallel_loop3A_458, %parallel_loop3A_459 : vector<16xf32>
        %parallel_loop3A_461 = arith.constant 3 : i32
        %parallel_loop3A_462 = arith.index_cast %parallel_loop3A_461 : i32 to index
        %parallel_loop3A_463 = arith.index_cast %parallel_loop3A_405 : i32 to index
        %parallel_loop3A_464 = tpu.vector_load %arg11[%parallel_loop3A_462, %parallel_loop3A_463] {strides = array<i32>} : memref<4x1024xf32, #tpu.memory_space<vmem>>, vector<1x16xf32>,
        %parallel_loop3A_465 = vector.shape_cast %parallel_loop3A_464 : vector<1x16xf32> to vector<16xf32>
        %parallel_loop3A_466 = vector.shape_cast %parallel_loop3A_460 : vector<16xf32> to vector<1x16xf32>
        tpu.vector_store %arg11[%parallel_loop3A_462, %parallel_loop3A_463], %parallel_loop3A_466 {strides = array<i32>} : memref<4x1024xf32, #tpu.memory_space<vmem>>, vector<1x16xf32>,
      } {sc.loop_unroll_factor = 4 : i64, sc.parallel_access}
      %mul3A_210 = arith.constant 4 : i32
      %mul3A_211 = arith.muli %mul3A_19, %mul3A_210 : i32
      %add3A_212 = arith.addi %mul3A_2, %mul3A_211 : i32
      "tpu.region"() ({
        %run_scoped3A = tpu.sem_alloc : memref<!tpu.dma_semaphore, #tpu.memory_space<semaphore_mem>>
        %dma_start3A_402 = arith.constant 0 : i32
        %dma_start3A_403 = tpu.memref_slice %arg5[%add3A_212, %dma_start3A_402] : memref<2048x1024xf32, #tpu.memory_space<hbm>> -> memref<4x1024xf32, #tpu.memory_space<hbm>>
        %dma_start3A_404 = arith.constant 0 : i32
        %dma_start3A_405 = tpu.memref_slice %arg5[%add3A_212, %dma_start3A_404] : memref<2048x1024xf32, #tpu.memory_space<hbm>> -> memref<4x1024xf32, #tpu.memory_space<hbm>>
        tpu.enqueue_dma source(%arg11 : memref<4x1024xf32, #tpu.memory_space<vmem>>) target(%dma_start3A_405 : memref<4x1024xf32, #tpu.memory_space<hbm>>) target_semaphore(%run_scoped3A : memref<!tpu.dma_semaphore, #tpu.memory_space<semaphore_mem>>)
        %dma_wait3A_406 = arith.constant 0 : i32
        %dma_wait3A_407 = tpu.memref_slice %arg5[%add3A_212, %dma_wait3A_406] : memref<2048x1024xf32, #tpu.memory_space<hbm>> -> memref<4x1024xf32, #tpu.memory_space<hbm>>
        %dma_wait3A_408 = arith.constant 0 : i32
        %dma_wait3A_409 = tpu.memref_slice %arg5[%add3A_212, %dma_wait3A_408] : memref<2048x1024xf32, #tpu.memory_space<hbm>> -> memref<4x1024xf32, #tpu.memory_space<hbm>>
        tpu.wait_dma2 semaphore(%run_scoped3A : memref<!tpu.dma_semaphore, #tpu.memory_space<semaphore_mem>>) src(%arg11 : memref<4x1024xf32, #tpu.memory_space<vmem>>) dst(%dma_wait3A_409 : memref<4x1024xf32, #tpu.memory_space<hbm>>)
        tpu.yield
      }) : () -> ()
      %add3A_213 = arith.constant 2 : i32
      %add3A_214 = arith.addi %mul3A_19, %add3A_213 : i32
      %lt3A = arith.constant 16 : i32
      %lt3A_215 = arith.cmpi slt, %add3A_214, %lt3A : i32
      %convert_element_type3A = arith.extui %lt3A_215 : i1 to i32
      %cond3A = arith.constant 0 : i32
      %cond3A_216 = arith.cmpi ne, %convert_element_type3A, %cond3A : i32
      scf.if %cond3A_216 {
        %add3A_402 = arith.constant 2 : i32
        %add3A_403 = arith.addi %mul3A_19, %add3A_402 : i32
        %dma_start3A_404 = arith.constant 0 : i32
        %dma_start3A_405 = tpu.memref_slice %arg6[%add3A_403, %dma_start3A_404] : memref<16x32xi32, #tpu.memory_space<vmem>> -> memref<1x32xi32, #tpu.memory_space<vmem>>
        %dma_start3A_406 = tpu.memref_squeeze %dma_start3A_405 : memref<1x32xi32, #tpu.memory_space<vmem>> -> memref<32xi32, #tpu.memory_space<vmem>>
        %dma_start3A_407 = arith.constant 0 : i32
        %dma_start3A_408 = arith.constant 0 : i32
        %dma_start3A_409 = tpu.memref_slice %arg2[%dma_start3A_407, %dma_start3A_408] : memref<1024x1024xf32, #tpu.memory_space<hbm>> -> memref<1024x1024xf32, #tpu.memory_space<hbm>>
        tpu.enqueue_indirect_dma source(%dma_start3A_409 : memref<1024x1024xf32, #tpu.memory_space<hbm>>) target(%arg9 : memref<32x1024xf32, #tpu.memory_space<vmem>>) offsets(%dma_start3A_406 : memref<32xi32, #tpu.memory_space<vmem>>) semaphore(%arg12 : memref<!tpu.dma_semaphore, #tpu.memory_space<semaphore_mem>>)
        %add3A_410 = arith.constant 2 : i32
        %add3A_411 = arith.addi %mul3A_19, %add3A_410 : i32
        %mul3A_412 = arith.constant 4 : i32
        %mul3A_413 = arith.muli %add3A_411, %mul3A_412 : i32
        %add3A_414 = arith.addi %mul3A_2, %mul3A_413 : i32
        %mul3A_415 = arith.constant 8 : i32
        %mul3A_416 = arith.muli %add3A_414, %mul3A_415 : i32
        "tpu.region"() ({
          %run_scoped3A = tpu.sem_alloc : memref<!tpu.dma_semaphore, #tpu.memory_space<semaphore_mem>>
          %dma_start3A_417 = arith.constant 0 : i32
          %dma_start3A_418 = tpu.memref_slice %arg4[%mul3A_416, %dma_start3A_417] : memref<16384x16xf32, #tpu.memory_space<hbm>> -> memref<32x16xf32, #tpu.memory_space<hbm>>
          %dma_start3A_419 = arith.constant 0 : i32
          %dma_start3A_420 = tpu.memref_slice %arg4[%mul3A_416, %dma_start3A_419] : memref<16384x16xf32, #tpu.memory_space<hbm>> -> memref<32x16xf32, #tpu.memory_space<hbm>>
          tpu.enqueue_dma source(%dma_start3A_420 : memref<32x16xf32, #tpu.memory_space<hbm>>) target(%arg7 : memref<32x16xf32, #tpu.memory_space<vmem>>) target_semaphore(%run_scoped3A : memref<!tpu.dma_semaphore, #tpu.memory_space<semaphore_mem>>)
          %dma_wait3A_421 = arith.constant 0 : i32
          %dma_wait3A_422 = tpu.memref_slice %arg4[%mul3A_416, %dma_wait3A_421] : memref<16384x16xf32, #tpu.memory_space<hbm>> -> memref<32x16xf32, #tpu.memory_space<hbm>>
          %dma_wait3A_423 = arith.constant 0 : i32
          %dma_wait3A_424 = tpu.memref_slice %arg4[%mul3A_416, %dma_wait3A_423] : memref<16384x16xf32, #tpu.memory_space<hbm>> -> memref<32x16xf32, #tpu.memory_space<hbm>>
          tpu.wait_dma2 semaphore(%run_scoped3A : memref<!tpu.dma_semaphore, #tpu.memory_space<semaphore_mem>>) src(%dma_wait3A_424 : memref<32x16xf32, #tpu.memory_space<hbm>>) dst(%arg7 : memref<32x16xf32, #tpu.memory_space<vmem>>)
          tpu.yield
        }) : () -> ()
      } else {
      }
      %add3A_217 = arith.constant 1 : i32
      %add3A_218 = arith.addi %mul3A_19, %add3A_217 : i32
      %dma_wait3A_219 = arith.constant 0 : i32
      %dma_wait3A_220 = tpu.memref_slice %arg6[%add3A_218, %dma_wait3A_219] : memref<16x32xi32, #tpu.memory_space<vmem>> -> memref<1x32xi32, #tpu.memory_space<vmem>>
      %dma_wait3A_221 = tpu.memref_squeeze %dma_wait3A_220 : memref<1x32xi32, #tpu.memory_space<vmem>> -> memref<32xi32, #tpu.memory_space<vmem>>
      %dma_wait3A_222 = arith.constant 0 : i32
      %dma_wait3A_223 = arith.constant 0 : i32
      %dma_wait3A_224 = tpu.memref_slice %arg2[%dma_wait3A_222, %dma_wait3A_223] : memref<1024x1024xf32, #tpu.memory_space<hbm>> -> memref<1024x1024xf32, #tpu.memory_space<hbm>>
      tpu.wait_indirect_dma semaphore(%arg13 : memref<!tpu.dma_semaphore, #tpu.memory_space<semaphore_mem>>) src(%dma_wait3A_224 : memref<1024x1024xf32, #tpu.memory_space<hbm>>) dst(%arg10 : memref<32x1024xf32, #tpu.memory_space<vmem>>)
      %add3A_225 = arith.constant 1 : i32
      %add3A_226 = arith.addi %mul3A_19, %add3A_225 : i32
      %get3A_227 = arith.constant 0 : i32
      %get3A_228 = arith.index_cast %get3A_227 : i32 to index
      %get3A_229 = arith.constant 0 : index
      %get3A_230 = tpu.vector_load %arg8[%get3A_228, %get3A_229] {strides = array<i32>} : memref<32x16xf32, #tpu.memory_space<vmem>>, vector<1x16xf32>,
      %get3A_231 = vector.shape_cast %get3A_230 : vector<1x16xf32> to vector<16xf32>
      %get3A_232 = arith.constant 1 : i32
      %get3A_233 = arith.index_cast %get3A_232 : i32 to index
      %get3A_234 = arith.constant 0 : index
      %get3A_235 = tpu.vector_load %arg8[%get3A_233, %get3A_234] {strides = array<i32>} : memref<32x16xf32, #tpu.memory_space<vmem>>, vector<1x16xf32>,
      %get3A_236 = vector.shape_cast %get3A_235 : vector<1x16xf32> to vector<16xf32>
      %get3A_237 = arith.constant 2 : i32
      %get3A_238 = arith.index_cast %get3A_237 : i32 to index
      %get3A_239 = arith.constant 0 : index
      %get3A_240 = tpu.vector_load %arg8[%get3A_238, %get3A_239] {strides = array<i32>} : memref<32x16xf32, #tpu.memory_space<vmem>>, vector<1x16xf32>,
      %get3A_241 = vector.shape_cast %get3A_240 : vector<1x16xf32> to vector<16xf32>
      %get3A_242 = arith.constant 3 : i32
      %get3A_243 = arith.index_cast %get3A_242 : i32 to index
      %get3A_244 = arith.constant 0 : index
      %get3A_245 = tpu.vector_load %arg8[%get3A_243, %get3A_244] {strides = array<i32>} : memref<32x16xf32, #tpu.memory_space<vmem>>, vector<1x16xf32>,
      %get3A_246 = vector.shape_cast %get3A_245 : vector<1x16xf32> to vector<16xf32>
      %get3A_247 = arith.constant 4 : i32
      %get3A_248 = arith.index_cast %get3A_247 : i32 to index
      %get3A_249 = arith.constant 0 : index
      %get3A_250 = tpu.vector_load %arg8[%get3A_248, %get3A_249] {strides = array<i32>} : memref<32x16xf32, #tpu.memory_space<vmem>>, vector<1x16xf32>,
      %get3A_251 = vector.shape_cast %get3A_250 : vector<1x16xf32> to vector<16xf32>
      %get3A_252 = arith.constant 5 : i32
      %get3A_253 = arith.index_cast %get3A_252 : i32 to index
      %get3A_254 = arith.constant 0 : index
      %get3A_255 = tpu.vector_load %arg8[%get3A_253, %get3A_254] {strides = array<i32>} : memref<32x16xf32, #tpu.memory_space<vmem>>, vector<1x16xf32>,
      %get3A_256 = vector.shape_cast %get3A_255 : vector<1x16xf32> to vector<16xf32>
      %get3A_257 = arith.constant 6 : i32
      %get3A_258 = arith.index_cast %get3A_257 : i32 to index
      %get3A_259 = arith.constant 0 : index
      %get3A_260 = tpu.vector_load %arg8[%get3A_258, %get3A_259] {strides = array<i32>} : memref<32x16xf32, #tpu.memory_space<vmem>>, vector<1x16xf32>,
      %get3A_261 = vector.shape_cast %get3A_260 : vector<1x16xf32> to vector<16xf32>
      %get3A_262 = arith.constant 7 : i32
      %get3A_263 = arith.index_cast %get3A_262 : i32 to index
      %get3A_264 = arith.constant 0 : index
      %get3A_265 = tpu.vector_load %arg8[%get3A_263, %get3A_264] {strides = array<i32>} : memref<32x16xf32, #tpu.memory_space<vmem>>, vector<1x16xf32>,
      %get3A_266 = vector.shape_cast %get3A_265 : vector<1x16xf32> to vector<16xf32>
      %parallel_loop3A_267 = arith.constant 0 : i32
      %parallel_loop3A_268 = arith.constant 64 : i32
      %parallel_loop3A_269 = arith.constant 1 : i32
      scf.for %parallel_loop3A_402 = %parallel_loop3A_267 to %parallel_loop3A_268 step %parallel_loop3A_269  : i32 {
        %parallel_loop3A_403 = arith.constant 16 : i32
        %parallel_loop3A_404 = arith.muli %parallel_loop3A_402, %parallel_loop3A_403 : i32
        %parallel_loop3A_405 = tpu.assume_multiple %parallel_loop3A_404, 16 : i32
        %parallel_loop3A_406 = arith.constant 0 : i32
        %parallel_loop3A_407 = arith.index_cast %parallel_loop3A_406 : i32 to index
        %parallel_loop3A_408 = arith.index_cast %parallel_loop3A_405 : i32 to index
        %parallel_loop3A_409 = tpu.vector_load %arg10[%parallel_loop3A_407, %parallel_loop3A_408] {strides = array<i32>} : memref<32x1024xf32, #tpu.memory_space<vmem>>, vector<1x16xf32>,
        %parallel_loop3A_410 = vector.shape_cast %parallel_loop3A_409 : vector<1x16xf32> to vector<16xf32>
        %parallel_loop3A_411 = arith.mulf %get3A_231, %parallel_loop3A_410 : vector<16xf32>
        %parallel_loop3A_412 = arith.constant 1 : i32
        %parallel_loop3A_413 = arith.index_cast %parallel_loop3A_412 : i32 to index
        %parallel_loop3A_414 = arith.index_cast %parallel_loop3A_405 : i32 to index
        %parallel_loop3A_415 = tpu.vector_load %arg10[%parallel_loop3A_413, %parallel_loop3A_414] {strides = array<i32>} : memref<32x1024xf32, #tpu.memory_space<vmem>>, vector<1x16xf32>,
        %parallel_loop3A_416 = vector.shape_cast %parallel_loop3A_415 : vector<1x16xf32> to vector<16xf32>
        %parallel_loop3A_417 = arith.mulf %get3A_236, %parallel_loop3A_416 : vector<16xf32>
        %parallel_loop3A_418 = arith.constant 2 : i32
        %parallel_loop3A_419 = arith.index_cast %parallel_loop3A_418 : i32 to index
        %parallel_loop3A_420 = arith.index_cast %parallel_loop3A_405 : i32 to index
        %parallel_loop3A_421 = tpu.vector_load %arg10[%parallel_loop3A_419, %parallel_loop3A_420] {strides = array<i32>} : memref<32x1024xf32, #tpu.memory_space<vmem>>, vector<1x16xf32>,
        %parallel_loop3A_422 = vector.shape_cast %parallel_loop3A_421 : vector<1x16xf32> to vector<16xf32>
        %parallel_loop3A_423 = arith.mulf %get3A_241, %parallel_loop3A_422 : vector<16xf32>
        %parallel_loop3A_424 = arith.constant 3 : i32
        %parallel_loop3A_425 = arith.index_cast %parallel_loop3A_424 : i32 to index
        %parallel_loop3A_426 = arith.index_cast %parallel_loop3A_405 : i32 to index
        %parallel_loop3A_427 = tpu.vector_load %arg10[%parallel_loop3A_425, %parallel_loop3A_426] {strides = array<i32>} : memref<32x1024xf32, #tpu.memory_space<vmem>>, vector<1x16xf32>,
        %parallel_loop3A_428 = vector.shape_cast %parallel_loop3A_427 : vector<1x16xf32> to vector<16xf32>
        %parallel_loop3A_429 = arith.mulf %get3A_246, %parallel_loop3A_428 : vector<16xf32>
        %parallel_loop3A_430 = arith.constant 4 : i32
        %parallel_loop3A_431 = arith.index_cast %parallel_loop3A_430 : i32 to index
        %parallel_loop3A_432 = arith.index_cast %parallel_loop3A_405 : i32 to index
        %parallel_loop3A_433 = tpu.vector_load %arg10[%parallel_loop3A_431, %parallel_loop3A_432] {strides = array<i32>} : memref<32x1024xf32, #tpu.memory_space<vmem>>, vector<1x16xf32>,
        %parallel_loop3A_434 = vector.shape_cast %parallel_loop3A_433 : vector<1x16xf32> to vector<16xf32>
        %parallel_loop3A_435 = arith.mulf %get3A_251, %parallel_loop3A_434 : vector<16xf32>
        %parallel_loop3A_436 = arith.constant 5 : i32
        %parallel_loop3A_437 = arith.index_cast %parallel_loop3A_436 : i32 to index
        %parallel_loop3A_438 = arith.index_cast %parallel_loop3A_405 : i32 to index
        %parallel_loop3A_439 = tpu.vector_load %arg10[%parallel_loop3A_437, %parallel_loop3A_438] {strides = array<i32>} : memref<32x1024xf32, #tpu.memory_space<vmem>>, vector<1x16xf32>,
        %parallel_loop3A_440 = vector.shape_cast %parallel_loop3A_439 : vector<1x16xf32> to vector<16xf32>
        %parallel_loop3A_441 = arith.mulf %get3A_256, %parallel_loop3A_440 : vector<16xf32>
        %parallel_loop3A_442 = arith.constant 6 : i32
        %parallel_loop3A_443 = arith.index_cast %parallel_loop3A_442 : i32 to index
        %parallel_loop3A_444 = arith.index_cast %parallel_loop3A_405 : i32 to index
        %parallel_loop3A_445 = tpu.vector_load %arg10[%parallel_loop3A_443, %parallel_loop3A_444] {strides = array<i32>} : memref<32x1024xf32, #tpu.memory_space<vmem>>, vector<1x16xf32>,
        %parallel_loop3A_446 = vector.shape_cast %parallel_loop3A_445 : vector<1x16xf32> to vector<16xf32>
        %parallel_loop3A_447 = arith.mulf %get3A_261, %parallel_loop3A_446 : vector<16xf32>
        %parallel_loop3A_448 = arith.constant 7 : i32
        %parallel_loop3A_449 = arith.index_cast %parallel_loop3A_448 : i32 to index
        %parallel_loop3A_450 = arith.index_cast %parallel_loop3A_405 : i32 to index
        %parallel_loop3A_451 = tpu.vector_load %arg10[%parallel_loop3A_449, %parallel_loop3A_450] {strides = array<i32>} : memref<32x1024xf32, #tpu.memory_space<vmem>>, vector<1x16xf32>,
        %parallel_loop3A_452 = vector.shape_cast %parallel_loop3A_451 : vector<1x16xf32> to vector<16xf32>
        %parallel_loop3A_453 = arith.mulf %get3A_266, %parallel_loop3A_452 : vector<16xf32>
        %parallel_loop3A_454 = arith.addf %parallel_loop3A_411, %parallel_loop3A_417 : vector<16xf32>
        %parallel_loop3A_455 = arith.addf %parallel_loop3A_423, %parallel_loop3A_429 : vector<16xf32>
        %parallel_loop3A_456 = arith.addf %parallel_loop3A_435, %parallel_loop3A_441 : vector<16xf32>
        %parallel_loop3A_457 = arith.addf %parallel_loop3A_447, %parallel_loop3A_453 : vector<16xf32>
        %parallel_loop3A_458 = arith.addf %parallel_loop3A_454, %parallel_loop3A_455 : vector<16xf32>
        %parallel_loop3A_459 = arith.addf %parallel_loop3A_456, %parallel_loop3A_457 : vector<16xf32>
        %parallel_loop3A_460 = arith.addf %parallel_loop3A_458, %parallel_loop3A_459 : vector<16xf32>
        %parallel_loop3A_461 = arith.constant 0 : i32
        %parallel_loop3A_462 = arith.index_cast %parallel_loop3A_461 : i32 to index
        %parallel_loop3A_463 = arith.index_cast %parallel_loop3A_405 : i32 to index
        %parallel_loop3A_464 = tpu.vector_load %arg11[%parallel_loop3A_462, %parallel_loop3A_463] {strides = array<i32>} : memref<4x1024xf32, #tpu.memory_space<vmem>>, vector<1x16xf32>,
        %parallel_loop3A_465 = vector.shape_cast %parallel_loop3A_464 : vector<1x16xf32> to vector<16xf32>
        %parallel_loop3A_466 = vector.shape_cast %parallel_loop3A_460 : vector<16xf32> to vector<1x16xf32>
        tpu.vector_store %arg11[%parallel_loop3A_462, %parallel_loop3A_463], %parallel_loop3A_466 {strides = array<i32>} : memref<4x1024xf32, #tpu.memory_space<vmem>>, vector<1x16xf32>,
      } {sc.loop_unroll_factor = 4 : i64, sc.parallel_access}
      %get3A_270 = arith.constant 8 : i32
      %get3A_271 = arith.index_cast %get3A_270 : i32 to index
      %get3A_272 = arith.constant 0 : index
      %get3A_273 = tpu.vector_load %arg8[%get3A_271, %get3A_272] {strides = array<i32>} : memref<32x16xf32, #tpu.memory_space<vmem>>, vector<1x16xf32>,
      %get3A_274 = vector.shape_cast %get3A_273 : vector<1x16xf32> to vector<16xf32>
      %get3A_275 = arith.constant 9 : i32
      %get3A_276 = arith.index_cast %get3A_275 : i32 to index
      %get3A_277 = arith.constant 0 : index
      %get3A_278 = tpu.vector_load %arg8[%get3A_276, %get3A_277] {strides = array<i32>} : memref<32x16xf32, #tpu.memory_space<vmem>>, vector<1x16xf32>,
      %get3A_279 = vector.shape_cast %get3A_278 : vector<1x16xf32> to vector<16xf32>
      %get3A_280 = arith.constant 10 : i32
      %get3A_281 = arith.index_cast %get3A_280 : i32 to index
      %get3A_282 = arith.constant 0 : index
      %get3A_283 = tpu.vector_load %arg8[%get3A_281, %get3A_282] {strides = array<i32>} : memref<32x16xf32, #tpu.memory_space<vmem>>, vector<1x16xf32>,
      %get3A_284 = vector.shape_cast %get3A_283 : vector<1x16xf32> to vector<16xf32>
      %get3A_285 = arith.constant 11 : i32
      %get3A_286 = arith.index_cast %get3A_285 : i32 to index
      %get3A_287 = arith.constant 0 : index
      %get3A_288 = tpu.vector_load %arg8[%get3A_286, %get3A_287] {strides = array<i32>} : memref<32x16xf32, #tpu.memory_space<vmem>>, vector<1x16xf32>,
      %get3A_289 = vector.shape_cast %get3A_288 : vector<1x16xf32> to vector<16xf32>
      %get3A_290 = arith.constant 12 : i32
      %get3A_291 = arith.index_cast %get3A_290 : i32 to index
      %get3A_292 = arith.constant 0 : index
      %get3A_293 = tpu.vector_load %arg8[%get3A_291, %get3A_292] {strides = array<i32>} : memref<32x16xf32, #tpu.memory_space<vmem>>, vector<1x16xf32>,
      %get3A_294 = vector.shape_cast %get3A_293 : vector<1x16xf32> to vector<16xf32>
      %get3A_295 = arith.constant 13 : i32
      %get3A_296 = arith.index_cast %get3A_295 : i32 to index
      %get3A_297 = arith.constant 0 : index
      %get3A_298 = tpu.vector_load %arg8[%get3A_296, %get3A_297] {strides = array<i32>} : memref<32x16xf32, #tpu.memory_space<vmem>>, vector<1x16xf32>,
      %get3A_299 = vector.shape_cast %get3A_298 : vector<1x16xf32> to vector<16xf32>
      %get3A_300 = arith.constant 14 : i32
      %get3A_301 = arith.index_cast %get3A_300 : i32 to index
      %get3A_302 = arith.constant 0 : index
      %get3A_303 = tpu.vector_load %arg8[%get3A_301, %get3A_302] {strides = array<i32>} : memref<32x16xf32, #tpu.memory_space<vmem>>, vector<1x16xf32>,
      %get3A_304 = vector.shape_cast %get3A_303 : vector<1x16xf32> to vector<16xf32>
      %get3A_305 = arith.constant 15 : i32
      %get3A_306 = arith.index_cast %get3A_305 : i32 to index
      %get3A_307 = arith.constant 0 : index
      %get3A_308 = tpu.vector_load %arg8[%get3A_306, %get3A_307] {strides = array<i32>} : memref<32x16xf32, #tpu.memory_space<vmem>>, vector<1x16xf32>,
      %get3A_309 = vector.shape_cast %get3A_308 : vector<1x16xf32> to vector<16xf32>
      %parallel_loop3A_310 = arith.constant 0 : i32
      %parallel_loop3A_311 = arith.constant 64 : i32
      %parallel_loop3A_312 = arith.constant 1 : i32
      scf.for %parallel_loop3A_402 = %parallel_loop3A_310 to %parallel_loop3A_311 step %parallel_loop3A_312  : i32 {
        %parallel_loop3A_403 = arith.constant 16 : i32
        %parallel_loop3A_404 = arith.muli %parallel_loop3A_402, %parallel_loop3A_403 : i32
        %parallel_loop3A_405 = tpu.assume_multiple %parallel_loop3A_404, 16 : i32
        %parallel_loop3A_406 = arith.constant 8 : i32
        %parallel_loop3A_407 = arith.index_cast %parallel_loop3A_406 : i32 to index
        %parallel_loop3A_408 = arith.index_cast %parallel_loop3A_405 : i32 to index
        %parallel_loop3A_409 = tpu.vector_load %arg10[%parallel_loop3A_407, %parallel_loop3A_408] {strides = array<i32>} : memref<32x1024xf32, #tpu.memory_space<vmem>>, vector<1x16xf32>,
        %parallel_loop3A_410 = vector.shape_cast %parallel_loop3A_409 : vector<1x16xf32> to vector<16xf32>
        %parallel_loop3A_411 = arith.mulf %get3A_274, %parallel_loop3A_410 : vector<16xf32>
        %parallel_loop3A_412 = arith.constant 9 : i32
        %parallel_loop3A_413 = arith.index_cast %parallel_loop3A_412 : i32 to index
        %parallel_loop3A_414 = arith.index_cast %parallel_loop3A_405 : i32 to index
        %parallel_loop3A_415 = tpu.vector_load %arg10[%parallel_loop3A_413, %parallel_loop3A_414] {strides = array<i32>} : memref<32x1024xf32, #tpu.memory_space<vmem>>, vector<1x16xf32>,
        %parallel_loop3A_416 = vector.shape_cast %parallel_loop3A_415 : vector<1x16xf32> to vector<16xf32>
        %parallel_loop3A_417 = arith.mulf %get3A_279, %parallel_loop3A_416 : vector<16xf32>
        %parallel_loop3A_418 = arith.constant 10 : i32
        %parallel_loop3A_419 = arith.index_cast %parallel_loop3A_418 : i32 to index
        %parallel_loop3A_420 = arith.index_cast %parallel_loop3A_405 : i32 to index
        %parallel_loop3A_421 = tpu.vector_load %arg10[%parallel_loop3A_419, %parallel_loop3A_420] {strides = array<i32>} : memref<32x1024xf32, #tpu.memory_space<vmem>>, vector<1x16xf32>,
        %parallel_loop3A_422 = vector.shape_cast %parallel_loop3A_421 : vector<1x16xf32> to vector<16xf32>
        %parallel_loop3A_423 = arith.mulf %get3A_284, %parallel_loop3A_422 : vector<16xf32>
        %parallel_loop3A_424 = arith.constant 11 : i32
        %parallel_loop3A_425 = arith.index_cast %parallel_loop3A_424 : i32 to index
        %parallel_loop3A_426 = arith.index_cast %parallel_loop3A_405 : i32 to index
        %parallel_loop3A_427 = tpu.vector_load %arg10[%parallel_loop3A_425, %parallel_loop3A_426] {strides = array<i32>} : memref<32x1024xf32, #tpu.memory_space<vmem>>, vector<1x16xf32>,
        %parallel_loop3A_428 = vector.shape_cast %parallel_loop3A_427 : vector<1x16xf32> to vector<16xf32>
        %parallel_loop3A_429 = arith.mulf %get3A_289, %parallel_loop3A_428 : vector<16xf32>
        %parallel_loop3A_430 = arith.constant 12 : i32
        %parallel_loop3A_431 = arith.index_cast %parallel_loop3A_430 : i32 to index
        %parallel_loop3A_432 = arith.index_cast %parallel_loop3A_405 : i32 to index
        %parallel_loop3A_433 = tpu.vector_load %arg10[%parallel_loop3A_431, %parallel_loop3A_432] {strides = array<i32>} : memref<32x1024xf32, #tpu.memory_space<vmem>>, vector<1x16xf32>,
        %parallel_loop3A_434 = vector.shape_cast %parallel_loop3A_433 : vector<1x16xf32> to vector<16xf32>
        %parallel_loop3A_435 = arith.mulf %get3A_294, %parallel_loop3A_434 : vector<16xf32>
        %parallel_loop3A_436 = arith.constant 13 : i32
        %parallel_loop3A_437 = arith.index_cast %parallel_loop3A_436 : i32 to index
        %parallel_loop3A_438 = arith.index_cast %parallel_loop3A_405 : i32 to index
        %parallel_loop3A_439 = tpu.vector_load %arg10[%parallel_loop3A_437, %parallel_loop3A_438] {strides = array<i32>} : memref<32x1024xf32, #tpu.memory_space<vmem>>, vector<1x16xf32>,
        %parallel_loop3A_440 = vector.shape_cast %parallel_loop3A_439 : vector<1x16xf32> to vector<16xf32>
        %parallel_loop3A_441 = arith.mulf %get3A_299, %parallel_loop3A_440 : vector<16xf32>
        %parallel_loop3A_442 = arith.constant 14 : i32
        %parallel_loop3A_443 = arith.index_cast %parallel_loop3A_442 : i32 to index
        %parallel_loop3A_444 = arith.index_cast %parallel_loop3A_405 : i32 to index
        %parallel_loop3A_445 = tpu.vector_load %arg10[%parallel_loop3A_443, %parallel_loop3A_444] {strides = array<i32>} : memref<32x1024xf32, #tpu.memory_space<vmem>>, vector<1x16xf32>,
        %parallel_loop3A_446 = vector.shape_cast %parallel_loop3A_445 : vector<1x16xf32> to vector<16xf32>
        %parallel_loop3A_447 = arith.mulf %get3A_304, %parallel_loop3A_446 : vector<16xf32>
        %parallel_loop3A_448 = arith.constant 15 : i32
        %parallel_loop3A_449 = arith.index_cast %parallel_loop3A_448 : i32 to index
        %parallel_loop3A_450 = arith.index_cast %parallel_loop3A_405 : i32 to index
        %parallel_loop3A_451 = tpu.vector_load %arg10[%parallel_loop3A_449, %parallel_loop3A_450] {strides = array<i32>} : memref<32x1024xf32, #tpu.memory_space<vmem>>, vector<1x16xf32>,
        %parallel_loop3A_452 = vector.shape_cast %parallel_loop3A_451 : vector<1x16xf32> to vector<16xf32>
        %parallel_loop3A_453 = arith.mulf %get3A_309, %parallel_loop3A_452 : vector<16xf32>
        %parallel_loop3A_454 = arith.addf %parallel_loop3A_411, %parallel_loop3A_417 : vector<16xf32>
        %parallel_loop3A_455 = arith.addf %parallel_loop3A_423, %parallel_loop3A_429 : vector<16xf32>
        %parallel_loop3A_456 = arith.addf %parallel_loop3A_435, %parallel_loop3A_441 : vector<16xf32>
        %parallel_loop3A_457 = arith.addf %parallel_loop3A_447, %parallel_loop3A_453 : vector<16xf32>
        %parallel_loop3A_458 = arith.addf %parallel_loop3A_454, %parallel_loop3A_455 : vector<16xf32>
        %parallel_loop3A_459 = arith.addf %parallel_loop3A_456, %parallel_loop3A_457 : vector<16xf32>
        %parallel_loop3A_460 = arith.addf %parallel_loop3A_458, %parallel_loop3A_459 : vector<16xf32>
        %parallel_loop3A_461 = arith.constant 1 : i32
        %parallel_loop3A_462 = arith.index_cast %parallel_loop3A_461 : i32 to index
        %parallel_loop3A_463 = arith.index_cast %parallel_loop3A_405 : i32 to index
        %parallel_loop3A_464 = tpu.vector_load %arg11[%parallel_loop3A_462, %parallel_loop3A_463] {strides = array<i32>} : memref<4x1024xf32, #tpu.memory_space<vmem>>, vector<1x16xf32>,
        %parallel_loop3A_465 = vector.shape_cast %parallel_loop3A_464 : vector<1x16xf32> to vector<16xf32>
        %parallel_loop3A_466 = vector.shape_cast %parallel_loop3A_460 : vector<16xf32> to vector<1x16xf32>
        tpu.vector_store %arg11[%parallel_loop3A_462, %parallel_loop3A_463], %parallel_loop3A_466 {strides = array<i32>} : memref<4x1024xf32, #tpu.memory_space<vmem>>, vector<1x16xf32>,
      } {sc.loop_unroll_factor = 4 : i64, sc.parallel_access}
      %get3A_313 = arith.constant 16 : i32
      %get3A_314 = arith.index_cast %get3A_313 : i32 to index
      %get3A_315 = arith.constant 0 : index
      %get3A_316 = tpu.vector_load %arg8[%get3A_314, %get3A_315] {strides = array<i32>} : memref<32x16xf32, #tpu.memory_space<vmem>>, vector<1x16xf32>,
      %get3A_317 = vector.shape_cast %get3A_316 : vector<1x16xf32> to vector<16xf32>
      %get3A_318 = arith.constant 17 : i32
      %get3A_319 = arith.index_cast %get3A_318 : i32 to index
      %get3A_320 = arith.constant 0 : index
      %get3A_321 = tpu.vector_load %arg8[%get3A_319, %get3A_320] {strides = array<i32>} : memref<32x16xf32, #tpu.memory_space<vmem>>, vector<1x16xf32>,
      %get3A_322 = vector.shape_cast %get3A_321 : vector<1x16xf32> to vector<16xf32>
      %get3A_323 = arith.constant 18 : i32
      %get3A_324 = arith.index_cast %get3A_323 : i32 to index
      %get3A_325 = arith.constant 0 : index
      %get3A_326 = tpu.vector_load %arg8[%get3A_324, %get3A_325] {strides = array<i32>} : memref<32x16xf32, #tpu.memory_space<vmem>>, vector<1x16xf32>,
      %get3A_327 = vector.shape_cast %get3A_326 : vector<1x16xf32> to vector<16xf32>
      %get3A_328 = arith.constant 19 : i32
      %get3A_329 = arith.index_cast %get3A_328 : i32 to index
      %get3A_330 = arith.constant 0 : index
      %get3A_331 = tpu.vector_load %arg8[%get3A_329, %get3A_330] {strides = array<i32>} : memref<32x16xf32, #tpu.memory_space<vmem>>, vector<1x16xf32>,
      %get3A_332 = vector.shape_cast %get3A_331 : vector<1x16xf32> to vector<16xf32>
      %get3A_333 = arith.constant 20 : i32
      %get3A_334 = arith.index_cast %get3A_333 : i32 to index
      %get3A_335 = arith.constant 0 : index
      %get3A_336 = tpu.vector_load %arg8[%get3A_334, %get3A_335] {strides = array<i32>} : memref<32x16xf32, #tpu.memory_space<vmem>>, vector<1x16xf32>,
      %get3A_337 = vector.shape_cast %get3A_336 : vector<1x16xf32> to vector<16xf32>
      %get3A_338 = arith.constant 21 : i32
      %get3A_339 = arith.index_cast %get3A_338 : i32 to index
      %get3A_340 = arith.constant 0 : index
      %get3A_341 = tpu.vector_load %arg8[%get3A_339, %get3A_340] {strides = array<i32>} : memref<32x16xf32, #tpu.memory_space<vmem>>, vector<1x16xf32>,
      %get3A_342 = vector.shape_cast %get3A_341 : vector<1x16xf32> to vector<16xf32>
      %get3A_343 = arith.constant 22 : i32
      %get3A_344 = arith.index_cast %get3A_343 : i32 to index
      %get3A_345 = arith.constant 0 : index
      %get3A_346 = tpu.vector_load %arg8[%get3A_344, %get3A_345] {strides = array<i32>} : memref<32x16xf32, #tpu.memory_space<vmem>>, vector<1x16xf32>,
      %get3A_347 = vector.shape_cast %get3A_346 : vector<1x16xf32> to vector<16xf32>
      %get3A_348 = arith.constant 23 : i32
      %get3A_349 = arith.index_cast %get3A_348 : i32 to index
      %get3A_350 = arith.constant 0 : index
      %get3A_351 = tpu.vector_load %arg8[%get3A_349, %get3A_350] {strides = array<i32>} : memref<32x16xf32, #tpu.memory_space<vmem>>, vector<1x16xf32>,
      %get3A_352 = vector.shape_cast %get3A_351 : vector<1x16xf32> to vector<16xf32>
      %parallel_loop3A_353 = arith.constant 0 : i32
      %parallel_loop3A_354 = arith.constant 64 : i32
      %parallel_loop3A_355 = arith.constant 1 : i32
      scf.for %parallel_loop3A_402 = %parallel_loop3A_353 to %parallel_loop3A_354 step %parallel_loop3A_355  : i32 {
        %parallel_loop3A_403 = arith.constant 16 : i32
        %parallel_loop3A_404 = arith.muli %parallel_loop3A_402, %parallel_loop3A_403 : i32
        %parallel_loop3A_405 = tpu.assume_multiple %parallel_loop3A_404, 16 : i32
        %parallel_loop3A_406 = arith.constant 16 : i32
        %parallel_loop3A_407 = arith.index_cast %parallel_loop3A_406 : i32 to index
        %parallel_loop3A_408 = arith.index_cast %parallel_loop3A_405 : i32 to index
        %parallel_loop3A_409 = tpu.vector_load %arg10[%parallel_loop3A_407, %parallel_loop3A_408] {strides = array<i32>} : memref<32x1024xf32, #tpu.memory_space<vmem>>, vector<1x16xf32>,
        %parallel_loop3A_410 = vector.shape_cast %parallel_loop3A_409 : vector<1x16xf32> to vector<16xf32>
        %parallel_loop3A_411 = arith.mulf %get3A_317, %parallel_loop3A_410 : vector<16xf32>
        %parallel_loop3A_412 = arith.constant 17 : i32
        %parallel_loop3A_413 = arith.index_cast %parallel_loop3A_412 : i32 to index
        %parallel_loop3A_414 = arith.index_cast %parallel_loop3A_405 : i32 to index
        %parallel_loop3A_415 = tpu.vector_load %arg10[%parallel_loop3A_413, %parallel_loop3A_414] {strides = array<i32>} : memref<32x1024xf32, #tpu.memory_space<vmem>>, vector<1x16xf32>,
        %parallel_loop3A_416 = vector.shape_cast %parallel_loop3A_415 : vector<1x16xf32> to vector<16xf32>
        %parallel_loop3A_417 = arith.mulf %get3A_322, %parallel_loop3A_416 : vector<16xf32>
        %parallel_loop3A_418 = arith.constant 18 : i32
        %parallel_loop3A_419 = arith.index_cast %parallel_loop3A_418 : i32 to index
        %parallel_loop3A_420 = arith.index_cast %parallel_loop3A_405 : i32 to index
        %parallel_loop3A_421 = tpu.vector_load %arg10[%parallel_loop3A_419, %parallel_loop3A_420] {strides = array<i32>} : memref<32x1024xf32, #tpu.memory_space<vmem>>, vector<1x16xf32>,
        %parallel_loop3A_422 = vector.shape_cast %parallel_loop3A_421 : vector<1x16xf32> to vector<16xf32>
        %parallel_loop3A_423 = arith.mulf %get3A_327, %parallel_loop3A_422 : vector<16xf32>
        %parallel_loop3A_424 = arith.constant 19 : i32
        %parallel_loop3A_425 = arith.index_cast %parallel_loop3A_424 : i32 to index
        %parallel_loop3A_426 = arith.index_cast %parallel_loop3A_405 : i32 to index
        %parallel_loop3A_427 = tpu.vector_load %arg10[%parallel_loop3A_425, %parallel_loop3A_426] {strides = array<i32>} : memref<32x1024xf32, #tpu.memory_space<vmem>>, vector<1x16xf32>,
        %parallel_loop3A_428 = vector.shape_cast %parallel_loop3A_427 : vector<1x16xf32> to vector<16xf32>
        %parallel_loop3A_429 = arith.mulf %get3A_332, %parallel_loop3A_428 : vector<16xf32>
        %parallel_loop3A_430 = arith.constant 20 : i32
        %parallel_loop3A_431 = arith.index_cast %parallel_loop3A_430 : i32 to index
        %parallel_loop3A_432 = arith.index_cast %parallel_loop3A_405 : i32 to index
        %parallel_loop3A_433 = tpu.vector_load %arg10[%parallel_loop3A_431, %parallel_loop3A_432] {strides = array<i32>} : memref<32x1024xf32, #tpu.memory_space<vmem>>, vector<1x16xf32>,
        %parallel_loop3A_434 = vector.shape_cast %parallel_loop3A_433 : vector<1x16xf32> to vector<16xf32>
        %parallel_loop3A_435 = arith.mulf %get3A_337, %parallel_loop3A_434 : vector<16xf32>
        %parallel_loop3A_436 = arith.constant 21 : i32
        %parallel_loop3A_437 = arith.index_cast %parallel_loop3A_436 : i32 to index
        %parallel_loop3A_438 = arith.index_cast %parallel_loop3A_405 : i32 to index
        %parallel_loop3A_439 = tpu.vector_load %arg10[%parallel_loop3A_437, %parallel_loop3A_438] {strides = array<i32>} : memref<32x1024xf32, #tpu.memory_space<vmem>>, vector<1x16xf32>,
        %parallel_loop3A_440 = vector.shape_cast %parallel_loop3A_439 : vector<1x16xf32> to vector<16xf32>
        %parallel_loop3A_441 = arith.mulf %get3A_342, %parallel_loop3A_440 : vector<16xf32>
        %parallel_loop3A_442 = arith.constant 22 : i32
        %parallel_loop3A_443 = arith.index_cast %parallel_loop3A_442 : i32 to index
        %parallel_loop3A_444 = arith.index_cast %parallel_loop3A_405 : i32 to index
        %parallel_loop3A_445 = tpu.vector_load %arg10[%parallel_loop3A_443, %parallel_loop3A_444] {strides = array<i32>} : memref<32x1024xf32, #tpu.memory_space<vmem>>, vector<1x16xf32>,
        %parallel_loop3A_446 = vector.shape_cast %parallel_loop3A_445 : vector<1x16xf32> to vector<16xf32>
        %parallel_loop3A_447 = arith.mulf %get3A_347, %parallel_loop3A_446 : vector<16xf32>
        %parallel_loop3A_448 = arith.constant 23 : i32
        %parallel_loop3A_449 = arith.index_cast %parallel_loop3A_448 : i32 to index
        %parallel_loop3A_450 = arith.index_cast %parallel_loop3A_405 : i32 to index
        %parallel_loop3A_451 = tpu.vector_load %arg10[%parallel_loop3A_449, %parallel_loop3A_450] {strides = array<i32>} : memref<32x1024xf32, #tpu.memory_space<vmem>>, vector<1x16xf32>,
        %parallel_loop3A_452 = vector.shape_cast %parallel_loop3A_451 : vector<1x16xf32> to vector<16xf32>
        %parallel_loop3A_453 = arith.mulf %get3A_352, %parallel_loop3A_452 : vector<16xf32>
        %parallel_loop3A_454 = arith.addf %parallel_loop3A_411, %parallel_loop3A_417 : vector<16xf32>
        %parallel_loop3A_455 = arith.addf %parallel_loop3A_423, %parallel_loop3A_429 : vector<16xf32>
        %parallel_loop3A_456 = arith.addf %parallel_loop3A_435, %parallel_loop3A_441 : vector<16xf32>
        %parallel_loop3A_457 = arith.addf %parallel_loop3A_447, %parallel_loop3A_453 : vector<16xf32>
        %parallel_loop3A_458 = arith.addf %parallel_loop3A_454, %parallel_loop3A_455 : vector<16xf32>
        %parallel_loop3A_459 = arith.addf %parallel_loop3A_456, %parallel_loop3A_457 : vector<16xf32>
        %parallel_loop3A_460 = arith.addf %parallel_loop3A_458, %parallel_loop3A_459 : vector<16xf32>
        %parallel_loop3A_461 = arith.constant 2 : i32
        %parallel_loop3A_462 = arith.index_cast %parallel_loop3A_461 : i32 to index
        %parallel_loop3A_463 = arith.index_cast %parallel_loop3A_405 : i32 to index
        %parallel_loop3A_464 = tpu.vector_load %arg11[%parallel_loop3A_462, %parallel_loop3A_463] {strides = array<i32>} : memref<4x1024xf32, #tpu.memory_space<vmem>>, vector<1x16xf32>,
        %parallel_loop3A_465 = vector.shape_cast %parallel_loop3A_464 : vector<1x16xf32> to vector<16xf32>
        %parallel_loop3A_466 = vector.shape_cast %parallel_loop3A_460 : vector<16xf32> to vector<1x16xf32>
        tpu.vector_store %arg11[%parallel_loop3A_462, %parallel_loop3A_463], %parallel_loop3A_466 {strides = array<i32>} : memref<4x1024xf32, #tpu.memory_space<vmem>>, vector<1x16xf32>,
      } {sc.loop_unroll_factor = 4 : i64, sc.parallel_access}
      %get3A_356 = arith.constant 24 : i32
      %get3A_357 = arith.index_cast %get3A_356 : i32 to index
      %get3A_358 = arith.constant 0 : index
      %get3A_359 = tpu.vector_load %arg8[%get3A_357, %get3A_358] {strides = array<i32>} : memref<32x16xf32, #tpu.memory_space<vmem>>, vector<1x16xf32>,
      %get3A_360 = vector.shape_cast %get3A_359 : vector<1x16xf32> to vector<16xf32>
      %get3A_361 = arith.constant 25 : i32
      %get3A_362 = arith.index_cast %get3A_361 : i32 to index
      %get3A_363 = arith.constant 0 : index
      %get3A_364 = tpu.vector_load %arg8[%get3A_362, %get3A_363] {strides = array<i32>} : memref<32x16xf32, #tpu.memory_space<vmem>>, vector<1x16xf32>,
      %get3A_365 = vector.shape_cast %get3A_364 : vector<1x16xf32> to vector<16xf32>
      %get3A_366 = arith.constant 26 : i32
      %get3A_367 = arith.index_cast %get3A_366 : i32 to index
      %get3A_368 = arith.constant 0 : index
      %get3A_369 = tpu.vector_load %arg8[%get3A_367, %get3A_368] {strides = array<i32>} : memref<32x16xf32, #tpu.memory_space<vmem>>, vector<1x16xf32>,
      %get3A_370 = vector.shape_cast %get3A_369 : vector<1x16xf32> to vector<16xf32>
      %get3A_371 = arith.constant 27 : i32
      %get3A_372 = arith.index_cast %get3A_371 : i32 to index
      %get3A_373 = arith.constant 0 : index
      %get3A_374 = tpu.vector_load %arg8[%get3A_372, %get3A_373] {strides = array<i32>} : memref<32x16xf32, #tpu.memory_space<vmem>>, vector<1x16xf32>,
      %get3A_375 = vector.shape_cast %get3A_374 : vector<1x16xf32> to vector<16xf32>
      %get3A_376 = arith.constant 28 : i32
      %get3A_377 = arith.index_cast %get3A_376 : i32 to index
      %get3A_378 = arith.constant 0 : index
      %get3A_379 = tpu.vector_load %arg8[%get3A_377, %get3A_378] {strides = array<i32>} : memref<32x16xf32, #tpu.memory_space<vmem>>, vector<1x16xf32>,
      %get3A_380 = vector.shape_cast %get3A_379 : vector<1x16xf32> to vector<16xf32>
      %get3A_381 = arith.constant 29 : i32
      %get3A_382 = arith.index_cast %get3A_381 : i32 to index
      %get3A_383 = arith.constant 0 : index
      %get3A_384 = tpu.vector_load %arg8[%get3A_382, %get3A_383] {strides = array<i32>} : memref<32x16xf32, #tpu.memory_space<vmem>>, vector<1x16xf32>,
      %get3A_385 = vector.shape_cast %get3A_384 : vector<1x16xf32> to vector<16xf32>
      %get3A_386 = arith.constant 30 : i32
      %get3A_387 = arith.index_cast %get3A_386 : i32 to index
      %get3A_388 = arith.constant 0 : index
      %get3A_389 = tpu.vector_load %arg8[%get3A_387, %get3A_388] {strides = array<i32>} : memref<32x16xf32, #tpu.memory_space<vmem>>, vector<1x16xf32>,
      %get3A_390 = vector.shape_cast %get3A_389 : vector<1x16xf32> to vector<16xf32>
      %get3A_391 = arith.constant 31 : i32
      %get3A_392 = arith.index_cast %get3A_391 : i32 to index
      %get3A_393 = arith.constant 0 : index
      %get3A_394 = tpu.vector_load %arg8[%get3A_392, %get3A_393] {strides = array<i32>} : memref<32x16xf32, #tpu.memory_space<vmem>>, vector<1x16xf32>,
      %get3A_395 = vector.shape_cast %get3A_394 : vector<1x16xf32> to vector<16xf32>
      %parallel_loop3A_396 = arith.constant 0 : i32
      %parallel_loop3A_397 = arith.constant 64 : i32
      %parallel_loop3A_398 = arith.constant 1 : i32
      scf.for %parallel_loop3A_402 = %parallel_loop3A_396 to %parallel_loop3A_397 step %parallel_loop3A_398  : i32 {
        %parallel_loop3A_403 = arith.constant 16 : i32
        %parallel_loop3A_404 = arith.muli %parallel_loop3A_402, %parallel_loop3A_403 : i32
        %parallel_loop3A_405 = tpu.assume_multiple %parallel_loop3A_404, 16 : i32
        %parallel_loop3A_406 = arith.constant 24 : i32
        %parallel_loop3A_407 = arith.index_cast %parallel_loop3A_406 : i32 to index
        %parallel_loop3A_408 = arith.index_cast %parallel_loop3A_405 : i32 to index
        %parallel_loop3A_409 = tpu.vector_load %arg10[%parallel_loop3A_407, %parallel_loop3A_408] {strides = array<i32>} : memref<32x1024xf32, #tpu.memory_space<vmem>>, vector<1x16xf32>,
        %parallel_loop3A_410 = vector.shape_cast %parallel_loop3A_409 : vector<1x16xf32> to vector<16xf32>
        %parallel_loop3A_411 = arith.mulf %get3A_360, %parallel_loop3A_410 : vector<16xf32>
        %parallel_loop3A_412 = arith.constant 25 : i32
        %parallel_loop3A_413 = arith.index_cast %parallel_loop3A_412 : i32 to index
        %parallel_loop3A_414 = arith.index_cast %parallel_loop3A_405 : i32 to index
        %parallel_loop3A_415 = tpu.vector_load %arg10[%parallel_loop3A_413, %parallel_loop3A_414] {strides = array<i32>} : memref<32x1024xf32, #tpu.memory_space<vmem>>, vector<1x16xf32>,
        %parallel_loop3A_416 = vector.shape_cast %parallel_loop3A_415 : vector<1x16xf32> to vector<16xf32>
        %parallel_loop3A_417 = arith.mulf %get3A_365, %parallel_loop3A_416 : vector<16xf32>
        %parallel_loop3A_418 = arith.constant 26 : i32
        %parallel_loop3A_419 = arith.index_cast %parallel_loop3A_418 : i32 to index
        %parallel_loop3A_420 = arith.index_cast %parallel_loop3A_405 : i32 to index
        %parallel_loop3A_421 = tpu.vector_load %arg10[%parallel_loop3A_419, %parallel_loop3A_420] {strides = array<i32>} : memref<32x1024xf32, #tpu.memory_space<vmem>>, vector<1x16xf32>,
        %parallel_loop3A_422 = vector.shape_cast %parallel_loop3A_421 : vector<1x16xf32> to vector<16xf32>
        %parallel_loop3A_423 = arith.mulf %get3A_370, %parallel_loop3A_422 : vector<16xf32>
        %parallel_loop3A_424 = arith.constant 27 : i32
        %parallel_loop3A_425 = arith.index_cast %parallel_loop3A_424 : i32 to index
        %parallel_loop3A_426 = arith.index_cast %parallel_loop3A_405 : i32 to index
        %parallel_loop3A_427 = tpu.vector_load %arg10[%parallel_loop3A_425, %parallel_loop3A_426] {strides = array<i32>} : memref<32x1024xf32, #tpu.memory_space<vmem>>, vector<1x16xf32>,
        %parallel_loop3A_428 = vector.shape_cast %parallel_loop3A_427 : vector<1x16xf32> to vector<16xf32>
        %parallel_loop3A_429 = arith.mulf %get3A_375, %parallel_loop3A_428 : vector<16xf32>
        %parallel_loop3A_430 = arith.constant 28 : i32
        %parallel_loop3A_431 = arith.index_cast %parallel_loop3A_430 : i32 to index
        %parallel_loop3A_432 = arith.index_cast %parallel_loop3A_405 : i32 to index
        %parallel_loop3A_433 = tpu.vector_load %arg10[%parallel_loop3A_431, %parallel_loop3A_432] {strides = array<i32>} : memref<32x1024xf32, #tpu.memory_space<vmem>>, vector<1x16xf32>,
        %parallel_loop3A_434 = vector.shape_cast %parallel_loop3A_433 : vector<1x16xf32> to vector<16xf32>
        %parallel_loop3A_435 = arith.mulf %get3A_380, %parallel_loop3A_434 : vector<16xf32>
        %parallel_loop3A_436 = arith.constant 29 : i32
        %parallel_loop3A_437 = arith.index_cast %parallel_loop3A_436 : i32 to index
        %parallel_loop3A_438 = arith.index_cast %parallel_loop3A_405 : i32 to index
        %parallel_loop3A_439 = tpu.vector_load %arg10[%parallel_loop3A_437, %parallel_loop3A_438] {strides = array<i32>} : memref<32x1024xf32, #tpu.memory_space<vmem>>, vector<1x16xf32>,
        %parallel_loop3A_440 = vector.shape_cast %parallel_loop3A_439 : vector<1x16xf32> to vector<16xf32>
        %parallel_loop3A_441 = arith.mulf %get3A_385, %parallel_loop3A_440 : vector<16xf32>
        %parallel_loop3A_442 = arith.constant 30 : i32
        %parallel_loop3A_443 = arith.index_cast %parallel_loop3A_442 : i32 to index
        %parallel_loop3A_444 = arith.index_cast %parallel_loop3A_405 : i32 to index
        %parallel_loop3A_445 = tpu.vector_load %arg10[%parallel_loop3A_443, %parallel_loop3A_444] {strides = array<i32>} : memref<32x1024xf32, #tpu.memory_space<vmem>>, vector<1x16xf32>,
        %parallel_loop3A_446 = vector.shape_cast %parallel_loop3A_445 : vector<1x16xf32> to vector<16xf32>
        %parallel_loop3A_447 = arith.mulf %get3A_390, %parallel_loop3A_446 : vector<16xf32>
        %parallel_loop3A_448 = arith.constant 31 : i32
        %parallel_loop3A_449 = arith.index_cast %parallel_loop3A_448 : i32 to index
        %parallel_loop3A_450 = arith.index_cast %parallel_loop3A_405 : i32 to index
        %parallel_loop3A_451 = tpu.vector_load %arg10[%parallel_loop3A_449, %parallel_loop3A_450] {strides = array<i32>} : memref<32x1024xf32, #tpu.memory_space<vmem>>, vector<1x16xf32>,
        %parallel_loop3A_452 = vector.shape_cast %parallel_loop3A_451 : vector<1x16xf32> to vector<16xf32>
        %parallel_loop3A_453 = arith.mulf %get3A_395, %parallel_loop3A_452 : vector<16xf32>
        %parallel_loop3A_454 = arith.addf %parallel_loop3A_411, %parallel_loop3A_417 : vector<16xf32>
        %parallel_loop3A_455 = arith.addf %parallel_loop3A_423, %parallel_loop3A_429 : vector<16xf32>
        %parallel_loop3A_456 = arith.addf %parallel_loop3A_435, %parallel_loop3A_441 : vector<16xf32>
        %parallel_loop3A_457 = arith.addf %parallel_loop3A_447, %parallel_loop3A_453 : vector<16xf32>
        %parallel_loop3A_458 = arith.addf %parallel_loop3A_454, %parallel_loop3A_455 : vector<16xf32>
        %parallel_loop3A_459 = arith.addf %parallel_loop3A_456, %parallel_loop3A_457 : vector<16xf32>
        %parallel_loop3A_460 = arith.addf %parallel_loop3A_458, %parallel_loop3A_459 : vector<16xf32>
        %parallel_loop3A_461 = arith.constant 3 : i32
        %parallel_loop3A_462 = arith.index_cast %parallel_loop3A_461 : i32 to index
        %parallel_loop3A_463 = arith.index_cast %parallel_loop3A_405 : i32 to index
        %parallel_loop3A_464 = tpu.vector_load %arg11[%parallel_loop3A_462, %parallel_loop3A_463] {strides = array<i32>} : memref<4x1024xf32, #tpu.memory_space<vmem>>, vector<1x16xf32>,
        %parallel_loop3A_465 = vector.shape_cast %parallel_loop3A_464 : vector<1x16xf32> to vector<16xf32>
        %parallel_loop3A_466 = vector.shape_cast %parallel_loop3A_460 : vector<16xf32> to vector<1x16xf32>
        tpu.vector_store %arg11[%parallel_loop3A_462, %parallel_loop3A_463], %parallel_loop3A_466 {strides = array<i32>} : memref<4x1024xf32, #tpu.memory_space<vmem>>, vector<1x16xf32>,
      } {sc.loop_unroll_factor = 4 : i64, sc.parallel_access}
      %mul3A_399 = arith.constant 4 : i32
      %mul3A_400 = arith.muli %add3A_226, %mul3A_399 : i32
      %add3A_401 = arith.addi %mul3A_2, %mul3A_400 : i32
      "tpu.region"() ({
        %run_scoped3A = tpu.sem_alloc : memref<!tpu.dma_semaphore, #tpu.memory_space<semaphore_mem>>
        %dma_start3A_402 = arith.constant 0 : i32
        %dma_start3A_403 = tpu.memref_slice %arg5[%add3A_401, %dma_start3A_402] : memref<2048x1024xf32, #tpu.memory_space<hbm>> -> memref<4x1024xf32, #tpu.memory_space<hbm>>
        %dma_start3A_404 = arith.constant 0 : i32
        %dma_start3A_405 = tpu.memref_slice %arg5[%add3A_401, %dma_start3A_404] : memref<2048x1024xf32, #tpu.memory_space<hbm>> -> memref<4x1024xf32, #tpu.memory_space<hbm>>
        tpu.enqueue_dma source(%arg11 : memref<4x1024xf32, #tpu.memory_space<vmem>>) target(%dma_start3A_405 : memref<4x1024xf32, #tpu.memory_space<hbm>>) target_semaphore(%run_scoped3A : memref<!tpu.dma_semaphore, #tpu.memory_space<semaphore_mem>>)
        %dma_wait3A_406 = arith.constant 0 : i32
        %dma_wait3A_407 = tpu.memref_slice %arg5[%add3A_401, %dma_wait3A_406] : memref<2048x1024xf32, #tpu.memory_space<hbm>> -> memref<4x1024xf32, #tpu.memory_space<hbm>>
        %dma_wait3A_408 = arith.constant 0 : i32
        %dma_wait3A_409 = tpu.memref_slice %arg5[%add3A_401, %dma_wait3A_408] : memref<2048x1024xf32, #tpu.memory_space<hbm>> -> memref<4x1024xf32, #tpu.memory_space<hbm>>
        tpu.wait_dma2 semaphore(%run_scoped3A : memref<!tpu.dma_semaphore, #tpu.memory_space<semaphore_mem>>) src(%arg11 : memref<4x1024xf32, #tpu.memory_space<vmem>>) dst(%dma_wait3A_409 : memref<4x1024xf32, #tpu.memory_space<hbm>>)
        tpu.yield
      }) : () -> ()
    }
    %scan3A_16 = arith.constant 8 : i32
    return
  }
}

module attributes {stable_mosaic.version = 14 : i64} {
  func.func @_router_body(%arg0: i32, %arg1: memref<1024x1024xf32, #tpu.memory_space<vmem>>, %arg2: memref<1024x1024xf32, #tpu.memory_space<vmem>>, %arg3: memref<2048x2xf32, #tpu.memory_space<vmem>>, %arg4: memref<1x2xf32, #tpu.memory_space<vmem>>, %arg5: memref<1024x1024xf32, #tpu.memory_space<vmem>>, %arg6: memref<1024x8xi32, #tpu.memory_space<vmem>>, %arg7: memref<1024x8xf32, #tpu.memory_space<vmem>>, %arg8: memref<1024x1024xf32, #tpu.memory_space<vmem>>) attributes {dimension_semantics = [#tpu.dimension_semantics<arbitrary>], iteration_bounds = array<i64: 2>, scalar_prefetch = 0 : i64, scratch_operands = 0 : i64, tpu.core_type = #tpu.core_type<tc>, window_params = [{transform_indices = @transform_0, window_bounds = array<i64: 1024, 1024>}, {transform_indices = @transform_1, window_bounds = array<i64: 1024, 1024>}, {pipeline_mode = #tpu.pipeline_mode<synchronous>, transform_indices = @transform_2, window_bounds = array<i64: 2048, 2>}, {pipeline_mode = #tpu.pipeline_mode<synchronous>, transform_indices = @transform_3, window_bounds = array<i64: 1, 2>}, {pipeline_mode = #tpu.pipeline_mode<synchronous>, transform_indices = @transform_4, window_bounds = array<i64: 1024, 1024>}, {transform_indices = @transform_5, window_bounds = array<i64: 1024, 8>}, {transform_indices = @transform_6, window_bounds = array<i64: 1024, 8>}, {transform_indices = @transform_7, window_bounds = array<i64: 1024, 1024>}]} {
    %get3A = arith.constant 0 : index
    %get3A_0 = arith.constant 0 : index
    %get3A_1 = vector.load %arg1[%get3A, %get3A_0] : memref<1024x1024xf32, #tpu.memory_space<vmem>>, vector<1024x1024xf32>
    %get3A_2 = arith.constant 0 : index
    %get3A_3 = arith.constant 0 : index
    %get3A_4 = vector.load %arg2[%get3A_2, %get3A_3] : memref<1024x1024xf32, #tpu.memory_space<vmem>>, vector<1024x1024xf32>
    %concatenate3A = tpu.concatenate %get3A_1, %get3A_4 in 1 : vector<1024x1024xf32>, vector<1024x1024xf32> -> vector<1024x2048xf32>
    %get3A_5 = arith.constant 0 : index
    %get3A_6 = arith.constant 0 : index
    %get3A_7 = vector.load %arg3[%get3A_5, %get3A_6] : memref<2048x2xf32, #tpu.memory_space<vmem>>, vector<2048x2xf32>
    %dot_general3A = arith.constant dense<0.000000e+00> : vector<1024x2xf32>
    %dot_general3A_8 = tpu.matmul %concatenate3A, %get3A_7, %dot_general3A {dimension_numbers = #tpu.dot_dimension_numbers<[1], [0], [0], [1], [0, 0, 1, 1], [], []>, transpose_lhs_hint = false} : vector<1024x2048xf32>, vector<2048x2xf32>, vector<1024x2xf32> -> vector<1024x2xf32>
    %get3A_9 = arith.constant 0 : index
    %get3A_10 = arith.constant 0 : index
    %get3A_11 = vector.load %arg4[%get3A_9, %get3A_10] : memref<1x2xf32, #tpu.memory_space<vmem>>, vector<1x2xf32>
    %add3A = vector.broadcast %get3A_11 : vector<1x2xf32> to vector<1024x2xf32>
    %add3A_12 = arith.addf %dot_general3A_8, %add3A : vector<1024x2xf32>
    %reduce_max3A = arith.constant dense<0xFF800000> : vector<1024xf32>
    %reduce_max3A_13 = vector.multi_reduction <maximumf>, %add3A_12, %reduce_max3A [1] : vector<1024x2xf32> to vector<1024xf32>
    %broadcast_in_dim3A = vector.shape_cast %reduce_max3A_13 : vector<1024xf32> to vector<1024x1xf32>
    %sub3A = vector.broadcast %broadcast_in_dim3A : vector<1024x1xf32> to vector<1024x2xf32>
    %sub3A_14 = arith.subf %add3A_12, %sub3A : vector<1024x2xf32>
    %exp3A = math.exp %sub3A_14 : vector<1024x2xf32>
    %reduce_sum3A = arith.constant dense<0.000000e+00> : vector<1024xf32>
    %reduce_sum3A_15 = vector.multi_reduction <add>, %exp3A, %reduce_sum3A [1] : vector<1024x2xf32> to vector<1024xf32>
    %broadcast_in_dim3A_16 = vector.shape_cast %reduce_sum3A_15 : vector<1024xf32> to vector<1024x1xf32>
    %div3A = vector.broadcast %broadcast_in_dim3A_16 : vector<1024x1xf32> to vector<1024x2xf32>
    %div3A_17 = arith.divf %exp3A, %div3A : vector<1024x2xf32>
    %get3A_18 = arith.constant 0 : index
    %get3A_19 = arith.constant 0 : index
    %get3A_20 = vector.load %arg5[%get3A_18, %get3A_19] : memref<1024x1024xf32, #tpu.memory_space<vmem>>, vector<1024x1024xf32>
    %dot_general3A_21 = arith.constant dense<0.000000e+00> : vector<1024x1024xf32>
    %dot_general3A_22 = tpu.matmul %get3A_1, %get3A_20, %dot_general3A_21 {dimension_numbers = #tpu.dot_dimension_numbers<[1], [1], [0], [0], [0, 0, 1, 0], [], []>, transpose_lhs_hint = false} : vector<1024x1024xf32>, vector<1024x1024xf32>, vector<1024x1024xf32> -> vector<1024x1024xf32>
    %get3A_23 = arith.constant 0 : index
    %get3A_24 = arith.constant 0 : index
    %get3A_25 = vector.load %arg5[%get3A_23, %get3A_24] : memref<1024x1024xf32, #tpu.memory_space<vmem>>, vector<1024x1024xf32>
    %dot_general3A_26 = arith.constant dense<0.000000e+00> : vector<1024x1024xf32>
    %dot_general3A_27 = tpu.matmul %get3A_4, %get3A_25, %dot_general3A_26 {dimension_numbers = #tpu.dot_dimension_numbers<[1], [1], [0], [0], [0, 0, 1, 0], [], []>, transpose_lhs_hint = false} : vector<1024x1024xf32>, vector<1024x1024xf32>, vector<1024x1024xf32> -> vector<1024x1024xf32>
    %slice3A = vector.extract_strided_slice %div3A_17 {offsets = [0, 0], sizes = [1024, 1], strides = [1, 1]} : vector<1024x2xf32> to vector<1024x1xf32>
    %mul3A = vector.broadcast %slice3A : vector<1024x1xf32> to vector<1024x1024xf32>
    %mul3A_28 = arith.mulf %mul3A, %dot_general3A_22 : vector<1024x1024xf32>
    %slice3A_29 = vector.extract_strided_slice %div3A_17 {offsets = [0, 1], sizes = [1024, 1], strides = [1, 1]} : vector<1024x2xf32> to vector<1024x1xf32>
    %mul3A_30 = vector.broadcast %slice3A_29 : vector<1024x1xf32> to vector<1024x1024xf32>
    %mul3A_31 = arith.mulf %mul3A_30, %dot_general3A_27 : vector<1024x1024xf32>
    %add3A_32 = arith.addf %mul3A_28, %mul3A_31 : vector<1024x1024xf32>
    %iota3A = tpu.iota {dimensions = array<i32: 1>} : vector<1024x1024xi32>
    %iota3A_33 = tpu.iota {dimensions = array<i32: 1>} : vector<1024x8xi32>
    %broadcast_in_dim3A_34 = arith.constant 0.000000e+00 : f32
    %broadcast_in_dim3A_35 = vector.broadcast %broadcast_in_dim3A_34 : f32 to vector<1024x8xf32>
    %broadcast_in_dim3A_36 = arith.constant 0 : i32
    %broadcast_in_dim3A_37 = vector.broadcast %broadcast_in_dim3A_36 : i32 to vector<1024x8xi32>
    %reduce_max3A_38 = arith.constant dense<0xFF800000> : vector<1024xf32>
    %reduce_max3A_39 = vector.multi_reduction <maximumf>, %add3A_32, %reduce_max3A_38 [1] : vector<1024x1024xf32> to vector<1024xf32>
    %broadcast_in_dim3A_40 = vector.shape_cast %reduce_max3A_39 : vector<1024xf32> to vector<1024x1xf32>
    %eq3A = vector.broadcast %broadcast_in_dim3A_40 : vector<1024x1xf32> to vector<1024x1024xf32>
    %eq3A_41 = arith.cmpf oeq, %add3A_32, %eq3A : vector<1024x1024xf32>
    %jit3A = arith.constant 1024 : i32
    %broadcast_in_dim3A_42 = vector.broadcast %jit3A : i32 to vector<1024x1024xi32>
    %select_n3A = arith.select %eq3A_41, %iota3A, %broadcast_in_dim3A_42 : vector<1024x1024xi1>, vector<1024x1024xi32>
    %reduce_min3A = arith.constant dense<2147483647> : vector<1024xi32>
    %reduce_min3A_43 = vector.multi_reduction <minsi>, %select_n3A, %reduce_min3A [1] : vector<1024x1024xi32> to vector<1024xi32>
    %broadcast_in_dim3A_44 = vector.shape_cast %reduce_min3A_43 : vector<1024xi32> to vector<1024x1xi32>
    %eq3A_45 = arith.constant 0 : i32
    %eq3A_46 = vector.broadcast %eq3A_45 : i32 to vector<1024x8xi32>
    %eq3A_47 = arith.cmpi eq, %iota3A_33, %eq3A_46 : vector<1024x8xi32>
    %broadcast_in_dim3A_48 = vector.shape_cast %broadcast_in_dim3A_40 : vector<1024x1xf32> to vector<1024x1xf32>
    %broadcast_in_dim3A_49 = vector.broadcast %broadcast_in_dim3A_48 : vector<1024x1xf32> to vector<1024x8xf32>
    %select_n3A_50 = arith.select %eq3A_47, %broadcast_in_dim3A_49, %broadcast_in_dim3A_35 : vector<1024x8xi1>, vector<1024x8xf32>
    %eq3A_51 = arith.constant 0 : i32
    %eq3A_52 = vector.broadcast %eq3A_51 : i32 to vector<1024x8xi32>
    %eq3A_53 = arith.cmpi eq, %iota3A_33, %eq3A_52 : vector<1024x8xi32>
    %broadcast_in_dim3A_54 = vector.shape_cast %broadcast_in_dim3A_44 : vector<1024x1xi32> to vector<1024x1xi32>
    %broadcast_in_dim3A_55 = vector.broadcast %broadcast_in_dim3A_54 : vector<1024x1xi32> to vector<1024x8xi32>
    %select_n3A_56 = arith.select %eq3A_53, %broadcast_in_dim3A_55, %broadcast_in_dim3A_37 : vector<1024x8xi1>, vector<1024x8xi32>
    %eq3A_57 = vector.broadcast %broadcast_in_dim3A_44 : vector<1024x1xi32> to vector<1024x1024xi32>
    %eq3A_58 = arith.cmpi eq, %iota3A, %eq3A_57 : vector<1024x1024xi32>
    %jit3A_59 = arith.constant 0xFF800000 : f32
    %broadcast_in_dim3A_60 = vector.broadcast %jit3A_59 : f32 to vector<1024x1024xf32>
    %select_n3A_61 = arith.select %eq3A_58, %broadcast_in_dim3A_60, %add3A_32 : vector<1024x1024xi1>, vector<1024x1024xf32>
    %reduce_max3A_62 = arith.constant dense<0xFF800000> : vector<1024xf32>
    %reduce_max3A_63 = vector.multi_reduction <maximumf>, %select_n3A_61, %reduce_max3A_62 [1] : vector<1024x1024xf32> to vector<1024xf32>
    %broadcast_in_dim3A_64 = vector.shape_cast %reduce_max3A_63 : vector<1024xf32> to vector<1024x1xf32>
    %eq3A_65 = vector.broadcast %broadcast_in_dim3A_64 : vector<1024x1xf32> to vector<1024x1024xf32>
    %eq3A_66 = arith.cmpf oeq, %select_n3A_61, %eq3A_65 : vector<1024x1024xf32>
    %jit3A_67 = arith.constant 1024 : i32
    %broadcast_in_dim3A_68 = vector.broadcast %jit3A_67 : i32 to vector<1024x1024xi32>
    %select_n3A_69 = arith.select %eq3A_66, %iota3A, %broadcast_in_dim3A_68 : vector<1024x1024xi1>, vector<1024x1024xi32>
    %reduce_min3A_70 = arith.constant dense<2147483647> : vector<1024xi32>
    %reduce_min3A_71 = vector.multi_reduction <minsi>, %select_n3A_69, %reduce_min3A_70 [1] : vector<1024x1024xi32> to vector<1024xi32>
    %broadcast_in_dim3A_72 = vector.shape_cast %reduce_min3A_71 : vector<1024xi32> to vector<1024x1xi32>
    %eq3A_73 = arith.constant 1 : i32
    %eq3A_74 = vector.broadcast %eq3A_73 : i32 to vector<1024x8xi32>
    %eq3A_75 = arith.cmpi eq, %iota3A_33, %eq3A_74 : vector<1024x8xi32>
    %broadcast_in_dim3A_76 = vector.shape_cast %broadcast_in_dim3A_64 : vector<1024x1xf32> to vector<1024x1xf32>
    %broadcast_in_dim3A_77 = vector.broadcast %broadcast_in_dim3A_76 : vector<1024x1xf32> to vector<1024x8xf32>
    %select_n3A_78 = arith.select %eq3A_75, %broadcast_in_dim3A_77, %select_n3A_50 : vector<1024x8xi1>, vector<1024x8xf32>
    %eq3A_79 = arith.constant 1 : i32
    %eq3A_80 = vector.broadcast %eq3A_79 : i32 to vector<1024x8xi32>
    %eq3A_81 = arith.cmpi eq, %iota3A_33, %eq3A_80 : vector<1024x8xi32>
    %broadcast_in_dim3A_82 = vector.shape_cast %broadcast_in_dim3A_72 : vector<1024x1xi32> to vector<1024x1xi32>
    %broadcast_in_dim3A_83 = vector.broadcast %broadcast_in_dim3A_82 : vector<1024x1xi32> to vector<1024x8xi32>
    %select_n3A_84 = arith.select %eq3A_81, %broadcast_in_dim3A_83, %select_n3A_56 : vector<1024x8xi1>, vector<1024x8xi32>
    %eq3A_85 = vector.broadcast %broadcast_in_dim3A_72 : vector<1024x1xi32> to vector<1024x1024xi32>
    %eq3A_86 = arith.cmpi eq, %iota3A, %eq3A_85 : vector<1024x1024xi32>
    %jit3A_87 = arith.constant 0xFF800000 : f32
    %broadcast_in_dim3A_88 = vector.broadcast %jit3A_87 : f32 to vector<1024x1024xf32>
    %select_n3A_89 = arith.select %eq3A_86, %broadcast_in_dim3A_88, %select_n3A_61 : vector<1024x1024xi1>, vector<1024x1024xf32>
    %reduce_max3A_90 = arith.constant dense<0xFF800000> : vector<1024xf32>
    %reduce_max3A_91 = vector.multi_reduction <maximumf>, %select_n3A_89, %reduce_max3A_90 [1] : vector<1024x1024xf32> to vector<1024xf32>
    %broadcast_in_dim3A_92 = vector.shape_cast %reduce_max3A_91 : vector<1024xf32> to vector<1024x1xf32>
    %eq3A_93 = vector.broadcast %broadcast_in_dim3A_92 : vector<1024x1xf32> to vector<1024x1024xf32>
    %eq3A_94 = arith.cmpf oeq, %select_n3A_89, %eq3A_93 : vector<1024x1024xf32>
    %jit3A_95 = arith.constant 1024 : i32
    %broadcast_in_dim3A_96 = vector.broadcast %jit3A_95 : i32 to vector<1024x1024xi32>
    %select_n3A_97 = arith.select %eq3A_94, %iota3A, %broadcast_in_dim3A_96 : vector<1024x1024xi1>, vector<1024x1024xi32>
    %reduce_min3A_98 = arith.constant dense<2147483647> : vector<1024xi32>
    %reduce_min3A_99 = vector.multi_reduction <minsi>, %select_n3A_97, %reduce_min3A_98 [1] : vector<1024x1024xi32> to vector<1024xi32>
    %broadcast_in_dim3A_100 = vector.shape_cast %reduce_min3A_99 : vector<1024xi32> to vector<1024x1xi32>
    %eq3A_101 = arith.constant 2 : i32
    %eq3A_102 = vector.broadcast %eq3A_101 : i32 to vector<1024x8xi32>
    %eq3A_103 = arith.cmpi eq, %iota3A_33, %eq3A_102 : vector<1024x8xi32>
    %broadcast_in_dim3A_104 = vector.shape_cast %broadcast_in_dim3A_92 : vector<1024x1xf32> to vector<1024x1xf32>
    %broadcast_in_dim3A_105 = vector.broadcast %broadcast_in_dim3A_104 : vector<1024x1xf32> to vector<1024x8xf32>
    %select_n3A_106 = arith.select %eq3A_103, %broadcast_in_dim3A_105, %select_n3A_78 : vector<1024x8xi1>, vector<1024x8xf32>
    %eq3A_107 = arith.constant 2 : i32
    %eq3A_108 = vector.broadcast %eq3A_107 : i32 to vector<1024x8xi32>
    %eq3A_109 = arith.cmpi eq, %iota3A_33, %eq3A_108 : vector<1024x8xi32>
    %broadcast_in_dim3A_110 = vector.shape_cast %broadcast_in_dim3A_100 : vector<1024x1xi32> to vector<1024x1xi32>
    %broadcast_in_dim3A_111 = vector.broadcast %broadcast_in_dim3A_110 : vector<1024x1xi32> to vector<1024x8xi32>
    %select_n3A_112 = arith.select %eq3A_109, %broadcast_in_dim3A_111, %select_n3A_84 : vector<1024x8xi1>, vector<1024x8xi32>
    %eq3A_113 = vector.broadcast %broadcast_in_dim3A_100 : vector<1024x1xi32> to vector<1024x1024xi32>
    %eq3A_114 = arith.cmpi eq, %iota3A, %eq3A_113 : vector<1024x1024xi32>
    %jit3A_115 = arith.constant 0xFF800000 : f32
    %broadcast_in_dim3A_116 = vector.broadcast %jit3A_115 : f32 to vector<1024x1024xf32>
    %select_n3A_117 = arith.select %eq3A_114, %broadcast_in_dim3A_116, %select_n3A_89 : vector<1024x1024xi1>, vector<1024x1024xf32>
    %reduce_max3A_118 = arith.constant dense<0xFF800000> : vector<1024xf32>
    %reduce_max3A_119 = vector.multi_reduction <maximumf>, %select_n3A_117, %reduce_max3A_118 [1] : vector<1024x1024xf32> to vector<1024xf32>
    %broadcast_in_dim3A_120 = vector.shape_cast %reduce_max3A_119 : vector<1024xf32> to vector<1024x1xf32>
    %eq3A_121 = vector.broadcast %broadcast_in_dim3A_120 : vector<1024x1xf32> to vector<1024x1024xf32>
    %eq3A_122 = arith.cmpf oeq, %select_n3A_117, %eq3A_121 : vector<1024x1024xf32>
    %jit3A_123 = arith.constant 1024 : i32
    %broadcast_in_dim3A_124 = vector.broadcast %jit3A_123 : i32 to vector<1024x1024xi32>
    %select_n3A_125 = arith.select %eq3A_122, %iota3A, %broadcast_in_dim3A_124 : vector<1024x1024xi1>, vector<1024x1024xi32>
    %reduce_min3A_126 = arith.constant dense<2147483647> : vector<1024xi32>
    %reduce_min3A_127 = vector.multi_reduction <minsi>, %select_n3A_125, %reduce_min3A_126 [1] : vector<1024x1024xi32> to vector<1024xi32>
    %broadcast_in_dim3A_128 = vector.shape_cast %reduce_min3A_127 : vector<1024xi32> to vector<1024x1xi32>
    %eq3A_129 = arith.constant 3 : i32
    %eq3A_130 = vector.broadcast %eq3A_129 : i32 to vector<1024x8xi32>
    %eq3A_131 = arith.cmpi eq, %iota3A_33, %eq3A_130 : vector<1024x8xi32>
    %broadcast_in_dim3A_132 = vector.shape_cast %broadcast_in_dim3A_120 : vector<1024x1xf32> to vector<1024x1xf32>
    %broadcast_in_dim3A_133 = vector.broadcast %broadcast_in_dim3A_132 : vector<1024x1xf32> to vector<1024x8xf32>
    %select_n3A_134 = arith.select %eq3A_131, %broadcast_in_dim3A_133, %select_n3A_106 : vector<1024x8xi1>, vector<1024x8xf32>
    %eq3A_135 = arith.constant 3 : i32
    %eq3A_136 = vector.broadcast %eq3A_135 : i32 to vector<1024x8xi32>
    %eq3A_137 = arith.cmpi eq, %iota3A_33, %eq3A_136 : vector<1024x8xi32>
    %broadcast_in_dim3A_138 = vector.shape_cast %broadcast_in_dim3A_128 : vector<1024x1xi32> to vector<1024x1xi32>
    %broadcast_in_dim3A_139 = vector.broadcast %broadcast_in_dim3A_138 : vector<1024x1xi32> to vector<1024x8xi32>
    %select_n3A_140 = arith.select %eq3A_137, %broadcast_in_dim3A_139, %select_n3A_112 : vector<1024x8xi1>, vector<1024x8xi32>
    %eq3A_141 = vector.broadcast %broadcast_in_dim3A_128 : vector<1024x1xi32> to vector<1024x1024xi32>
    %eq3A_142 = arith.cmpi eq, %iota3A, %eq3A_141 : vector<1024x1024xi32>
    %jit3A_143 = arith.constant 0xFF800000 : f32
    %broadcast_in_dim3A_144 = vector.broadcast %jit3A_143 : f32 to vector<1024x1024xf32>
    %select_n3A_145 = arith.select %eq3A_142, %broadcast_in_dim3A_144, %select_n3A_117 : vector<1024x1024xi1>, vector<1024x1024xf32>
    %reduce_max3A_146 = arith.constant dense<0xFF800000> : vector<1024xf32>
    %reduce_max3A_147 = vector.multi_reduction <maximumf>, %select_n3A_145, %reduce_max3A_146 [1] : vector<1024x1024xf32> to vector<1024xf32>
    %broadcast_in_dim3A_148 = vector.shape_cast %reduce_max3A_147 : vector<1024xf32> to vector<1024x1xf32>
    %eq3A_149 = vector.broadcast %broadcast_in_dim3A_148 : vector<1024x1xf32> to vector<1024x1024xf32>
    %eq3A_150 = arith.cmpf oeq, %select_n3A_145, %eq3A_149 : vector<1024x1024xf32>
    %jit3A_151 = arith.constant 1024 : i32
    %broadcast_in_dim3A_152 = vector.broadcast %jit3A_151 : i32 to vector<1024x1024xi32>
    %select_n3A_153 = arith.select %eq3A_150, %iota3A, %broadcast_in_dim3A_152 : vector<1024x1024xi1>, vector<1024x1024xi32>
    %reduce_min3A_154 = arith.constant dense<2147483647> : vector<1024xi32>
    %reduce_min3A_155 = vector.multi_reduction <minsi>, %select_n3A_153, %reduce_min3A_154 [1] : vector<1024x1024xi32> to vector<1024xi32>
    %broadcast_in_dim3A_156 = vector.shape_cast %reduce_min3A_155 : vector<1024xi32> to vector<1024x1xi32>
    %eq3A_157 = arith.constant 4 : i32
    %eq3A_158 = vector.broadcast %eq3A_157 : i32 to vector<1024x8xi32>
    %eq3A_159 = arith.cmpi eq, %iota3A_33, %eq3A_158 : vector<1024x8xi32>
    %broadcast_in_dim3A_160 = vector.shape_cast %broadcast_in_dim3A_148 : vector<1024x1xf32> to vector<1024x1xf32>
    %broadcast_in_dim3A_161 = vector.broadcast %broadcast_in_dim3A_160 : vector<1024x1xf32> to vector<1024x8xf32>
    %select_n3A_162 = arith.select %eq3A_159, %broadcast_in_dim3A_161, %select_n3A_134 : vector<1024x8xi1>, vector<1024x8xf32>
    %eq3A_163 = arith.constant 4 : i32
    %eq3A_164 = vector.broadcast %eq3A_163 : i32 to vector<1024x8xi32>
    %eq3A_165 = arith.cmpi eq, %iota3A_33, %eq3A_164 : vector<1024x8xi32>
    %broadcast_in_dim3A_166 = vector.shape_cast %broadcast_in_dim3A_156 : vector<1024x1xi32> to vector<1024x1xi32>
    %broadcast_in_dim3A_167 = vector.broadcast %broadcast_in_dim3A_166 : vector<1024x1xi32> to vector<1024x8xi32>
    %select_n3A_168 = arith.select %eq3A_165, %broadcast_in_dim3A_167, %select_n3A_140 : vector<1024x8xi1>, vector<1024x8xi32>
    %eq3A_169 = vector.broadcast %broadcast_in_dim3A_156 : vector<1024x1xi32> to vector<1024x1024xi32>
    %eq3A_170 = arith.cmpi eq, %iota3A, %eq3A_169 : vector<1024x1024xi32>
    %jit3A_171 = arith.constant 0xFF800000 : f32
    %broadcast_in_dim3A_172 = vector.broadcast %jit3A_171 : f32 to vector<1024x1024xf32>
    %select_n3A_173 = arith.select %eq3A_170, %broadcast_in_dim3A_172, %select_n3A_145 : vector<1024x1024xi1>, vector<1024x1024xf32>
    %reduce_max3A_174 = arith.constant dense<0xFF800000> : vector<1024xf32>
    %reduce_max3A_175 = vector.multi_reduction <maximumf>, %select_n3A_173, %reduce_max3A_174 [1] : vector<1024x1024xf32> to vector<1024xf32>
    %broadcast_in_dim3A_176 = vector.shape_cast %reduce_max3A_175 : vector<1024xf32> to vector<1024x1xf32>
    %eq3A_177 = vector.broadcast %broadcast_in_dim3A_176 : vector<1024x1xf32> to vector<1024x1024xf32>
    %eq3A_178 = arith.cmpf oeq, %select_n3A_173, %eq3A_177 : vector<1024x1024xf32>
    %jit3A_179 = arith.constant 1024 : i32
    %broadcast_in_dim3A_180 = vector.broadcast %jit3A_179 : i32 to vector<1024x1024xi32>
    %select_n3A_181 = arith.select %eq3A_178, %iota3A, %broadcast_in_dim3A_180 : vector<1024x1024xi1>, vector<1024x1024xi32>
    %reduce_min3A_182 = arith.constant dense<2147483647> : vector<1024xi32>
    %reduce_min3A_183 = vector.multi_reduction <minsi>, %select_n3A_181, %reduce_min3A_182 [1] : vector<1024x1024xi32> to vector<1024xi32>
    %broadcast_in_dim3A_184 = vector.shape_cast %reduce_min3A_183 : vector<1024xi32> to vector<1024x1xi32>
    %eq3A_185 = arith.constant 5 : i32
    %eq3A_186 = vector.broadcast %eq3A_185 : i32 to vector<1024x8xi32>
    %eq3A_187 = arith.cmpi eq, %iota3A_33, %eq3A_186 : vector<1024x8xi32>
    %broadcast_in_dim3A_188 = vector.shape_cast %broadcast_in_dim3A_176 : vector<1024x1xf32> to vector<1024x1xf32>
    %broadcast_in_dim3A_189 = vector.broadcast %broadcast_in_dim3A_188 : vector<1024x1xf32> to vector<1024x8xf32>
    %select_n3A_190 = arith.select %eq3A_187, %broadcast_in_dim3A_189, %select_n3A_162 : vector<1024x8xi1>, vector<1024x8xf32>
    %eq3A_191 = arith.constant 5 : i32
    %eq3A_192 = vector.broadcast %eq3A_191 : i32 to vector<1024x8xi32>
    %eq3A_193 = arith.cmpi eq, %iota3A_33, %eq3A_192 : vector<1024x8xi32>
    %broadcast_in_dim3A_194 = vector.shape_cast %broadcast_in_dim3A_184 : vector<1024x1xi32> to vector<1024x1xi32>
    %broadcast_in_dim3A_195 = vector.broadcast %broadcast_in_dim3A_194 : vector<1024x1xi32> to vector<1024x8xi32>
    %select_n3A_196 = arith.select %eq3A_193, %broadcast_in_dim3A_195, %select_n3A_168 : vector<1024x8xi1>, vector<1024x8xi32>
    %eq3A_197 = vector.broadcast %broadcast_in_dim3A_184 : vector<1024x1xi32> to vector<1024x1024xi32>
    %eq3A_198 = arith.cmpi eq, %iota3A, %eq3A_197 : vector<1024x1024xi32>
    %jit3A_199 = arith.constant 0xFF800000 : f32
    %broadcast_in_dim3A_200 = vector.broadcast %jit3A_199 : f32 to vector<1024x1024xf32>
    %select_n3A_201 = arith.select %eq3A_198, %broadcast_in_dim3A_200, %select_n3A_173 : vector<1024x1024xi1>, vector<1024x1024xf32>
    %reduce_max3A_202 = arith.constant dense<0xFF800000> : vector<1024xf32>
    %reduce_max3A_203 = vector.multi_reduction <maximumf>, %select_n3A_201, %reduce_max3A_202 [1] : vector<1024x1024xf32> to vector<1024xf32>
    %broadcast_in_dim3A_204 = vector.shape_cast %reduce_max3A_203 : vector<1024xf32> to vector<1024x1xf32>
    %eq3A_205 = vector.broadcast %broadcast_in_dim3A_204 : vector<1024x1xf32> to vector<1024x1024xf32>
    %eq3A_206 = arith.cmpf oeq, %select_n3A_201, %eq3A_205 : vector<1024x1024xf32>
    %jit3A_207 = arith.constant 1024 : i32
    %broadcast_in_dim3A_208 = vector.broadcast %jit3A_207 : i32 to vector<1024x1024xi32>
    %select_n3A_209 = arith.select %eq3A_206, %iota3A, %broadcast_in_dim3A_208 : vector<1024x1024xi1>, vector<1024x1024xi32>
    %reduce_min3A_210 = arith.constant dense<2147483647> : vector<1024xi32>
    %reduce_min3A_211 = vector.multi_reduction <minsi>, %select_n3A_209, %reduce_min3A_210 [1] : vector<1024x1024xi32> to vector<1024xi32>
    %broadcast_in_dim3A_212 = vector.shape_cast %reduce_min3A_211 : vector<1024xi32> to vector<1024x1xi32>
    %eq3A_213 = arith.constant 6 : i32
    %eq3A_214 = vector.broadcast %eq3A_213 : i32 to vector<1024x8xi32>
    %eq3A_215 = arith.cmpi eq, %iota3A_33, %eq3A_214 : vector<1024x8xi32>
    %broadcast_in_dim3A_216 = vector.shape_cast %broadcast_in_dim3A_204 : vector<1024x1xf32> to vector<1024x1xf32>
    %broadcast_in_dim3A_217 = vector.broadcast %broadcast_in_dim3A_216 : vector<1024x1xf32> to vector<1024x8xf32>
    %select_n3A_218 = arith.select %eq3A_215, %broadcast_in_dim3A_217, %select_n3A_190 : vector<1024x8xi1>, vector<1024x8xf32>
    %eq3A_219 = arith.constant 6 : i32
    %eq3A_220 = vector.broadcast %eq3A_219 : i32 to vector<1024x8xi32>
    %eq3A_221 = arith.cmpi eq, %iota3A_33, %eq3A_220 : vector<1024x8xi32>
    %broadcast_in_dim3A_222 = vector.shape_cast %broadcast_in_dim3A_212 : vector<1024x1xi32> to vector<1024x1xi32>
    %broadcast_in_dim3A_223 = vector.broadcast %broadcast_in_dim3A_222 : vector<1024x1xi32> to vector<1024x8xi32>
    %select_n3A_224 = arith.select %eq3A_221, %broadcast_in_dim3A_223, %select_n3A_196 : vector<1024x8xi1>, vector<1024x8xi32>
    %eq3A_225 = vector.broadcast %broadcast_in_dim3A_212 : vector<1024x1xi32> to vector<1024x1024xi32>
    %eq3A_226 = arith.cmpi eq, %iota3A, %eq3A_225 : vector<1024x1024xi32>
    %jit3A_227 = arith.constant 0xFF800000 : f32
    %broadcast_in_dim3A_228 = vector.broadcast %jit3A_227 : f32 to vector<1024x1024xf32>
    %select_n3A_229 = arith.select %eq3A_226, %broadcast_in_dim3A_228, %select_n3A_201 : vector<1024x1024xi1>, vector<1024x1024xf32>
    %reduce_max3A_230 = arith.constant dense<0xFF800000> : vector<1024xf32>
    %reduce_max3A_231 = vector.multi_reduction <maximumf>, %select_n3A_229, %reduce_max3A_230 [1] : vector<1024x1024xf32> to vector<1024xf32>
    %broadcast_in_dim3A_232 = vector.shape_cast %reduce_max3A_231 : vector<1024xf32> to vector<1024x1xf32>
    %eq3A_233 = vector.broadcast %broadcast_in_dim3A_232 : vector<1024x1xf32> to vector<1024x1024xf32>
    %eq3A_234 = arith.cmpf oeq, %select_n3A_229, %eq3A_233 : vector<1024x1024xf32>
    %jit3A_235 = arith.constant 1024 : i32
    %broadcast_in_dim3A_236 = vector.broadcast %jit3A_235 : i32 to vector<1024x1024xi32>
    %select_n3A_237 = arith.select %eq3A_234, %iota3A, %broadcast_in_dim3A_236 : vector<1024x1024xi1>, vector<1024x1024xi32>
    %reduce_min3A_238 = arith.constant dense<2147483647> : vector<1024xi32>
    %reduce_min3A_239 = vector.multi_reduction <minsi>, %select_n3A_237, %reduce_min3A_238 [1] : vector<1024x1024xi32> to vector<1024xi32>
    %broadcast_in_dim3A_240 = vector.shape_cast %reduce_min3A_239 : vector<1024xi32> to vector<1024x1xi32>
    %eq3A_241 = arith.constant 7 : i32
    %eq3A_242 = vector.broadcast %eq3A_241 : i32 to vector<1024x8xi32>
    %eq3A_243 = arith.cmpi eq, %iota3A_33, %eq3A_242 : vector<1024x8xi32>
    %broadcast_in_dim3A_244 = vector.shape_cast %broadcast_in_dim3A_232 : vector<1024x1xf32> to vector<1024x1xf32>
    %broadcast_in_dim3A_245 = vector.broadcast %broadcast_in_dim3A_244 : vector<1024x1xf32> to vector<1024x8xf32>
    %select_n3A_246 = arith.select %eq3A_243, %broadcast_in_dim3A_245, %select_n3A_218 : vector<1024x8xi1>, vector<1024x8xf32>
    %eq3A_247 = arith.constant 7 : i32
    %eq3A_248 = vector.broadcast %eq3A_247 : i32 to vector<1024x8xi32>
    %eq3A_249 = arith.cmpi eq, %iota3A_33, %eq3A_248 : vector<1024x8xi32>
    %broadcast_in_dim3A_250 = vector.shape_cast %broadcast_in_dim3A_240 : vector<1024x1xi32> to vector<1024x1xi32>
    %broadcast_in_dim3A_251 = vector.broadcast %broadcast_in_dim3A_250 : vector<1024x1xi32> to vector<1024x8xi32>
    %select_n3A_252 = arith.select %eq3A_249, %broadcast_in_dim3A_251, %select_n3A_224 : vector<1024x8xi1>, vector<1024x8xi32>
    %slice3A_253 = vector.extract_strided_slice %select_n3A_246 {offsets = [0, 0], sizes = [1024, 1], strides = [1, 1]} : vector<1024x8xf32> to vector<1024x1xf32>
    %sub3A_254 = vector.broadcast %slice3A_253 : vector<1024x1xf32> to vector<1024x8xf32>
    %sub3A_255 = arith.subf %select_n3A_246, %sub3A_254 : vector<1024x8xf32>
    %exp3A_256 = math.exp %sub3A_255 : vector<1024x8xf32>
    %reduce_sum3A_257 = arith.constant dense<0.000000e+00> : vector<1024xf32>
    %reduce_sum3A_258 = vector.multi_reduction <add>, %exp3A_256, %reduce_sum3A_257 [1] : vector<1024x8xf32> to vector<1024xf32>
    %broadcast_in_dim3A_259 = vector.shape_cast %reduce_sum3A_258 : vector<1024xf32> to vector<1024x1xf32>
    %div3A_260 = vector.broadcast %broadcast_in_dim3A_259 : vector<1024x1xf32> to vector<1024x8xf32>
    %div3A_261 = arith.divf %exp3A_256, %div3A_260 : vector<1024x8xf32>
    %swap3A = arith.constant 0 : index
    %swap3A_262 = arith.constant 0 : index
    %swap3A_263 = vector.load %arg6[%swap3A, %swap3A_262] : memref<1024x8xi32, #tpu.memory_space<vmem>>, vector<1024x8xi32>
    tpu.vector_store %arg6[%swap3A, %swap3A_262], %select_n3A_252 {strides = array<i32>} : memref<1024x8xi32, #tpu.memory_space<vmem>>, vector<1024x8xi32>,
    %swap3A_264 = arith.constant 0 : index
    %swap3A_265 = arith.constant 0 : index
    %swap3A_266 = vector.load %arg7[%swap3A_264, %swap3A_265] : memref<1024x8xf32, #tpu.memory_space<vmem>>, vector<1024x8xf32>
    tpu.vector_store %arg7[%swap3A_264, %swap3A_265], %div3A_261 {strides = array<i32>} : memref<1024x8xf32, #tpu.memory_space<vmem>>, vector<1024x8xf32>,
    %broadcast_in_dim3A_267 = arith.constant 0.000000e+00 : f32
    %broadcast_in_dim3A_268 = vector.broadcast %broadcast_in_dim3A_267 : f32 to vector<1024x1024xf32>
    %eq3A_269 = vector.broadcast %broadcast_in_dim3A_44 : vector<1024x1xi32> to vector<1024x1024xi32>
    %eq3A_270 = arith.cmpi eq, %iota3A, %eq3A_269 : vector<1024x1024xi32>
    %slice3A_271 = vector.extract_strided_slice %div3A_261 {offsets = [0, 0], sizes = [1024, 1], strides = [1, 1]} : vector<1024x8xf32> to vector<1024x1xf32>
    %jit3A_272 = arith.constant 0.000000e+00 : f32
    %broadcast_in_dim3A_273 = vector.shape_cast %slice3A_271 : vector<1024x1xf32> to vector<1024x1xf32>
    %broadcast_in_dim3A_274 = vector.broadcast %broadcast_in_dim3A_273 : vector<1024x1xf32> to vector<1024x1024xf32>
    %broadcast_in_dim3A_275 = vector.broadcast %jit3A_272 : f32 to vector<1024x1024xf32>
    %select_n3A_276 = arith.select %eq3A_270, %broadcast_in_dim3A_274, %broadcast_in_dim3A_275 : vector<1024x1024xi1>, vector<1024x1024xf32>
    %add3A_277 = arith.addf %broadcast_in_dim3A_268, %select_n3A_276 : vector<1024x1024xf32>
    %eq3A_278 = vector.broadcast %broadcast_in_dim3A_72 : vector<1024x1xi32> to vector<1024x1024xi32>
    %eq3A_279 = arith.cmpi eq, %iota3A, %eq3A_278 : vector<1024x1024xi32>
    %slice3A_280 = vector.extract_strided_slice %div3A_261 {offsets = [0, 1], sizes = [1024, 1], strides = [1, 1]} : vector<1024x8xf32> to vector<1024x1xf32>
    %jit3A_281 = arith.constant 0.000000e+00 : f32
    %broadcast_in_dim3A_282 = vector.shape_cast %slice3A_280 : vector<1024x1xf32> to vector<1024x1xf32>
    %broadcast_in_dim3A_283 = vector.broadcast %broadcast_in_dim3A_282 : vector<1024x1xf32> to vector<1024x1024xf32>
    %broadcast_in_dim3A_284 = vector.broadcast %jit3A_281 : f32 to vector<1024x1024xf32>
    %select_n3A_285 = arith.select %eq3A_279, %broadcast_in_dim3A_283, %broadcast_in_dim3A_284 : vector<1024x1024xi1>, vector<1024x1024xf32>
    %add3A_286 = arith.addf %add3A_277, %select_n3A_285 : vector<1024x1024xf32>
    %eq3A_287 = vector.broadcast %broadcast_in_dim3A_100 : vector<1024x1xi32> to vector<1024x1024xi32>
    %eq3A_288 = arith.cmpi eq, %iota3A, %eq3A_287 : vector<1024x1024xi32>
    %slice3A_289 = vector.extract_strided_slice %div3A_261 {offsets = [0, 2], sizes = [1024, 1], strides = [1, 1]} : vector<1024x8xf32> to vector<1024x1xf32>
    %jit3A_290 = arith.constant 0.000000e+00 : f32
    %broadcast_in_dim3A_291 = vector.shape_cast %slice3A_289 : vector<1024x1xf32> to vector<1024x1xf32>
    %broadcast_in_dim3A_292 = vector.broadcast %broadcast_in_dim3A_291 : vector<1024x1xf32> to vector<1024x1024xf32>
    %broadcast_in_dim3A_293 = vector.broadcast %jit3A_290 : f32 to vector<1024x1024xf32>
    %select_n3A_294 = arith.select %eq3A_288, %broadcast_in_dim3A_292, %broadcast_in_dim3A_293 : vector<1024x1024xi1>, vector<1024x1024xf32>
    %add3A_295 = arith.addf %add3A_286, %select_n3A_294 : vector<1024x1024xf32>
    %eq3A_296 = vector.broadcast %broadcast_in_dim3A_128 : vector<1024x1xi32> to vector<1024x1024xi32>
    %eq3A_297 = arith.cmpi eq, %iota3A, %eq3A_296 : vector<1024x1024xi32>
    %slice3A_298 = vector.extract_strided_slice %div3A_261 {offsets = [0, 3], sizes = [1024, 1], strides = [1, 1]} : vector<1024x8xf32> to vector<1024x1xf32>
    %jit3A_299 = arith.constant 0.000000e+00 : f32
    %broadcast_in_dim3A_300 = vector.shape_cast %slice3A_298 : vector<1024x1xf32> to vector<1024x1xf32>
    %broadcast_in_dim3A_301 = vector.broadcast %broadcast_in_dim3A_300 : vector<1024x1xf32> to vector<1024x1024xf32>
    %broadcast_in_dim3A_302 = vector.broadcast %jit3A_299 : f32 to vector<1024x1024xf32>
    %select_n3A_303 = arith.select %eq3A_297, %broadcast_in_dim3A_301, %broadcast_in_dim3A_302 : vector<1024x1024xi1>, vector<1024x1024xf32>
    %add3A_304 = arith.addf %add3A_295, %select_n3A_303 : vector<1024x1024xf32>
    %eq3A_305 = vector.broadcast %broadcast_in_dim3A_156 : vector<1024x1xi32> to vector<1024x1024xi32>
    %eq3A_306 = arith.cmpi eq, %iota3A, %eq3A_305 : vector<1024x1024xi32>
    %slice3A_307 = vector.extract_strided_slice %div3A_261 {offsets = [0, 4], sizes = [1024, 1], strides = [1, 1]} : vector<1024x8xf32> to vector<1024x1xf32>
    %jit3A_308 = arith.constant 0.000000e+00 : f32
    %broadcast_in_dim3A_309 = vector.shape_cast %slice3A_307 : vector<1024x1xf32> to vector<1024x1xf32>
    %broadcast_in_dim3A_310 = vector.broadcast %broadcast_in_dim3A_309 : vector<1024x1xf32> to vector<1024x1024xf32>
    %broadcast_in_dim3A_311 = vector.broadcast %jit3A_308 : f32 to vector<1024x1024xf32>
    %select_n3A_312 = arith.select %eq3A_306, %broadcast_in_dim3A_310, %broadcast_in_dim3A_311 : vector<1024x1024xi1>, vector<1024x1024xf32>
    %add3A_313 = arith.addf %add3A_304, %select_n3A_312 : vector<1024x1024xf32>
    %eq3A_314 = vector.broadcast %broadcast_in_dim3A_184 : vector<1024x1xi32> to vector<1024x1024xi32>
    %eq3A_315 = arith.cmpi eq, %iota3A, %eq3A_314 : vector<1024x1024xi32>
    %slice3A_316 = vector.extract_strided_slice %div3A_261 {offsets = [0, 5], sizes = [1024, 1], strides = [1, 1]} : vector<1024x8xf32> to vector<1024x1xf32>
    %jit3A_317 = arith.constant 0.000000e+00 : f32
    %broadcast_in_dim3A_318 = vector.shape_cast %slice3A_316 : vector<1024x1xf32> to vector<1024x1xf32>
    %broadcast_in_dim3A_319 = vector.broadcast %broadcast_in_dim3A_318 : vector<1024x1xf32> to vector<1024x1024xf32>
    %broadcast_in_dim3A_320 = vector.broadcast %jit3A_317 : f32 to vector<1024x1024xf32>
    %select_n3A_321 = arith.select %eq3A_315, %broadcast_in_dim3A_319, %broadcast_in_dim3A_320 : vector<1024x1024xi1>, vector<1024x1024xf32>
    %add3A_322 = arith.addf %add3A_313, %select_n3A_321 : vector<1024x1024xf32>
    %eq3A_323 = vector.broadcast %broadcast_in_dim3A_212 : vector<1024x1xi32> to vector<1024x1024xi32>
    %eq3A_324 = arith.cmpi eq, %iota3A, %eq3A_323 : vector<1024x1024xi32>
    %slice3A_325 = vector.extract_strided_slice %div3A_261 {offsets = [0, 6], sizes = [1024, 1], strides = [1, 1]} : vector<1024x8xf32> to vector<1024x1xf32>
    %jit3A_326 = arith.constant 0.000000e+00 : f32
    %broadcast_in_dim3A_327 = vector.shape_cast %slice3A_325 : vector<1024x1xf32> to vector<1024x1xf32>
    %broadcast_in_dim3A_328 = vector.broadcast %broadcast_in_dim3A_327 : vector<1024x1xf32> to vector<1024x1024xf32>
    %broadcast_in_dim3A_329 = vector.broadcast %jit3A_326 : f32 to vector<1024x1024xf32>
    %select_n3A_330 = arith.select %eq3A_324, %broadcast_in_dim3A_328, %broadcast_in_dim3A_329 : vector<1024x1024xi1>, vector<1024x1024xf32>
    %add3A_331 = arith.addf %add3A_322, %select_n3A_330 : vector<1024x1024xf32>
    %eq3A_332 = vector.broadcast %broadcast_in_dim3A_240 : vector<1024x1xi32> to vector<1024x1024xi32>
    %eq3A_333 = arith.cmpi eq, %iota3A, %eq3A_332 : vector<1024x1024xi32>
    %slice3A_334 = vector.extract_strided_slice %div3A_261 {offsets = [0, 7], sizes = [1024, 1], strides = [1, 1]} : vector<1024x8xf32> to vector<1024x1xf32>
    %jit3A_335 = arith.constant 0.000000e+00 : f32
    %broadcast_in_dim3A_336 = vector.shape_cast %slice3A_334 : vector<1024x1xf32> to vector<1024x1xf32>
    %broadcast_in_dim3A_337 = vector.broadcast %broadcast_in_dim3A_336 : vector<1024x1xf32> to vector<1024x1024xf32>
    %broadcast_in_dim3A_338 = vector.broadcast %jit3A_335 : f32 to vector<1024x1024xf32>
    %select_n3A_339 = arith.select %eq3A_333, %broadcast_in_dim3A_337, %broadcast_in_dim3A_338 : vector<1024x1024xi1>, vector<1024x1024xf32>
    %add3A_340 = arith.addf %add3A_331, %select_n3A_339 : vector<1024x1024xf32>
    %swap3A_341 = arith.constant 0 : index
    %swap3A_342 = arith.constant 0 : index
    %swap3A_343 = vector.load %arg8[%swap3A_341, %swap3A_342] : memref<1024x1024xf32, #tpu.memory_space<vmem>>, vector<1024x1024xf32>
    tpu.vector_store %arg8[%swap3A_341, %swap3A_342], %add3A_340 {strides = array<i32>} : memref<1024x1024xf32, #tpu.memory_space<vmem>>, vector<1024x1024xf32>,
    return
  }
  func.func @transform_0(%arg0: i32) -> (i32, i32) {
    %c0_i32 = arith.constant 0 : i32
    %c0_i32_0 = arith.constant 0 : i32
    return %arg0, %c0_i32 : i32, i32
  }
  func.func @transform_1(%arg0: i32) -> (i32, i32) {
    %c0_i32 = arith.constant 0 : i32
    %c0_i32_0 = arith.constant 0 : i32
    return %arg0, %c0_i32 : i32, i32
  }
  func.func @transform_2(%arg0: i32) -> (i32, i32) {
    %c0_i32 = arith.constant 0 : i32
    %c0_i32_0 = arith.constant 0 : i32
    %c0_i32_1 = arith.constant 0 : i32
    return %c0_i32, %c0_i32_0 : i32, i32
  }
  func.func @transform_3(%arg0: i32) -> (i32, i32) {
    %c0_i32 = arith.constant 0 : i32
    %c0_i32_0 = arith.constant 0 : i32
    %c0_i32_1 = arith.constant 0 : i32
    return %c0_i32, %c0_i32_0 : i32, i32
  }
  func.func @transform_4(%arg0: i32) -> (i32, i32) {
    %c0_i32 = arith.constant 0 : i32
    %c0_i32_0 = arith.constant 0 : i32
    %c0_i32_1 = arith.constant 0 : i32
    return %c0_i32, %c0_i32_0 : i32, i32
  }
  func.func @transform_5(%arg0: i32) -> (i32, i32) {
    %c0_i32 = arith.constant 0 : i32
    %c0_i32_0 = arith.constant 0 : i32
    return %arg0, %c0_i32 : i32, i32
  }
  func.func @transform_6(%arg0: i32) -> (i32, i32) {
    %c0_i32 = arith.constant 0 : i32
    %c0_i32_0 = arith.constant 0 : i32
    return %arg0, %c0_i32 : i32, i32
  }
  func.func @transform_7(%arg0: i32) -> (i32, i32) {
    %c0_i32 = arith.constant 0 : i32
    %c0_i32_0 = arith.constant 0 : i32
    return %arg0, %c0_i32 : i32, i32
  }
}

module attributes {stable_mosaic.version = 14 : i64} {
  func.func @_qkv_body(%arg0: i32, %arg1: memref<1024x1024xf32, #tpu.memory_space<vmem>>, %arg2: memref<1024x1024xf32, #tpu.memory_space<vmem>>, %arg3: memref<1024x1024xf32, #tpu.memory_space<vmem>>, %arg4: memref<1024x1024xf32, #tpu.memory_space<vmem>>, %arg5: memref<1x1024xf32, #tpu.memory_space<vmem>>, %arg6: memref<1x1024xf32, #tpu.memory_space<vmem>>, %arg7: memref<1x1024xf32, #tpu.memory_space<vmem>>, %arg8: memref<1024x1024xf32, #tpu.memory_space<vmem>>, %arg9: memref<1024x1024xf32, #tpu.memory_space<vmem>>, %arg10: memref<1024x1024xf32, #tpu.memory_space<vmem>>) attributes {dimension_semantics = [#tpu.dimension_semantics<arbitrary>], iteration_bounds = array<i64: 2>, scalar_prefetch = 0 : i64, scratch_operands = 0 : i64, tpu.core_type = #tpu.core_type<tc>, window_params = [{transform_indices = @transform_0, window_bounds = array<i64: 1024, 1024>}, {pipeline_mode = #tpu.pipeline_mode<synchronous>, transform_indices = @transform_1, window_bounds = array<i64: 1024, 1024>}, {pipeline_mode = #tpu.pipeline_mode<synchronous>, transform_indices = @transform_2, window_bounds = array<i64: 1024, 1024>}, {pipeline_mode = #tpu.pipeline_mode<synchronous>, transform_indices = @transform_3, window_bounds = array<i64: 1024, 1024>}, {pipeline_mode = #tpu.pipeline_mode<synchronous>, transform_indices = @transform_4, window_bounds = array<i64: 1, 1024>}, {pipeline_mode = #tpu.pipeline_mode<synchronous>, transform_indices = @transform_5, window_bounds = array<i64: 1, 1024>}, {pipeline_mode = #tpu.pipeline_mode<synchronous>, transform_indices = @transform_6, window_bounds = array<i64: 1, 1024>}, {transform_indices = @transform_7, window_bounds = array<i64: 1024, 1024>}, {transform_indices = @transform_8, window_bounds = array<i64: 1024, 1024>}, {transform_indices = @transform_9, window_bounds = array<i64: 1024, 1024>}]} {
    %get3A = arith.constant 0 : index
    %get3A_0 = arith.constant 0 : index
    %get3A_1 = vector.load %arg1[%get3A, %get3A_0] : memref<1024x1024xf32, #tpu.memory_space<vmem>>, vector<1024x1024xf32>
    %get3A_2 = arith.constant 0 : index
    %get3A_3 = arith.constant 0 : index
    %get3A_4 = vector.load %arg2[%get3A_2, %get3A_3] : memref<1024x1024xf32, #tpu.memory_space<vmem>>, vector<1024x1024xf32>
    %dot_general3A = arith.constant dense<0.000000e+00> : vector<1024x1024xf32>
    %dot_general3A_5 = tpu.matmul %get3A_1, %get3A_4, %dot_general3A {dimension_numbers = #tpu.dot_dimension_numbers<[1], [0], [0], [1], [0, 0, 1, 1], [], []>, transpose_lhs_hint = false} : vector<1024x1024xf32>, vector<1024x1024xf32>, vector<1024x1024xf32> -> vector<1024x1024xf32>
    %get3A_6 = arith.constant 0 : index
    %get3A_7 = arith.constant 0 : index
    %get3A_8 = vector.load %arg5[%get3A_6, %get3A_7] : memref<1x1024xf32, #tpu.memory_space<vmem>>, vector<1x1024xf32>
    %add3A = vector.broadcast %get3A_8 : vector<1x1024xf32> to vector<1024x1024xf32>
    %add3A_9 = arith.addf %dot_general3A_5, %add3A : vector<1024x1024xf32>
    %swap3A = arith.constant 0 : index
    %swap3A_10 = arith.constant 0 : index
    %swap3A_11 = vector.load %arg8[%swap3A, %swap3A_10] : memref<1024x1024xf32, #tpu.memory_space<vmem>>, vector<1024x1024xf32>
    tpu.vector_store %arg8[%swap3A, %swap3A_10], %add3A_9 {strides = array<i32>} : memref<1024x1024xf32, #tpu.memory_space<vmem>>, vector<1024x1024xf32>,
    %get3A_12 = arith.constant 0 : index
    %get3A_13 = arith.constant 0 : index
    %get3A_14 = vector.load %arg3[%get3A_12, %get3A_13] : memref<1024x1024xf32, #tpu.memory_space<vmem>>, vector<1024x1024xf32>
    %dot_general3A_15 = arith.constant dense<0.000000e+00> : vector<1024x1024xf32>
    %dot_general3A_16 = tpu.matmul %get3A_1, %get3A_14, %dot_general3A_15 {dimension_numbers = #tpu.dot_dimension_numbers<[1], [0], [0], [1], [0, 0, 1, 1], [], []>, transpose_lhs_hint = false} : vector<1024x1024xf32>, vector<1024x1024xf32>, vector<1024x1024xf32> -> vector<1024x1024xf32>
    %get3A_17 = arith.constant 0 : index
    %get3A_18 = arith.constant 0 : index
    %get3A_19 = vector.load %arg6[%get3A_17, %get3A_18] : memref<1x1024xf32, #tpu.memory_space<vmem>>, vector<1x1024xf32>
    %add3A_20 = vector.broadcast %get3A_19 : vector<1x1024xf32> to vector<1024x1024xf32>
    %add3A_21 = arith.addf %dot_general3A_16, %add3A_20 : vector<1024x1024xf32>
    %swap3A_22 = arith.constant 0 : index
    %swap3A_23 = arith.constant 0 : index
    %swap3A_24 = vector.load %arg9[%swap3A_22, %swap3A_23] : memref<1024x1024xf32, #tpu.memory_space<vmem>>, vector<1024x1024xf32>
    tpu.vector_store %arg9[%swap3A_22, %swap3A_23], %add3A_21 {strides = array<i32>} : memref<1024x1024xf32, #tpu.memory_space<vmem>>, vector<1024x1024xf32>,
    %get3A_25 = arith.constant 0 : index
    %get3A_26 = arith.constant 0 : index
    %get3A_27 = vector.load %arg4[%get3A_25, %get3A_26] : memref<1024x1024xf32, #tpu.memory_space<vmem>>, vector<1024x1024xf32>
    %dot_general3A_28 = arith.constant dense<0.000000e+00> : vector<1024x1024xf32>
    %dot_general3A_29 = tpu.matmul %get3A_1, %get3A_27, %dot_general3A_28 {dimension_numbers = #tpu.dot_dimension_numbers<[1], [0], [0], [1], [0, 0, 1, 1], [], []>, transpose_lhs_hint = false} : vector<1024x1024xf32>, vector<1024x1024xf32>, vector<1024x1024xf32> -> vector<1024x1024xf32>
    %get3A_30 = arith.constant 0 : index
    %get3A_31 = arith.constant 0 : index
    %get3A_32 = vector.load %arg7[%get3A_30, %get3A_31] : memref<1x1024xf32, #tpu.memory_space<vmem>>, vector<1x1024xf32>
    %add3A_33 = vector.broadcast %get3A_32 : vector<1x1024xf32> to vector<1024x1024xf32>
    %add3A_34 = arith.addf %dot_general3A_29, %add3A_33 : vector<1024x1024xf32>
    %swap3A_35 = arith.constant 0 : index
    %swap3A_36 = arith.constant 0 : index
    %swap3A_37 = vector.load %arg10[%swap3A_35, %swap3A_36] : memref<1024x1024xf32, #tpu.memory_space<vmem>>, vector<1024x1024xf32>
    tpu.vector_store %arg10[%swap3A_35, %swap3A_36], %add3A_34 {strides = array<i32>} : memref<1024x1024xf32, #tpu.memory_space<vmem>>, vector<1024x1024xf32>,
    return
  }
  func.func @transform_0(%arg0: i32) -> (i32, i32) {
    %c0_i32 = arith.constant 0 : i32
    %c0_i32_0 = arith.constant 0 : i32
    return %arg0, %c0_i32 : i32, i32
  }
  func.func @transform_1(%arg0: i32) -> (i32, i32) {
    %c0_i32 = arith.constant 0 : i32
    %c0_i32_0 = arith.constant 0 : i32
    %c0_i32_1 = arith.constant 0 : i32
    return %c0_i32, %c0_i32_0 : i32, i32
  }
  func.func @transform_2(%arg0: i32) -> (i32, i32) {
    %c0_i32 = arith.constant 0 : i32
    %c0_i32_0 = arith.constant 0 : i32
    %c0_i32_1 = arith.constant 0 : i32
    return %c0_i32, %c0_i32_0 : i32, i32
  }
  func.func @transform_3(%arg0: i32) -> (i32, i32) {
    %c0_i32 = arith.constant 0 : i32
    %c0_i32_0 = arith.constant 0 : i32
    %c0_i32_1 = arith.constant 0 : i32
    return %c0_i32, %c0_i32_0 : i32, i32
  }
  func.func @transform_4(%arg0: i32) -> (i32, i32) {
    %c0_i32 = arith.constant 0 : i32
    %c0_i32_0 = arith.constant 0 : i32
    %c0_i32_1 = arith.constant 0 : i32
    return %c0_i32, %c0_i32_0 : i32, i32
  }
  func.func @transform_5(%arg0: i32) -> (i32, i32) {
    %c0_i32 = arith.constant 0 : i32
    %c0_i32_0 = arith.constant 0 : i32
    %c0_i32_1 = arith.constant 0 : i32
    return %c0_i32, %c0_i32_0 : i32, i32
  }
  func.func @transform_6(%arg0: i32) -> (i32, i32) {
    %c0_i32 = arith.constant 0 : i32
    %c0_i32_0 = arith.constant 0 : i32
    %c0_i32_1 = arith.constant 0 : i32
    return %c0_i32, %c0_i32_0 : i32, i32
  }
  func.func @transform_7(%arg0: i32) -> (i32, i32) {
    %c0_i32 = arith.constant 0 : i32
    %c0_i32_0 = arith.constant 0 : i32
    return %arg0, %c0_i32 : i32, i32
  }
  func.func @transform_8(%arg0: i32) -> (i32, i32) {
    %c0_i32 = arith.constant 0 : i32
    %c0_i32_0 = arith.constant 0 : i32
    return %arg0, %c0_i32 : i32, i32
  }
  func.func @transform_9(%arg0: i32) -> (i32, i32) {
    %c0_i32 = arith.constant 0 : i32
    %c0_i32_0 = arith.constant 0 : i32
    return %arg0, %c0_i32 : i32, i32
  }
}

module attributes {stable_mosaic.version = 14 : i64} {
  func.func @_attn_body(%arg0: i32, %arg1: i32, %arg2: memref<1024x128xf32, #tpu.memory_space<vmem>>, %arg3: memref<2048x128xf32, #tpu.memory_space<vmem>>, %arg4: memref<2048x128xf32, #tpu.memory_space<vmem>>, %arg5: memref<1024x128xf32, #tpu.memory_space<vmem>>, %arg6: memref<2048x64xf32, #tpu.memory_space<vmem>>, %arg7: memref<2048x64xf32, #tpu.memory_space<vmem>>, %arg8: memref<2048x64xf32, #tpu.memory_space<vmem>>, %arg9: memref<2048x64xf32, #tpu.memory_space<vmem>>) attributes {dimension_semantics = [#tpu.dimension_semantics<arbitrary>, #tpu.dimension_semantics<arbitrary>], iteration_bounds = array<i64: 8, 2>, scalar_prefetch = 0 : i64, scratch_operands = 4 : i64, tpu.core_type = #tpu.core_type<tc>, window_params = [{transform_indices = @transform_0, window_bounds = array<i64: 1024, 128>}, {transform_indices = @transform_1, window_bounds = array<i64: 2048, 128>}, {transform_indices = @transform_2, window_bounds = array<i64: 2048, 128>}, {transform_indices = @transform_3, window_bounds = array<i64: 1024, 128>}]} {
    %eq3A = arith.constant 0 : i32
    %eq3A_0 = arith.cmpi eq, %arg1, %eq3A : i32
    %convert_element_type3A = arith.extui %eq3A_0 : i1 to i32
    %cond3A = arith.constant 0 : i32
    %cond3A_1 = arith.cmpi ne, %convert_element_type3A, %cond3A : i32
    scf.if %cond3A_1 {
      %get3A_113 = arith.constant 0 : index
      %get3A_114 = arith.constant 0 : index
      %get3A_115 = vector.load %arg3[%get3A_113, %get3A_114] : memref<2048x128xf32, #tpu.memory_space<vmem>>, vector<2048x128xf32>
      %get3A_116 = arith.constant 0 : index
      %get3A_117 = arith.constant 0 : index
      %get3A_118 = vector.load %arg4[%get3A_116, %get3A_117] : memref<2048x128xf32, #tpu.memory_space<vmem>>, vector<2048x128xf32>
      %slice3A_119 = vector.extract_strided_slice %get3A_115 {offsets = [0, 0], sizes = [2048, 64], strides = [1, 1]} : vector<2048x128xf32> to vector<2048x64xf32>
      %swap3A_120 = arith.constant 0 : index
      %swap3A_121 = arith.constant 0 : index
      %swap3A_122 = vector.load %arg6[%swap3A_120, %swap3A_121] : memref<2048x64xf32, #tpu.memory_space<vmem>>, vector<2048x64xf32>
      tpu.vector_store %arg6[%swap3A_120, %swap3A_121], %slice3A_119 {strides = array<i32>} : memref<2048x64xf32, #tpu.memory_space<vmem>>, vector<2048x64xf32>,
      %slice3A_123 = vector.extract_strided_slice %get3A_115 {offsets = [0, 64], sizes = [2048, 64], strides = [1, 1]} : vector<2048x128xf32> to vector<2048x64xf32>
      %swap3A_124 = arith.constant 0 : index
      %swap3A_125 = arith.constant 0 : index
      %swap3A_126 = vector.load %arg7[%swap3A_124, %swap3A_125] : memref<2048x64xf32, #tpu.memory_space<vmem>>, vector<2048x64xf32>
      tpu.vector_store %arg7[%swap3A_124, %swap3A_125], %slice3A_123 {strides = array<i32>} : memref<2048x64xf32, #tpu.memory_space<vmem>>, vector<2048x64xf32>,
      %slice3A_127 = vector.extract_strided_slice %get3A_118 {offsets = [0, 0], sizes = [2048, 64], strides = [1, 1]} : vector<2048x128xf32> to vector<2048x64xf32>
      %swap3A_128 = arith.constant 0 : index
      %swap3A_129 = arith.constant 0 : index
      %swap3A_130 = vector.load %arg8[%swap3A_128, %swap3A_129] : memref<2048x64xf32, #tpu.memory_space<vmem>>, vector<2048x64xf32>
      tpu.vector_store %arg8[%swap3A_128, %swap3A_129], %slice3A_127 {strides = array<i32>} : memref<2048x64xf32, #tpu.memory_space<vmem>>, vector<2048x64xf32>,
      %slice3A_131 = vector.extract_strided_slice %get3A_118 {offsets = [0, 64], sizes = [2048, 64], strides = [1, 1]} : vector<2048x128xf32> to vector<2048x64xf32>
      %swap3A_132 = arith.constant 0 : index
      %swap3A_133 = arith.constant 0 : index
      %swap3A_134 = vector.load %arg9[%swap3A_132, %swap3A_133] : memref<2048x64xf32, #tpu.memory_space<vmem>>, vector<2048x64xf32>
      tpu.vector_store %arg9[%swap3A_132, %swap3A_133], %slice3A_131 {strides = array<i32>} : memref<2048x64xf32, #tpu.memory_space<vmem>>, vector<2048x64xf32>,
    } else {
    }
    %get3A = arith.constant 0 : index
    %get3A_2 = arith.constant 0 : index
    %get3A_3 = vector.load %arg2[%get3A, %get3A_2] : memref<1024x128xf32, #tpu.memory_space<vmem>>, vector<1024x128xf32>
    %slice3A = vector.extract_strided_slice %get3A_3 {offsets = [0, 0], sizes = [1024, 64], strides = [1, 1]} : vector<1024x128xf32> to vector<1024x64xf32>
    %get3A_4 = arith.constant 0 : index
    %get3A_5 = arith.constant 0 : index
    %get3A_6 = vector.load %arg6[%get3A_4, %get3A_5] : memref<2048x64xf32, #tpu.memory_space<vmem>>, vector<2048x64xf32>
    %get3A_7 = arith.constant 0 : index
    %get3A_8 = arith.constant 0 : index
    %get3A_9 = vector.load %arg8[%get3A_7, %get3A_8] : memref<2048x64xf32, #tpu.memory_space<vmem>>, vector<2048x64xf32>
    %dot_general3A = arith.constant dense<0.000000e+00> : vector<1024x2048xf32>
    %dot_general3A_10 = tpu.matmul %slice3A, %get3A_6, %dot_general3A {dimension_numbers = #tpu.dot_dimension_numbers<[1], [1], [0], [0], [0, 0, 1, 0], [], []>, transpose_lhs_hint = false} : vector<1024x64xf32>, vector<2048x64xf32>, vector<1024x2048xf32> -> vector<1024x2048xf32>
    %mul3A = arith.constant 1.250000e-01 : f32
    %mul3A_11 = vector.broadcast %mul3A : f32 to vector<1024x2048xf32>
    %mul3A_12 = arith.mulf %dot_general3A_10, %mul3A_11 : vector<1024x2048xf32>
    %slice3A_13 = vector.extract_strided_slice %mul3A_12 {offsets = [0, 0], sizes = [1024, 1024], strides = [1, 1]} : vector<1024x2048xf32> to vector<1024x1024xf32>
    %slice3A_14 = vector.extract_strided_slice %mul3A_12 {offsets = [0, 1024], sizes = [1024, 1024], strides = [1, 1]} : vector<1024x2048xf32> to vector<1024x1024xf32>
    %slice3A_15 = vector.extract_strided_slice %get3A_9 {offsets = [0, 0], sizes = [1024, 64], strides = [1, 1]} : vector<2048x64xf32> to vector<1024x64xf32>
    %slice3A_16 = vector.extract_strided_slice %get3A_9 {offsets = [1024, 0], sizes = [1024, 64], strides = [1, 1]} : vector<2048x64xf32> to vector<1024x64xf32>
    %reduce_max3A = arith.constant dense<0xFF800000> : vector<1024xf32>
    %reduce_max3A_17 = vector.multi_reduction <maximumf>, %slice3A_13, %reduce_max3A [1] : vector<1024x1024xf32> to vector<1024xf32>
    %broadcast_in_dim3A = vector.shape_cast %reduce_max3A_17 : vector<1024xf32> to vector<1024x1xf32>
    %sub3A = vector.broadcast %broadcast_in_dim3A : vector<1024x1xf32> to vector<1024x1024xf32>
    %sub3A_18 = arith.subf %slice3A_13, %sub3A : vector<1024x1024xf32>
    %exp3A = math.exp %sub3A_18 : vector<1024x1024xf32>
    %reduce_sum3A = arith.constant dense<0.000000e+00> : vector<1024xf32>
    %reduce_sum3A_19 = vector.multi_reduction <add>, %exp3A, %reduce_sum3A [1] : vector<1024x1024xf32> to vector<1024xf32>
    %broadcast_in_dim3A_20 = vector.shape_cast %reduce_sum3A_19 : vector<1024xf32> to vector<1024x1xf32>
    %dot_general3A_21 = arith.constant dense<0.000000e+00> : vector<1024x64xf32>
    %dot_general3A_22 = tpu.matmul %exp3A, %slice3A_15, %dot_general3A_21 {dimension_numbers = #tpu.dot_dimension_numbers<[1], [0], [0], [1], [0, 0, 1, 1], [], []>, transpose_lhs_hint = false} : vector<1024x1024xf32>, vector<1024x64xf32>, vector<1024x64xf32> -> vector<1024x64xf32>
    %div3A = arith.constant 1.000000e+00 : f32
    %div3A_23 = vector.broadcast %div3A : f32 to vector<1024x1xf32>
    %div3A_24 = arith.divf %div3A_23, %broadcast_in_dim3A_20 : vector<1024x1xf32>
    %mul3A_25 = vector.broadcast %div3A_24 : vector<1024x1xf32> to vector<1024x64xf32>
    %mul3A_26 = arith.mulf %dot_general3A_22, %mul3A_25 : vector<1024x64xf32>
    %reduce_max3A_27 = arith.constant dense<0xFF800000> : vector<1024xf32>
    %reduce_max3A_28 = vector.multi_reduction <maximumf>, %slice3A_14, %reduce_max3A_27 [1] : vector<1024x1024xf32> to vector<1024xf32>
    %broadcast_in_dim3A_29 = vector.shape_cast %reduce_max3A_28 : vector<1024xf32> to vector<1024x1xf32>
    %max3A = arith.maximumf %broadcast_in_dim3A, %broadcast_in_dim3A_29 : vector<1024x1xf32>
    %eq3A_30 = arith.cmpf oeq, %broadcast_in_dim3A, %max3A : vector<1024x1xf32>
    %sub3A_31 = arith.subf %broadcast_in_dim3A, %max3A : vector<1024x1xf32>
    %jit3A = arith.constant 0.000000e+00 : f32
    %broadcast_in_dim3A_32 = vector.broadcast %jit3A : f32 to vector<1024x1xf32>
    %select_n3A = arith.select %eq3A_30, %broadcast_in_dim3A_32, %sub3A_31 : vector<1024x1xi1>, vector<1024x1xf32>
    %exp3A_33 = math.exp %select_n3A : vector<1024x1xf32>
    %sub3A_34 = vector.broadcast %max3A : vector<1024x1xf32> to vector<1024x1024xf32>
    %sub3A_35 = arith.subf %slice3A_14, %sub3A_34 : vector<1024x1024xf32>
    %exp3A_36 = math.exp %sub3A_35 : vector<1024x1024xf32>
    %reduce_sum3A_37 = arith.constant dense<0.000000e+00> : vector<1024xf32>
    %reduce_sum3A_38 = vector.multi_reduction <add>, %exp3A_36, %reduce_sum3A_37 [1] : vector<1024x1024xf32> to vector<1024xf32>
    %broadcast_in_dim3A_39 = vector.shape_cast %reduce_sum3A_38 : vector<1024xf32> to vector<1024x1xf32>
    %mul3A_40 = arith.mulf %exp3A_33, %broadcast_in_dim3A_20 : vector<1024x1xf32>
    %add3A = arith.addf %mul3A_40, %broadcast_in_dim3A_39 : vector<1024x1xf32>
    %mul3A_41 = vector.broadcast %mul3A_40 : vector<1024x1xf32> to vector<1024x64xf32>
    %mul3A_42 = arith.mulf %mul3A_41, %mul3A_26 : vector<1024x64xf32>
    %dot_general3A_43 = arith.constant dense<0.000000e+00> : vector<1024x64xf32>
    %dot_general3A_44 = tpu.matmul %exp3A_36, %slice3A_16, %dot_general3A_43 {dimension_numbers = #tpu.dot_dimension_numbers<[1], [0], [0], [1], [0, 0, 1, 1], [], []>, transpose_lhs_hint = false} : vector<1024x1024xf32>, vector<1024x64xf32>, vector<1024x64xf32> -> vector<1024x64xf32>
    %add3A_45 = arith.addf %dot_general3A_44, %mul3A_42 : vector<1024x64xf32>
    %div3A_46 = arith.constant 1.000000e+00 : f32
    %div3A_47 = vector.broadcast %div3A_46 : f32 to vector<1024x1xf32>
    %div3A_48 = arith.divf %div3A_47, %add3A : vector<1024x1xf32>
    %mul3A_49 = vector.broadcast %div3A_48 : vector<1024x1xf32> to vector<1024x64xf32>
    %mul3A_50 = arith.mulf %add3A_45, %mul3A_49 : vector<1024x64xf32>
    %slice3A_51 = vector.extract_strided_slice %get3A_3 {offsets = [0, 64], sizes = [1024, 64], strides = [1, 1]} : vector<1024x128xf32> to vector<1024x64xf32>
    %get3A_52 = arith.constant 0 : index
    %get3A_53 = arith.constant 0 : index
    %get3A_54 = vector.load %arg7[%get3A_52, %get3A_53] : memref<2048x64xf32, #tpu.memory_space<vmem>>, vector<2048x64xf32>
    %get3A_55 = arith.constant 0 : index
    %get3A_56 = arith.constant 0 : index
    %get3A_57 = vector.load %arg9[%get3A_55, %get3A_56] : memref<2048x64xf32, #tpu.memory_space<vmem>>, vector<2048x64xf32>
    %dot_general3A_58 = arith.constant dense<0.000000e+00> : vector<1024x2048xf32>
    %dot_general3A_59 = tpu.matmul %slice3A_51, %get3A_54, %dot_general3A_58 {dimension_numbers = #tpu.dot_dimension_numbers<[1], [1], [0], [0], [0, 0, 1, 0], [], []>, transpose_lhs_hint = false} : vector<1024x64xf32>, vector<2048x64xf32>, vector<1024x2048xf32> -> vector<1024x2048xf32>
    %mul3A_60 = arith.constant 1.250000e-01 : f32
    %mul3A_61 = vector.broadcast %mul3A_60 : f32 to vector<1024x2048xf32>
    %mul3A_62 = arith.mulf %dot_general3A_59, %mul3A_61 : vector<1024x2048xf32>
    %slice3A_63 = vector.extract_strided_slice %mul3A_62 {offsets = [0, 0], sizes = [1024, 1024], strides = [1, 1]} : vector<1024x2048xf32> to vector<1024x1024xf32>
    %slice3A_64 = vector.extract_strided_slice %mul3A_62 {offsets = [0, 1024], sizes = [1024, 1024], strides = [1, 1]} : vector<1024x2048xf32> to vector<1024x1024xf32>
    %slice3A_65 = vector.extract_strided_slice %get3A_57 {offsets = [0, 0], sizes = [1024, 64], strides = [1, 1]} : vector<2048x64xf32> to vector<1024x64xf32>
    %slice3A_66 = vector.extract_strided_slice %get3A_57 {offsets = [1024, 0], sizes = [1024, 64], strides = [1, 1]} : vector<2048x64xf32> to vector<1024x64xf32>
    %reduce_max3A_67 = arith.constant dense<0xFF800000> : vector<1024xf32>
    %reduce_max3A_68 = vector.multi_reduction <maximumf>, %slice3A_63, %reduce_max3A_67 [1] : vector<1024x1024xf32> to vector<1024xf32>
    %broadcast_in_dim3A_69 = vector.shape_cast %reduce_max3A_68 : vector<1024xf32> to vector<1024x1xf32>
    %sub3A_70 = vector.broadcast %broadcast_in_dim3A_69 : vector<1024x1xf32> to vector<1024x1024xf32>
    %sub3A_71 = arith.subf %slice3A_63, %sub3A_70 : vector<1024x1024xf32>
    %exp3A_72 = math.exp %sub3A_71 : vector<1024x1024xf32>
    %reduce_sum3A_73 = arith.constant dense<0.000000e+00> : vector<1024xf32>
    %reduce_sum3A_74 = vector.multi_reduction <add>, %exp3A_72, %reduce_sum3A_73 [1] : vector<1024x1024xf32> to vector<1024xf32>
    %broadcast_in_dim3A_75 = vector.shape_cast %reduce_sum3A_74 : vector<1024xf32> to vector<1024x1xf32>
    %dot_general3A_76 = arith.constant dense<0.000000e+00> : vector<1024x64xf32>
    %dot_general3A_77 = tpu.matmul %exp3A_72, %slice3A_65, %dot_general3A_76 {dimension_numbers = #tpu.dot_dimension_numbers<[1], [0], [0], [1], [0, 0, 1, 1], [], []>, transpose_lhs_hint = false} : vector<1024x1024xf32>, vector<1024x64xf32>, vector<1024x64xf32> -> vector<1024x64xf32>
    %div3A_78 = arith.constant 1.000000e+00 : f32
    %div3A_79 = vector.broadcast %div3A_78 : f32 to vector<1024x1xf32>
    %div3A_80 = arith.divf %div3A_79, %broadcast_in_dim3A_75 : vector<1024x1xf32>
    %mul3A_81 = vector.broadcast %div3A_80 : vector<1024x1xf32> to vector<1024x64xf32>
    %mul3A_82 = arith.mulf %dot_general3A_77, %mul3A_81 : vector<1024x64xf32>
    %reduce_max3A_83 = arith.constant dense<0xFF800000> : vector<1024xf32>
    %reduce_max3A_84 = vector.multi_reduction <maximumf>, %slice3A_64, %reduce_max3A_83 [1] : vector<1024x1024xf32> to vector<1024xf32>
    %broadcast_in_dim3A_85 = vector.shape_cast %reduce_max3A_84 : vector<1024xf32> to vector<1024x1xf32>
    %max3A_86 = arith.maximumf %broadcast_in_dim3A_69, %broadcast_in_dim3A_85 : vector<1024x1xf32>
    %eq3A_87 = arith.cmpf oeq, %broadcast_in_dim3A_69, %max3A_86 : vector<1024x1xf32>
    %sub3A_88 = arith.subf %broadcast_in_dim3A_69, %max3A_86 : vector<1024x1xf32>
    %jit3A_89 = arith.constant 0.000000e+00 : f32
    %broadcast_in_dim3A_90 = vector.broadcast %jit3A_89 : f32 to vector<1024x1xf32>
    %select_n3A_91 = arith.select %eq3A_87, %broadcast_in_dim3A_90, %sub3A_88 : vector<1024x1xi1>, vector<1024x1xf32>
    %exp3A_92 = math.exp %select_n3A_91 : vector<1024x1xf32>
    %sub3A_93 = vector.broadcast %max3A_86 : vector<1024x1xf32> to vector<1024x1024xf32>
    %sub3A_94 = arith.subf %slice3A_64, %sub3A_93 : vector<1024x1024xf32>
    %exp3A_95 = math.exp %sub3A_94 : vector<1024x1024xf32>
    %reduce_sum3A_96 = arith.constant dense<0.000000e+00> : vector<1024xf32>
    %reduce_sum3A_97 = vector.multi_reduction <add>, %exp3A_95, %reduce_sum3A_96 [1] : vector<1024x1024xf32> to vector<1024xf32>
    %broadcast_in_dim3A_98 = vector.shape_cast %reduce_sum3A_97 : vector<1024xf32> to vector<1024x1xf32>
    %mul3A_99 = arith.mulf %exp3A_92, %broadcast_in_dim3A_75 : vector<1024x1xf32>
    %add3A_100 = arith.addf %mul3A_99, %broadcast_in_dim3A_98 : vector<1024x1xf32>
    %mul3A_101 = vector.broadcast %mul3A_99 : vector<1024x1xf32> to vector<1024x64xf32>
    %mul3A_102 = arith.mulf %mul3A_101, %mul3A_82 : vector<1024x64xf32>
    %dot_general3A_103 = arith.constant dense<0.000000e+00> : vector<1024x64xf32>
    %dot_general3A_104 = tpu.matmul %exp3A_95, %slice3A_66, %dot_general3A_103 {dimension_numbers = #tpu.dot_dimension_numbers<[1], [0], [0], [1], [0, 0, 1, 1], [], []>, transpose_lhs_hint = false} : vector<1024x1024xf32>, vector<1024x64xf32>, vector<1024x64xf32> -> vector<1024x64xf32>
    %add3A_105 = arith.addf %dot_general3A_104, %mul3A_102 : vector<1024x64xf32>
    %div3A_106 = arith.constant 1.000000e+00 : f32
    %div3A_107 = vector.broadcast %div3A_106 : f32 to vector<1024x1xf32>
    %div3A_108 = arith.divf %div3A_107, %add3A_100 : vector<1024x1xf32>
    %mul3A_109 = vector.broadcast %div3A_108 : vector<1024x1xf32> to vector<1024x64xf32>
    %mul3A_110 = arith.mulf %add3A_105, %mul3A_109 : vector<1024x64xf32>
    %concatenate3A = tpu.concatenate %mul3A_50, %mul3A_110 in 1 : vector<1024x64xf32>, vector<1024x64xf32> -> vector<1024x128xf32>
    %swap3A = arith.constant 0 : index
    %swap3A_111 = arith.constant 0 : index
    %swap3A_112 = vector.load %arg5[%swap3A, %swap3A_111] : memref<1024x128xf32, #tpu.memory_space<vmem>>, vector<1024x128xf32>
    tpu.vector_store %arg5[%swap3A, %swap3A_111], %concatenate3A {strides = array<i32>} : memref<1024x128xf32, #tpu.memory_space<vmem>>, vector<1024x128xf32>,
    return
  }
  func.func @transform_0(%arg0: i32, %arg1: i32) -> (i32, i32) {
    %c0_i32 = arith.constant 0 : i32
    return %arg1, %arg0 : i32, i32
  }
  func.func @transform_1(%arg0: i32, %arg1: i32) -> (i32, i32) {
    %c0_i32 = arith.constant 0 : i32
    %c0_i32_0 = arith.constant 0 : i32
    return %c0_i32, %arg0 : i32, i32
  }
  func.func @transform_2(%arg0: i32, %arg1: i32) -> (i32, i32) {
    %c0_i32 = arith.constant 0 : i32
    %c0_i32_0 = arith.constant 0 : i32
    return %c0_i32, %arg0 : i32, i32
  }
  func.func @transform_3(%arg0: i32, %arg1: i32) -> (i32, i32) {
    %c0_i32 = arith.constant 0 : i32
    return %arg1, %arg0 : i32, i32
  }
}

</mosaic_0001>

<sc_bundles>
// kernel: kernel.6.cloned.1.call-start
scs
__scs_entry_jumppad:
0x0: {  	(pc) =	sbr.rel $0x88, $3  }
0x1: {  	(tag) =	ssettag $0x0;
	lr =	simm.s32 $0x1  }
0x2: {  	[smem:$0x3F97] =	sst lr;
	_ =	strace $0xD0000000  }
0x3: {  	_ = 	snop  }
0x4: {  	_ = 	snop  }
0x5: {  	_ = 	snop  }
0x6: {  	_ = 	snop  }
0x7: {  	_ = 	snop  }
__scs_overlays_trampoline_lowered:
0x8: {  	[smem:$0x3FA6] =	sst s0  }
0x9: {  	[smem:$0x3FA7] =	sst s1  }
0xa: {  	[smem:$0x3FA8] =	sst s2  }
0xb: {  	[smem:$0x3FA9] =	sst s3  }
0xc: {  	[smem:$0x3FAA] =	sst s4  }
0xd: {  	[smem:$0x3FAB] =	sst s5  }
0xe: {  	[smem:$0x3FAC] =	sst s6  }
0xf: {  	[smem:$0x3FAD] =	sst s7  }
0x10: {  	[smem:$0x3FAE] =	sst s8  }
0x11: {  	[smem:$0x3FAF] =	sst s9;
	s0 =	simm.s32 @!p0 $0x0  }
0x12: {  	s1 =	sld [smem:$0x3F95];
	s0 =	simm.s32 @p0 $0x1  }
0x13: {  	[smem:$0x3FB0] =	sst s0;
	s0 =	simm.s32 @!p1 $0x0  }
0x14: {  	s2 =	sld [smem:$0x3F94];
	s0 =	simm.s32 @p1 $0x1  }
0x15: {  	[smem:$0x3FB1] =	sst s0;
	s0 =	simm.s32 @!p2 $0x0  }
0x16: {  	s3 =	sld [smem:$0x3FDB];
	s0 =	simm.s32 @p2 $0x1  }
0x17: {  	s4 =	simm.s32 $0x1BF5;
	[smem:$0x3FB3] =	sst s0  }
0x18: {  	s0 =	sld [smem:$0x3F96];
	_ =	swait.ge [sflag:s4], $0x0  }
0x19: {  	s7 =	sld [smem:$0x3F97]  }
0x1a: {  	s8 =	sadd.s32 $0xFFFFE003, lr  }
0x1b: {  	s9 =	sadd.s32 $0xFFFFFEF7, lr;
	s5 =	simm.s32 $0xFFFFFFFF;
	p2 =	slt.u32 s8, $0xFFFFF086  }
0x1c: {  	p1 =	slt.u32 s9, $0xF7A;
	s5 =	simm.s32 @!p2 $0x0  }
0x1d: {  	s5 =	simm.s32 @p1 $0x1;
	p0 =	seq.s32 s7, s2  }
0x1e: {  	s7 =	smul.u32 @!p0 $0xF7A, s2;
	p2 =	seq.s32 @!p0 s5, $0x0  }
0x1f: {  	s9 =	smul.u32 $0xF7A, s1;
	s8 =	simm.s32 @!p0 $0x1BF5;
	p2 =	por !p2, p0  }
0x20: {  	[sflag:s8] =	ssyncset.s32 @!p0 $0xFFFFF086;
	s6 =	sadd.s32 @!p0 s3, s7;
	s7 =	simm.s32 @!p0 $0x108  }
0x21: {  	s3 =	sadd.s32 s3, s9;
	s6 =	sadd.s32 @!p0 $0x88, s6;
	s7 =	simm.s32 @p2 $0x1082  }
0x22: {  	[simem:s7], [sflag:s8] =	dma.local @!p0 [hbm:s6], $0xF7A  }
0x23: {  	s9 =	sor.u32 $0xD0000000, s2;
	s6 =	simm.s32 $0x108;
	_ =	swait.ge @!p0 [sflag:s8], $0x0  }
0x24: {  	s3 =	sadd.s32 $0x88, s3;
	s6 =	simm.s32 @!p1 $0x1082;
	[sflag:s4] =	ssyncset.s32 $0xFFFFF086  }
0x25: {  	[simem:s6], [sflag:s4] =	dma.local [hbm:s3], $0xF7A  }
0x26: {  	[smem:$0x3F97] =	sst s1;
	(tag) =	ssettag s2;
	_ =	strace s9  }
0x27: {  	s1 =	sld [smem:$0x3FA7]  }
0x28: {  	s2 =	sld [smem:$0x3FA8]  }
0x29: {  	s4 =	sld [smem:$0x3FAA]  }
0x2a: {  	p0 =	seq.s32 s5, $0x0;
	s5 =	sld [smem:$0x3FAB]  }
0x2b: {  	s6 =	sld [smem:$0x3FAC]  }
0x2c: {  	s7 =	sld [smem:$0x3FAD]  }
0x2d: {  	s3 =	simm.s32 $0x108;
	s8 =	sld [smem:$0x3FAE]  }
0x2e: {  	s3 =	simm.s32 @!p0 $0x1082;
	s9 =	sld [smem:$0x3FAF]  }
0x2f: {  	lr =	sadd.s32 s0, s3;
	s0 =	sld [smem:$0x3FA6]  }
0x30: {  	s3 =	sld [smem:$0x3FA9]  }
0x31: {  	[smem:$0x3FB2] =	sst s10  }
0x32: {  	s10 =	sld [smem:$0x3FB0];
	_ =	sdelay $0x3  }
0x33: {  	p0 =	seq.s32 s10, $0x1;
	s10 =	sld [smem:$0x3FB2];
	_ =	sdelay $0x3  }
0x34: {  	[smem:$0x3FB2] =	sst s10  }
0x35: {  	s10 =	sld [smem:$0x3FB1];
	_ =	sdelay $0x3  }
0x36: {  	p1 =	seq.s32 s10, $0x1;
	s10 =	sld [smem:$0x3FB2];
	_ =	sdelay $0x3  }
0x37: {  	[smem:$0x3FB2] =	sst s10  }
0x38: {  	s10 =	sld [smem:$0x3FB3]  }
0x39: {  	_ = 	snop;
	(pc) =	sbr.ind lr, $3  }
0x3a: {  	_ = 	snop  }
0x3b: {  	_ = 	snop  }
0x3c: {  	p2 =	seq.s32 s10, $0x1;
	s10 =	sld [smem:$0x3FB2]  }
0x3d: {  	_ =	shalt  }
0x3e: {  	_ =	shalt  }
0x3f: {  	_ =	shalt  }
0x40: {  	_ =	shalt  }
0x41: {  	_ =	shalt  }
0x42: {  	_ =	shalt  }
0x43: {  	_ =	shalt  }
0x44: {  	_ =	shalt  }
0x45: {  	_ =	shalt  }
0x46: {  	_ =	shalt  }
0x47: {  	_ =	shalt  }
0x48: {  	_ =	shalt  }
0x49: {  	_ =	shalt  }
0x4a: {  	_ =	shalt  }
0x4b: {  	_ =	shalt  }
0x4c: {  	_ =	shalt  }
0x4d: {  	_ =	shalt  }
0x4e: {  	_ =	shalt  }
0x4f: {  	_ =	shalt  }
0x50: {  	_ =	shalt  }
0x51: {  	_ =	shalt  }
0x52: {  	_ =	shalt  }
0x53: {  	_ =	shalt  }
0x54: {  	_ =	shalt  }
0x55: {  	_ =	shalt  }
0x56: {  	_ =	shalt  }
0x57: {  	_ =	shalt  }
0x58: {  	_ =	shalt  }
0x59: {  	_ =	shalt  }
0x5a: {  	_ =	shalt  }
0x5b: {  	_ =	shalt  }
0x5c: {  	_ =	shalt  }
0x5d: {  	_ =	shalt  }
0x5e: {  	_ =	shalt  }
0x5f: {  	_ =	shalt  }
0x60: {  	_ =	shalt  }
0x61: {  	_ =	shalt  }
0x62: {  	_ =	shalt  }
0x63: {  	_ =	shalt  }
0x64: {  	_ =	shalt  }
0x65: {  	_ =	shalt  }
0x66: {  	_ =	shalt  }
0x67: {  	_ =	shalt  }
0x68: {  	_ =	shalt  }
0x69: {  	_ =	shalt  }
0x6a: {  	_ =	shalt  }
0x6b: {  	_ =	shalt  }
0x6c: {  	_ =	shalt  }
0x6d: {  	_ =	shalt  }
0x6e: {  	_ =	shalt  }
0x6f: {  	_ =	shalt  }
0x70: {  	_ =	shalt  }
0x71: {  	_ =	shalt  }
0x72: {  	_ =	shalt  }
0x73: {  	_ =	shalt  }
0x74: {  	_ =	shalt  }
0x75: {  	_ =	shalt  }
0x76: {  	_ =	shalt  }
0x77: {  	_ =	shalt  }
0x78: {  	_ =	shalt  }
0x79: {  	_ =	shalt  }
0x7a: {  	_ =	shalt  }
0x7b: {  	_ =	shalt  }
0x7c: {  	_ =	shalt  }
0x7d: {  	_ =	shalt  }
0x7e: {  	_ =	shalt  }
0x7f: {  	_ =	shalt  }
0x80: {  	_ =	shalt  }
0x81: {  	_ =	shalt  }
0x82: {  	_ =	shalt  }
0x83: {  	_ =	shalt  }
0x84: {  	_ =	shalt  }
0x85: {  	_ =	shalt  }
0x86: {  	_ =	shalt  }
0x87: {  	_ =	shalt  }
.Lfunc_end0:
.L_simem_size_0:
called_computation_lowered:
.L_overlay_start_0:
0x88: {  	s2 =	sld [smem:$0x3FD9]  }
0x89: {  	s3 =	sld [smem:$0x3FFE];
	_ =	sdelay $0x1  }
0x8a: {  	s1 =	srdreg.scid  }
0x8b: {  	s0 =	sand.u32 $0x1, s1  }
0x8c: {  	s14 =	sshll.u32 s0, $0xA;
	s2 =	sadd.s32 s3, s2  }
0x8d: {  	s2 =	sadd.s32 s2, s14  }
0x8e: {  	[smem:$0x3FBE] =	sst s2  }
0x8f: {  	_ = 	snop  }
0x90: {  	s2 =	sld [smem:$0x3FD0];
	_ =	sdelay $0x2  }
0x91: {  	s4 =	simm.s32 $0xA;
	s5 =	simm.s32 $0x10;
	s15 =	sld [smem:$0x3FC8]  }
0x92: {  	[smem:s5], [sflag:s4] =	dma.local [hbm:s2], $0x1  }
0x93: {  	_ =	swait.eq [sflag:s4], $0x1  }
0x94: {  	[sflag:s4] =	ssyncset.done $0x0  }
0x95: {  	[sflag:s4] =	ssyncadd.s32 $0xFFFFFFFF  }
0x96: {  	s16 =	sld [smem:$0x10];
	(tm) =	ssettm $0x1  }
0x97: {  	s17 =	sld [smem:$0x3FFB];
	_ =	sdelay $0x3  }
0x98: {  	_ =	strace s17  }
0x99: {  	s4 =	sld [smem:$0x3FFC];
	_ =	sdelay $0x3  }
0x9a: {  	_ =	strace s4  }
0x9b: {  	s4 =	sld [smem:$0x3FFD];
	_ =	sdelay $0x3  }
0x9c: {  	_ =	strace s4  }
0x9d: {  	_ =	strace $0x8FFFFFFF  }
0x9e: {  	s18 =	sld [smem:$0x3FDB];
	_ =	sdelay $0x1  }
0x9f: {  	s19 =	simm.s32 $_scs_section_size  }
0xa0: {  	s6 =	simm.s32 $_size__tile_overlayer_lowered;
	s7 =	simm.s32 $_tile_overlayer_lowered  }
0xa1: {  	s22 =	simm.s32 $0x1BFF;
	s21 =	sshll.u32 s7, $0x1;
	s4 =	sadd.s32 s19, s18  }
0xa2: {  	s8 =	simm.s32 $0x0;
	s20 =	sshll.u32 s6, $0x1;
	s6 =	sadd.s32 s21, s4  }
0xa3: {  	[timem:s8], [sflag:s22] =	dma.local [hbm:s6], s20  }
0xa4: {  	_ =	swait.ge [sflag:s22], s20  }
0xa5: {  	s5 =	ssub.s32 $0x0, s20;
	[sflag:s22] =	ssyncset.done $0x0  }
0xa6: {  	[sflag:s22] =	ssyncadd.s32 s5;
	_ =	sdelay $0x1  }
0xa7: {  	s23 =	simm.s32 $0x1B8B  }
0xa8: {  	_ =	swait.ge [sflag:s23], $0x1  }
0xa9: {  	[sflag:s23] =	ssyncset.done $0x0  }
0xaa: {  	s25 =	simm.s32 $0x1B8E;
	s24 =	sld [smem:$0x3FFE];
	[sflag:s23] =	ssyncadd.s32 $0xFFFFFFFF  }
0xab: {  	s26 =	simm.s32 $execute0_lowered;
	[smem:$0x3FD2] =	sst s25  }
0xac: {  	s6 =	sshll.u32 s26, $0x1;
	_ =	strace $0x80000046;
	[dreg:$0x1] =	wrdreg $0xFFFFFFFF  }
0xad: {  	s28 =	simm.s32 $_size_execute0_lowered;
	s4 =	sadd.s32 s4, s6;
	[dreg:$0x0] =	wrdreg $0x0  }
0xae: {  	s6 =	sshll.u32 s28, $0x1;
	[dreg:$0x2] =	wrdreg s4  }
0xaf: {  	[dreg:$0x3] =	wrdreg s6  }
0xb0: {  	[dreg:$0x4] =	wrdreg $0xC0  }
0xb1: {  	_ =	task [dreg:s8], $0x5FFFF  }
0xb2: {  	[dreg:$0x1] =	wrdreg $0xFFFFFFFF  }
0xb3: {  	[dreg:$0x0] =	wrdreg $0x60  }
0xb4: {  	[dreg:$0x2] =	wrdreg s15  }
0xb5: {  	[dreg:$0x3] =	wrdreg s24  }
0xb6: {  	[dreg:$0x4] =	wrdreg s16  }
0xb7: {  	[dreg:$0x5] =	wrdreg $0x9  }
0xb8: {  	_ =	task.clear_ibuf [dreg:s8], $0x6FFFF;
	_ =	strace $0x90000046  }
0xb9: {  	s29 =	simm.s32 $0x9;
	_ =	strace $0x80000048  }
0xba: {  	_ =	swait.ge [sflag:s29], $0x1  }
0xbb: {  	[sflag:s29] =	ssyncadd.s32 $0xFFFFFFFF  }
0xbc: {  	_ =	strace $0x90000048  }
0xbd: {  	_ =	sfence  }
0xbe: {  	s30 =	sld [smem:$0x0];
	_ =	sdelay $0x2  }
0xbf: {  	s31 =	sshll.u32 s1, $0xD;
	s1 =	sshrl.u32 s1, $0x2  }
0xc0: {  	s3 =	sand.u32 $0x4000, s31;
	s1 =	sadd.s32 s1, s30  }
0xc1: {  	s0 =	sor.u32 s3, s0;
	s1 =	sshll.u32 s1, $0x11  }
0xc2: {  	s0 =	sor.u32 s1, s0  }
0xc3: {  	s0 =	sadd.s32 $0x8F2B, s0  }
0xc4: {  	[sflag:s0] =	ssyncadd.remote.s32 $0x1  }
0xc5: {  	_ =	sfence.sel $0xFFFF  }
0xc6: {  	[dreg:$0x0] =	wrdreg $0xFFFFFFFF;
	(pc) =	sbr.abs _section_cstart, $3  }
0xc7: {  	[dreg:$0x1] =	wrdreg $0xFFFFFFFF  }
0xc8: {  	_ =	task.clear_ibuf [dreg:s8], $0x2FFFF;
	_ =	strace $0x9FFFFFFF  }
0xc9: {  	(tm) =	ssettm $0x7FFFFFFF  }
tec
execute0_lowered:
.L_overlay_start_1:
0x0: {  	(tag) =	ssettag $0x1  }
0x1: {  	s1 =	rddreg [dreg:$0x0]  }
0x2: {  	s0 =	rddreg [dreg:$0x1]  }
0x3: {  	s2 =	rddreg [dreg:$0x2]  }
0x4: {  	s4 =	srdreg.scid;
	s3 =	stileid.u32;
	s6 =	simm.s32 $0x0  }
0x5: {  	s4 =	sand.u32 $0x1, s4;
	[smem:$0x7FF] =	sst s6;
	s26 =	sadd.s32 $0x100, s1  }
0x6: {  	s28 =	sadd.s32 $0x200, s1;
	_ =	strace $0x80000047;
	[dreg:$0x13] =	wrdreg s26  }
0x7: {  	s5 =	sshll.u32 s3, $0x1;
	s1 =	sadd.s32 $0x300, s1;
	[dreg:$0x14] =	wrdreg s28  }
0x8: {  	s22 =	sadd.s32 $0x4600, s0;
	s31 =	sadd.s32 $0x40, s2;
	[dreg:$0x15] =	wrdreg s1  }
0x9: {  	s5 =	sor.u32 s4, s5;
	s4 =	ssub.s32 $0x2, s4;
	[dreg:$0x10] =	wrdreg s22  }
0xa: {  	[dreg:$0x18] =	wrdreg s31;
	s21 =	sshll.u32 s5, $0x8;
	s24 =	sshll.u32 s5, $0xD  }
0xb: {  	s23 =	sshrl.u32 s4, $0x1;
	s29 =	sadd.s32 s22, s24;
	[dreg:$0x11] =	wrdreg s24  }
0xc: {  	s6 =	sadd.s32 s21, s0;
	s30 =	sadd.s32 s2, s24;
	[dreg:$0x16] =	wrdreg s29  }
0xd: {  	v2 =	vlaneseq.u32;
	s0 =	ssub.s32 s4, s23;
	s25 =	sadd.s32 $0x2600, s6;
	[dreg:$0x17] =	wrdreg s30  }
0xe: {  	vm0 =	vmmov $0xffff;
	v1 =	vshrl.u32 v2, $0x3;
	s0 =	smax.u32 s0, $0x1;
	[dreg:$0x12] =	wrdreg s25  }
0xf: {  	v0 =	vand.u32 $0x7, v2;
	v2 =	vor.u32 $0x8, v2;
	v1 =	vmul.u32 $0x8, v1;
	s1 =	simm.s32 $0x0;
	s6 =	simm.s32 $0x3;
	[dreg:$0x19] =	wrdreg s0  }
.LBB2_1:
0x10: {  	[dreg:$0x1a] =	wrdreg s1  }
0x11: {  	s12 =	simm.s32 $0x0;
	s0 =	rddreg [dreg:$0x12]  }
0x12: {  	[tilespmem:s12], [sflag:$0x3] =	stream.linear.gather [hbm4b:s0+s12], $0x800, $0x38;
	[tilespmem:$0x13800] =	vst v63  }
0x13: {  	_ =	swait.ge [sflag:s6], $0x800  }
0x14: {  	[sflag:s6] =	ssyncset.done $0x0  }
0x15: {  	[sflag:s6] =	ssyncadd.s32 $0xFFFFF800  }
0x16: {  	v3 =	vld [tilespmem:$0x0];
	_ =	sdelay $0x4  }
0x17: {  	v4 =	vshll.u32 v3, $0x3  }
0x18: {  	v3 =	vand.u32 $0x7, v3;
	v4 =	vand.u32 $0xFFFFFFC0, v4  }
0x19: {  	v3 =	vor.u32 v3, v4  }
0x1a: {  	v4 =	vperm.xlane v3, v0;
	_ =	sdelay $0x1  }
0x1b: {  	v4 =	vadd.s32 v1, v4;
	_ =	sdelay $0x3  }
0x1c: {  	s2 =	simm.s32 $0x2800;
	s13 =	rddreg [dreg:$0x0]  }
0x1d: {  	[tilespmem:s2], [sflag:$0x1] =	stream.indirect_vreg.gather [hbm4b:s13+s12], $0x80, v4, vm0, $0xb8;
	[tilespmem:$0x13800] =	vst v63  }
0x1e: {  	s3 =	simm.s32 $0x3000;
	s14 =	rddreg [dreg:$0x13];
	v3 =	vperm.xlane v3, v2  }
0x1f: {  	[tilespmem:s3], [sflag:$0x1] =	stream.indirect_vreg.gather [hbm4b:s14+s12], $0x80, v4, vm0, $0xb8;
	[tilespmem:$0x13800] =	vst v63  }
0x20: {  	s4 =	simm.s32 $0x3800;
	s15 =	rddreg [dreg:$0x14];
	v3 =	vadd.s32 v1, v3  }
0x21: {  	[tilespmem:s4], [sflag:$0x1] =	stream.indirect_vreg.gather [hbm4b:s15+s12], $0x80, v4, vm0, $0xb8;
	[tilespmem:$0x13800] =	vst v63  }
0x22: {  	s5 =	simm.s32 $0x4000;
	s16 =	rddreg [dreg:$0x15]  }
0x23: {  	[tilespmem:s5], [sflag:$0x1] =	stream.indirect_vreg.gather [hbm4b:s16+s12], $0x80, v4, vm0, $0xb8;
	[tilespmem:$0x13800] =	vst v63  }
0x24: {  	s17 =	simm.s32 $0x4800  }
0x25: {  	[tilespmem:s17], [sflag:$0x1] =	stream.indirect_vreg.gather [hbm4b:s13+s12], $0x80, v3, vm0, $0xb8;
	[tilespmem:$0x13800] =	vst v63  }
0x26: {  	s18 =	simm.s32 $0x5000  }
0x27: {  	[tilespmem:s18], [sflag:$0x1] =	stream.indirect_vreg.gather [hbm4b:s14+s12], $0x80, v3, vm0, $0xb8;
	[tilespmem:$0x13800] =	vst v63  }
0x28: {  	s19 =	simm.s32 $0x5800  }
0x29: {  	[tilespmem:s19], [sflag:$0x1] =	stream.indirect_vreg.gather [hbm4b:s15+s12], $0x80, v3, vm0, $0xb8;
	[tilespmem:$0x13800] =	vst v63  }
0x2a: {  	s20 =	simm.s32 $0x6000  }
0x2b: {  	[tilespmem:s20], [sflag:$0x1] =	stream.indirect_vreg.gather [hbm4b:s16+s12], $0x80, v3, vm0, $0xb8;
	[tilespmem:$0x13800] =	vst v63  }
0x2c: {  	v3 =	vld [tilespmem:$0x10];
	_ =	sdelay $0x4  }
0x2d: {  	v63 =	vshll.u32 v3, $0x3  }
0x2e: {  	v3 =	vand.u32 $0x7, v3;
	v4 =	vand.u32 $0xFFFFFFC0, v63  }
0x2f: {  	v3 =	vor.u32 v3, v4  }
0x30: {  	v4 =	vperm.xlane v3, v0;
	_ =	sdelay $0x1  }
0x31: {  	v4 =	vadd.s32 v1, v4;
	_ =	sdelay $0x3  }
0x32: {  	s21 =	simm.s32 $0x6800  }
0x33: {  	[tilespmem:s21], [sflag:$0x1] =	stream.indirect_vreg.gather [hbm4b:s13+s12], $0x80, v4, vm0, $0xb8;
	[tilespmem:$0x13800] =	vst v63  }
0x34: {  	s22 =	simm.s32 $0x7000;
	v3 =	vperm.xlane v3, v2  }
0x35: {  	[tilespmem:s22], [sflag:$0x1] =	stream.indirect_vreg.gather [hbm4b:s14+s12], $0x80, v4, vm0, $0xb8;
	[tilespmem:$0x13800] =	vst v63  }
0x36: {  	s23 =	simm.s32 $0x7800;
	v3 =	vadd.s32 v1, v3  }
0x37: {  	[tilespmem:s23], [sflag:$0x1] =	stream.indirect_vreg.gather [hbm4b:s15+s12], $0x80, v4, vm0, $0xb8;
	[tilespmem:$0x13800] =	vst v63  }
0x38: {  	s24 =	simm.s32 $0x8000  }
0x39: {  	[tilespmem:s24], [sflag:$0x1] =	stream.indirect_vreg.gather [hbm4b:s16+s12], $0x80, v4, vm0, $0xb8;
	[tilespmem:$0x13800] =	vst v63  }
0x3a: {  	s25 =	simm.s32 $0x8800  }
0x3b: {  	[tilespmem:s25], [sflag:$0x1] =	stream.indirect_vreg.gather [hbm4b:s13+s12], $0x80, v3, vm0, $0xb8;
	[tilespmem:$0x13800] =	vst v63  }
0x3c: {  	s26 =	simm.s32 $0x9000  }
0x3d: {  	[tilespmem:s26], [sflag:$0x1] =	stream.indirect_vreg.gather [hbm4b:s14+s12], $0x80, v3, vm0, $0xb8;
	[tilespmem:$0x13800] =	vst v63  }
0x3e: {  	s28 =	simm.s32 $0x9800  }
0x3f: {  	[tilespmem:s28], [sflag:$0x1] =	stream.indirect_vreg.gather [hbm4b:s15+s12], $0x80, v3, vm0, $0xb8;
	[tilespmem:$0x13800] =	vst v63  }
0x40: {  	s29 =	simm.s32 $0xA000  }
0x41: {  	[tilespmem:s29], [sflag:$0x1] =	stream.indirect_vreg.gather [hbm4b:s16+s12], $0x80, v3, vm0, $0xb8;
	[tilespmem:$0x13800] =	vst v63  }
0x42: {  	s31 =	simm.s32 $0x800;
	s30 =	rddreg [dreg:$0x16]  }
0x43: {  	[tilespmem:s31], [sflag:$0x3] =	stream.linear.gather [hbm4b:s30+s12], $0x1000, $0x38;
	[tilespmem:$0x13800] =	vst v63  }
0x44: {  	_ =	swait.ge [sflag:s6], $0x1000  }
0x45: {  	[sflag:s6] =	ssyncset.done $0x0  }
0x46: {  	s0 =	simm.s32 $0x0;
	[sflag:s6] =	ssyncadd.s32 $0xFFFFF000  }
.LBB2_2:
0x47: {  	s23 =	sshll.u32 s0, $0xA  }
0x48: {  	[dreg:$0x1b] =	wrdreg s0;
	s0 =	sor.u32 $0x200, s23  }
0x49: {  	s2 =	sshra.s32 s0, $0x2  }
0x4a: {  	v3 =	vld [tilespmem:s2+$0x0];
	_ =	sdelay $0x4  }
0x4b: {  	v4 =	vshll.u32 v3, $0x3  }
0x4c: {  	v3 =	vand.u32 $0x7, v3;
	v4 =	vand.u32 $0xFFFFFFC0, v4  }
0x4d: {  	v3 =	vor.u32 v3, v4  }
0x4e: {  	v4 =	vperm.xlane v3, v0;
	_ =	sdelay $0x1  }
0x4f: {  	v4 =	vadd.s32 v1, v4;
	_ =	sdelay $0x3  }
0x50: {  	s17 =	simm.s32 $0x0;
	s1 =	rddreg [dreg:$0x0];
	s3 =	simm.s32 $0xA800  }
0x51: {  	[tilespmem:s3], [sflag:$0x2] =	stream.indirect_vreg.gather [hbm4b:s1+s17], $0x80, v4, vm0, $0xb8;
	[tilespmem:$0x13800] =	vst v63  }
0x52: {  	s24 =	rddreg [dreg:$0x13];
	s4 =	simm.s32 $0xB000;
	v3 =	vperm.xlane v3, v2  }
0x53: {  	[tilespmem:s4], [sflag:$0x2] =	stream.indirect_vreg.gather [hbm4b:s24+s17], $0x80, v4, vm0, $0xb8;
	[tilespmem:$0x13800] =	vst v63  }
0x54: {  	s25 =	rddreg [dreg:$0x14];
	s5 =	simm.s32 $0xB800;
	v3 =	vadd.s32 v1, v3  }
0x55: {  	[tilespmem:s5], [sflag:$0x2] =	stream.indirect_vreg.gather [hbm4b:s25+s17], $0x80, v4, vm0, $0xb8;
	[tilespmem:$0x13800] =	vst v63  }
0x56: {  	s26 =	rddreg [dreg:$0x15];
	s7 =	simm.s32 $0xC000  }
0x57: {  	[tilespmem:s7], [sflag:$0x2] =	stream.indirect_vreg.gather [hbm4b:s26+s17], $0x80, v4, vm0, $0xb8;
	[tilespmem:$0x13800] =	vst v63  }
0x58: {  	s28 =	simm.s32 $0xC800  }
0x59: {  	[tilespmem:s28], [sflag:$0x2] =	stream.indirect_vreg.gather [hbm4b:s1+s17], $0x80, v3, vm0, $0xb8;
	[tilespmem:$0x13800] =	vst v63  }
0x5a: {  	s29 =	simm.s32 $0xD000  }
0x5b: {  	[tilespmem:s29], [sflag:$0x2] =	stream.indirect_vreg.gather [hbm4b:s24+s17], $0x80, v3, vm0, $0xb8;
	[tilespmem:$0x13800] =	vst v63  }
0x5c: {  	s30 =	simm.s32 $0xD800  }
0x5d: {  	[tilespmem:s30], [sflag:$0x2] =	stream.indirect_vreg.gather [hbm4b:s25+s17], $0x80, v3, vm0, $0xb8;
	[tilespmem:$0x13800] =	vst v63  }
0x5e: {  	s31 =	simm.s32 $0xE000  }
0x5f: {  	[tilespmem:s31], [sflag:$0x2] =	stream.indirect_vreg.gather [hbm4b:s26+s17], $0x80, v3, vm0, $0xb8;
	[tilespmem:$0x13800] =	vst v63  }
0x60: {  	v3 =	vld [tilespmem:s2+$0x10];
	_ =	sdelay $0x4  }
0x61: {  	v4 =	vshll.u32 v3, $0x3  }
0x62: {  	v3 =	vand.u32 $0x7, v3;
	v4 =	vand.u32 $0xFFFFFFC0, v4  }
0x63: {  	v3 =	vor.u32 v3, v4  }
0x64: {  	v4 =	vperm.xlane v3, v0;
	_ =	sdelay $0x1  }
0x65: {  	v4 =	vadd.s32 v1, v4;
	_ =	sdelay $0x3  }
0x66: {  	s8 =	simm.s32 $0xE800  }
0x67: {  	[tilespmem:s8], [sflag:$0x2] =	stream.indirect_vreg.gather [hbm4b:s1+s17], $0x80, v4, vm0, $0xb8;
	[tilespmem:$0x13800] =	vst v63  }
0x68: {  	s9 =	simm.s32 $0xF000;
	v3 =	vperm.xlane v3, v2  }
0x69: {  	[tilespmem:s9], [sflag:$0x2] =	stream.indirect_vreg.gather [hbm4b:s24+s17], $0x80, v4, vm0, $0xb8;
	[tilespmem:$0x13800] =	vst v63  }
0x6a: {  	s10 =	simm.s32 $0xF800;
	v3 =	vadd.s32 v1, v3  }
0x6b: {  	[tilespmem:s10], [sflag:$0x2] =	stream.indirect_vreg.gather [hbm4b:s25+s17], $0x80, v4, vm0, $0xb8;
	[tilespmem:$0x13800] =	vst v63  }
0x6c: {  	s11 =	simm.s32 $0x10000  }
0x6d: {  	[tilespmem:s11], [sflag:$0x2] =	stream.indirect_vreg.gather [hbm4b:s26+s17], $0x80, v4, vm0, $0xb8;
	[tilespmem:$0x13800] =	vst v63  }
0x6e: {  	s12 =	simm.s32 $0x10800  }
0x6f: {  	[tilespmem:s12], [sflag:$0x2] =	stream.indirect_vreg.gather [hbm4b:s1+s17], $0x80, v3, vm0, $0xb8;
	[tilespmem:$0x13800] =	vst v63  }
0x70: {  	s13 =	simm.s32 $0x11000;
	s16 =	rddreg [dreg:$0x11]  }
0x71: {  	[tilespmem:s13], [sflag:$0x2] =	stream.indirect_vreg.gather [hbm4b:s24+s17], $0x80, v3, vm0, $0xb8;
	[tilespmem:$0x13800] =	vst v63  }
0x72: {  	s14 =	simm.s32 $0x11800;
	s18 =	rddreg [dreg:$0x10]  }
0x73: {  	[tilespmem:s14], [sflag:$0x2] =	stream.indirect_vreg.gather [hbm4b:s25+s17], $0x80, v3, vm0, $0xb8;
	[tilespmem:$0x13800] =	vst v63  }
0x74: {  	s15 =	simm.s32 $0x12000;
	[dreg:$0x1d] =	wrdreg s23;
	s1 =	sadd.s32 s16, s0  }
0x75: {  	[tilespmem:s15], [sflag:$0x2] =	stream.indirect_vreg.gather [hbm4b:s26+s17], $0x80, v3, vm0, $0xb8;
	[tilespmem:$0x13800] =	vst v63  }
0x76: {  	s19 =	simm.s32 $0x1800;
	[dreg:$0x1c] =	wrdreg s1;
	s0 =	sadd.s32 s18, s1  }
0x77: {  	[tilespmem:s19], [sflag:$0x3] =	stream.linear.gather [hbm4b:s0+s17], $0x1000, $0x38;
	[tilespmem:$0x13800] =	vst v63  }
0x78: {  	_ =	swait.ge [sflag:s6], $0x1000  }
0x79: {  	[sflag:s6] =	ssyncset.done $0x0  }
0x7a: {  	s20 =	simm.s32 $0x1;
	[sflag:s6] =	ssyncadd.s32 $0xFFFFF000  }
0x7b: {  	_ =	swait.ge [sflag:s20], $0x8000  }
0x7c: {  	[sflag:s20] =	ssyncset.done $0x0  }
0x7d: {  	[sflag:s20] =	ssyncadd.s32 $0xFFFF8000  }
0x7e: {  	v4 =	vld [tilespmem:$0x800]  }
0x7f: {  	v5 =	vld [tilespmem:$0x880]  }
0x80: {  	v6 =	vld [tilespmem:$0x900]  }
0x81: {  	v7 =	vld [tilespmem:$0x980]  }
0x82: {  	s21 =	simm.s32 $0x0;
	v3 =	vld [tilespmem:$0xA00]  }
0x83: {  	s22 =	sand.u32 $0x40, s17;
	s2 =	sand.u32 $0x3FFFFC00, s21;
	v8 =	vld [tilespmem:$0xA80]  }
0x84: {  	s23 =	sadd.s32 $0x2800, s2;
	s24 =	sor.u32 $0x30, s22;
	v9 =	vld [tilespmem:$0xB00]  }
0x85: {  	s25 =	sor.u32 s24, s23;
	v10 =	vld [tilespmem:$0xB80]  }
0x86: {  	v11 =	vld [tilespmem:s25+$0x0]  }
0x87: {  	v12 =	vld [tilespmem:s25+$0x80]  }
0x88: {  	v13 =	vld [tilespmem:s25+$0x100]  }
0x89: {  	v14 =	vld [tilespmem:s25+$0x180]  }
0x8a: {  	v15 =	vld [tilespmem:s25+$0x200]  }
0x8b: {  	v16 =	vld [tilespmem:s25+$0x280]  }
0x8c: {  	v17 =	vld [tilespmem:s25+$0x300]  }
0x8d: {  	s26 =	sor.u32 s22, s23;
	v18 =	vld [tilespmem:s25+$0x380]  }
0x8e: {  	v19 =	vld [tilespmem:s26+$0x0]  }
0x8f: {  	v20 =	vld [tilespmem:s26+$0x80]  }
0x90: {  	v21 =	vld [tilespmem:s26+$0x100]  }
0x91: {  	v22 =	vld [tilespmem:s26+$0x180]  }
0x92: {  	v23 =	vld [tilespmem:s26+$0x200];
	v11 =	vmul.f32 v11, v4;
	v12 =	vmul.f32 v12, v5  }
0x93: {  	v24 =	vld [tilespmem:s26+$0x280];
	v13 =	vmul.f32 v13, v6;
	v14 =	vmul.f32 v14, v7  }
0x94: {  	s28 =	sor.u32 $0x10, s22;
	v25 =	vld [tilespmem:s26+$0x300];
	v15 =	vmul.f32 v15, v3;
	v16 =	vmul.f32 v16, v8  }
0x95: {  	s10 =	sor.u32 s28, s23;
	v17 =	vmul.f32 v17, v9;
	v18 =	vmul.f32 v18, v10;
	v11 =	vadd.f32 v12, v11;
	v12 =	vld [tilespmem:s26+$0x380]  }
0x96: {  	v13 =	vadd.f32 v14, v13;
	v14 =	vadd.f32 v16, v15;
	v15 =	vld [tilespmem:s10+$0x0]  }
0x97: {  	v16 =	vmul.f32 v19, v4;
	v19 =	vmul.f32 v20, v5;
	v17 =	vadd.f32 v18, v17;
	v18 =	vld [tilespmem:s10+$0x80]  }
0x98: {  	v20 =	vmul.f32 v21, v6;
	v21 =	vmul.f32 v22, v7;
	v22 =	vld [tilespmem:s10+$0x100];
	v11 =	vadd.f32 v13, v11  }
0x99: {  	v13 =	vadd.f32 v17, v14;
	v14 =	vmul.f32 v23, v3;
	v17 =	vmul.f32 v24, v8;
	v23 =	vld [tilespmem:s10+$0x180]  }
0x9a: {  	v62 =	vld [tilespmem:s10+$0x200];
	v16 =	vadd.f32 v19, v16;
	v19 =	vmul.f32 v25, v9;
	v12 =	vmul.f32 v12, v10  }
0x9b: {  	v63 =	vld [tilespmem:s10+$0x280];
	v20 =	vadd.f32 v21, v20;
	v21 =	vadd.f32 v13, v11  }
0x9c: {  	s29 =	sor.u32 $0x20, s22;
	s11 =	simm.s32 $0x0;
	v14 =	vadd.f32 v17, v14;
	v13 =	vld [tilespmem:s10+$0x300];
	v12 =	vadd.f32 v12, v19  }
0x9d: {  	s30 =	sand.u32 $0x3FFFFE00, s11;
	s18 =	sor.u32 s29, s23;
	v11 =	vld [tilespmem:s10+$0x380];
	v16 =	vadd.f32 v20, v16;
	v15 =	vmul.f32 v15, v4;
	v17 =	vmul.f32 v18, v5  }
0x9e: {  	s4 =	sadd.s32 $0x12800, s30;
	v19 =	vmul.f32 v22, v6;
	v22 =	vmul.f32 v23, v7;
	v20 =	vadd.f32 v12, v14;
	v14 =	vld [tilespmem:s18+$0x0]  }
0x9f: {  	s21 =	sor.u32 s28, s4;
	s31 =	sor.u32 s24, s4;
	v18 =	vmul.f32 v62, v3;
	v12 =	vadd.f32 v17, v15;
	v15 =	vld [tilespmem:s18+$0x80]  }
0xa0: {  	s22 =	sor.u32 s22, s4;
	s19 =	simm.s32 $0x0;
	s20 =	sor.u32 s29, s4;
	[tilespmem:s31+$0x0] =	vst v21;
	v19 =	vadd.f32 v22, v19;
	v17 =	vld [tilespmem:s18+$0x100];
	v16 =	vadd.f32 v20, v16;
	v20 =	vmul.f32 v63, v8  }
.LBB2_3:
0xa1: {  	s19 =	sadd.s32 $0x4, s19;
	v13 =	vmul.f32 v13, v9;
	v21 =	vld [tilespmem:s18+$0x180]  }
0xa2: {  	s17 =	sadd.s32 $0x40, s17;
	s0 =	sshll.u32 s19, $0x7;
	p0 =	slt.u32 s19, $0x3C;
	[tilespmem:s22+$0x0] =	vst v16;
	v11 =	vmul.f32 v11, v10;
	v16 =	vadd.f32 v20, v18;
	v12 =	vadd.f32 v19, v12;
	v18 =	vld [tilespmem:s18+$0x200]  }
0xa3: {  	s22 =	sand.u32 $0x40, s17;
	s0 =	sand.u32 $0x3FFFFC00, s0;
	v14 =	vmul.f32 v14, v4;
	v19 =	vld [tilespmem:s18+$0x280]  }
0xa4: {  	s23 =	sor.u32 $0x10, s22;
	s25 =	sor.u32 $0x30, s22;
	s2 =	sadd.s32 $0x2800, s0;
	v11 =	vadd.f32 v11, v13;
	v13 =	vmul.f32 v15, v5;
	v15 =	vld [tilespmem:s18+$0x300]  }
0xa5: {  	s24 =	sor.u32 $0x20, s22;
	s0 =	sor.u32 s22, s2;
	s4 =	sor.u32 s25, s2;
	v17 =	vmul.f32 v17, v6;
	v20 =	vld [tilespmem:s18+$0x380]  }
0xa6: {  	s10 =	sor.u32 s23, s2;
	s18 =	sor.u32 s24, s2;
	v22 =	vld [tilespmem:s4+$0x0];
	v11 =	vadd.f32 v11, v16;
	v16 =	vmul.f32 v21, v7;
	v13 =	vadd.f32 v13, v14  }
0xa7: {  	v14 =	vld [tilespmem:s4+$0x80];
	v18 =	vmul.f32 v18, v3  }
0xa8: {  	v21 =	vld [tilespmem:s4+$0x100];
	v11 =	vadd.f32 v11, v12;
	v12 =	vmul.f32 v19, v8;
	v16 =	vadd.f32 v16, v17  }
0xa9: {  	v17 =	vld [tilespmem:s4+$0x180];
	v15 =	vmul.f32 v15, v9  }
0xaa: {  	v19 =	vld [tilespmem:s4+$0x200];
	[tilespmem:s21+$0x0] =	vst v11;
	v11 =	vmul.f32 v20, v10;
	v12 =	vadd.f32 v12, v18;
	v13 =	vadd.f32 v16, v13  }
0xab: {  	v16 =	vld [tilespmem:s4+$0x280]  }
0xac: {  	v18 =	vld [tilespmem:s4+$0x300];
	v11 =	vadd.f32 v11, v15  }
0xad: {  	v15 =	vld [tilespmem:s4+$0x380]  }
0xae: {  	v20 =	vld [tilespmem:s0+$0x0];
	v11 =	vadd.f32 v11, v12  }
0xaf: {  	v22 =	vmul.f32 v22, v4;
	v14 =	vmul.f32 v14, v5;
	v12 =	vld [tilespmem:s0+$0x80]  }
0xb0: {  	v21 =	vmul.f32 v21, v6;
	v17 =	vmul.f32 v17, v7;
	v23 =	vld [tilespmem:s0+$0x100];
	v11 =	vadd.f32 v11, v13  }
0xb1: {  	v19 =	vmul.f32 v19, v3;
	v16 =	vmul.f32 v16, v8;
	v13 =	vld [tilespmem:s0+$0x180]  }
0xb2: {  	v18 =	vmul.f32 v18, v9;
	v24 =	vld [tilespmem:s0+$0x200];
	v15 =	vmul.f32 v15, v10;
	[tilespmem:s20+$0x0] =	vst v11  }
0xb3: {  	v14 =	vadd.f32 v14, v22;
	v17 =	vadd.f32 v17, v21;
	v11 =	vmul.f32 v20, v4;
	v20 =	vld [tilespmem:s0+$0x280]  }
0xb4: {  	v16 =	vadd.f32 v16, v19;
	v12 =	vmul.f32 v12, v5;
	v21 =	vld [tilespmem:s0+$0x300];
	v15 =	vadd.f32 v15, v18  }
0xb5: {  	v18 =	vmul.f32 v23, v6;
	v19 =	vld [tilespmem:s0+$0x380]  }
0xb6: {  	v14 =	vadd.f32 v17, v14;
	s0 =	sshll.u32 s19, $0x6;
	v13 =	vmul.f32 v13, v7;
	v22 =	vld [tilespmem:s10+$0x0];
	v15 =	vadd.f32 v15, v16  }
0xb7: {  	v11 =	vadd.f32 v12, v11;
	s0 =	sand.u32 $0x3FFFFE00, s0;
	v16 =	vmul.f32 v24, v3;
	v12 =	vld [tilespmem:s10+$0x80]  }
0xb8: {  	s0 =	sadd.s32 $0x12800, s0;
	v17 =	vmul.f32 v20, v8;
	v13 =	vadd.f32 v13, v18;
	v18 =	vld [tilespmem:s10+$0x100];
	v14 =	vadd.f32 v15, v14  }
0xb9: {  	s22 =	sor.u32 s22, s0;
	s21 =	sor.u32 s23, s0;
	s2 =	sor.u32 s25, s0;
	v15 =	vmul.f32 v21, v9;
	v20 =	vld [tilespmem:s10+$0x180]  }
0xba: {  	s20 =	sor.u32 s24, s0;
	v19 =	vmul.f32 v19, v10;
	v16 =	vadd.f32 v17, v16;
	v17 =	vadd.f32 v13, v11;
	v21 =	vld [tilespmem:s10+$0x200];
	[tilespmem:s2+$0x0] =	vst v14  }
0xbb: {  	v14 =	vmul.f32 v22, v4;
	v22 =	vld [tilespmem:s10+$0x280]  }
.Ltmp0:
0xbc: {  	v15 =	vadd.f32 v19, v15;
	v12 =	vmul.f32 v12, v5;
	v13 =	vld [tilespmem:s10+$0x300];
	(pc) =	sbr.rel @p0 .LBB2_3-.Ltmp0, $4  }
0xbd: {  	v19 =	vmul.f32 v18, v6;
	v11 =	vld [tilespmem:s10+$0x380]  }
0xbe: {  	v16 =	vadd.f32 v15, v16;
	v23 =	vmul.f32 v20, v7;
	v12 =	vadd.f32 v12, v14;
	v14 =	vld [tilespmem:s18+$0x0]  }
0xbf: {  	v18 =	vmul.f32 v21, v3;
	v15 =	vld [tilespmem:s18+$0x80]  }
0xc0: {  	v16 =	vadd.f32 v16, v17;
	v20 =	vmul.f32 v22, v8;
	v19 =	vadd.f32 v23, v19;
	v17 =	vld [tilespmem:s18+$0x100]  }
0xc1: {  	v21 =	vld [tilespmem:s18+$0x180]  }
0xc2: {  	v22 =	vld [tilespmem:s18+$0x200]  }
0xc3: {  	v23 =	vld [tilespmem:s18+$0x280]  }
0xc4: {  	v24 =	vld [tilespmem:s18+$0x300]  }
0xc5: {  	v25 =	vld [tilespmem:s18+$0x380]  }
0xc6: {  	v13 =	vmul.f32 v13, v9;
	v11 =	vmul.f32 v11, v10  }
0xc7: {  	v4 =	vmul.f32 v14, v4;
	v5 =	vmul.f32 v15, v5  }
0xc8: {  	v6 =	vmul.f32 v17, v6;
	v7 =	vmul.f32 v21, v7  }
0xc9: {  	v14 =	vadd.f32 v20, v18;
	v3 =	vmul.f32 v22, v3;
	v8 =	vmul.f32 v23, v8  }
0xca: {  	v11 =	vadd.f32 v11, v13;
	v9 =	vmul.f32 v24, v9;
	v10 =	vmul.f32 v25, v10  }
0xcb: {  	v4 =	vadd.f32 v5, v4;
	v5 =	vadd.f32 v7, v6  }
0xcc: {  	v3 =	vadd.f32 v8, v3;
	v6 =	vadd.f32 v10, v9  }
0xcd: {  	v7 =	vadd.f32 v19, v12;
	v8 =	vadd.f32 v11, v14  }
0xce: {  	v4 =	vadd.f32 v5, v4;
	v3 =	vadd.f32 v6, v3  }
0xcf: {  	v5 =	vadd.f32 v8, v7  }
0xd0: {  	[tilespmem:s22+$0x0] =	vst v16;
	v3 =	vadd.f32 v3, v4  }
0xd1: {  	[tilespmem:s21+$0x0] =	vst v5  }
0xd2: {  	[tilespmem:s20+$0x0] =	vst v3  }
0xd3: {  	v4 =	vld [tilespmem:$0xC00]  }
0xd4: {  	v5 =	vld [tilespmem:$0xC80]  }
0xd5: {  	v6 =	vld [tilespmem:$0xD00]  }
0xd6: {  	v7 =	vld [tilespmem:$0xD80]  }
0xd7: {  	s17 =	simm.s32 $0x0;
	s0 =	simm.s32 $0x0;
	v3 =	vld [tilespmem:$0xE00]  }
0xd8: {  	s18 =	sand.u32 $0x40, s17;
	s0 =	sand.u32 $0x3FFFFC00, s0;
	v8 =	vld [tilespmem:$0xE80]  }
0xd9: {  	s10 =	sadd.s32 $0x4800, s0;
	s19 =	sor.u32 $0x30, s18;
	v9 =	vld [tilespmem:$0xF00]  }
0xda: {  	s5 =	sadd.s32 $0x4880, s0;
	s2 =	sor.u32 s19, s10;
	v10 =	vld [tilespmem:$0xF80]  }
0xdb: {  	s24 =	sadd.s32 $0x4900, s0;
	s12 =	sor.u32 s19, s5;
	v11 =	vld [tilespmem:s2+$0x0]  }
0xdc: {  	s4 =	sadd.s32 $0x4980, s0;
	s13 =	sor.u32 s19, s24;
	v12 =	vld [tilespmem:s12+$0x0]  }
0xdd: {  	s23 =	sadd.s32 $0x4A00, s0;
	s14 =	sor.u32 s19, s4;
	v13 =	vld [tilespmem:s13+$0x0]  }
0xde: {  	s15 =	sor.u32 s19, s23;
	s21 =	sadd.s32 $0x4A80, s0;
	v14 =	vld [tilespmem:s14+$0x0]  }
0xdf: {  	s22 =	sadd.s32 $0x4B00, s0;
	s16 =	sor.u32 s19, s21;
	v15 =	vld [tilespmem:s15+$0x0]  }
0xe0: {  	s25 =	sor.u32 s19, s22;
	v16 =	vld [tilespmem:s16+$0x0]  }
0xe1: {  	s30 =	sor.u32 s18, s10;
	v17 =	vld [tilespmem:s25+$0x0]  }
0xe2: {  	s31 =	sor.u32 s18, s5;
	v19 =	vld [tilespmem:s30+$0x0]  }
0xe3: {  	s1 =	sor.u32 s18, s24;
	s20 =	sadd.s32 $0x4B80, s0;
	v20 =	vld [tilespmem:s31+$0x0]  }
0xe4: {  	s26 =	sor.u32 s19, s20;
	v21 =	vld [tilespmem:s1+$0x0]  }
0xe5: {  	s3 =	sor.u32 s18, s4;
	v18 =	vld [tilespmem:s26+$0x0]  }
0xe6: {  	s6 =	sor.u32 s18, s23;
	v22 =	vld [tilespmem:s3+$0x0];
	v11 =	vmul.f32 v11, v4  }
0xe7: {  	s7 =	sor.u32 s18, s21;
	v23 =	vld [tilespmem:s6+$0x0];
	v12 =	vmul.f32 v12, v5;
	v13 =	vmul.f32 v13, v6  }
0xe8: {  	s8 =	sor.u32 s18, s22;
	v60 =	vld [tilespmem:s7+$0x0];
	v14 =	vmul.f32 v14, v7;
	v15 =	vmul.f32 v15, v3  }
0xe9: {  	s9 =	sor.u32 $0x10, s18;
	s6 =	sor.u32 s18, s20;
	v61 =	vld [tilespmem:s8+$0x0];
	v16 =	vmul.f32 v16, v8;
	v17 =	vmul.f32 v17, v9  }
0xea: {  	s11 =	sor.u32 s9, s10;
	v18 =	vmul.f32 v18, v10;
	v11 =	vadd.f32 v12, v11;
	v12 =	vld [tilespmem:s6+$0x0];
	v13 =	vadd.f32 v14, v13  }
0xeb: {  	s13 =	sor.u32 s9, s24;
	v14 =	vadd.f32 v16, v15;
	v15 =	vld [tilespmem:s11+$0x0];
	v16 =	vmul.f32 v19, v4;
	v19 =	vmul.f32 v20, v5  }
0xec: {  	s12 =	sor.u32 s9, s5;
	v20 =	vmul.f32 v21, v6;
	v21 =	vmul.f32 v22, v7;
	v22 =	vld [tilespmem:s13+$0x0];
	v17 =	vadd.f32 v18, v17  }
0xed: {  	s14 =	sor.u32 s9, s4;
	v18 =	vld [tilespmem:s12+$0x0];
	v11 =	vadd.f32 v13, v11;
	v16 =	vadd.f32 v19, v16  }
0xee: {  	s11 =	sor.u32 s9, s21;
	v19 =	vmul.f32 v61, v9;
	v13 =	vadd.f32 v17, v14;
	v14 =	vmul.f32 v23, v3;
	v23 =	vld [tilespmem:s14+$0x0]  }
0xef: {  	s15 =	sor.u32 s9, s23;
	s16 =	sor.u32 $0x20, s18;
	v20 =	vadd.f32 v21, v20;
	v21 =	vld [tilespmem:s11+$0x0];
	v17 =	vmul.f32 v60, v8;
	v12 =	vmul.f32 v12, v10  }
0xf0: {  	s25 =	sor.u32 s9, s22;
	s30 =	simm.s32 $0x0;
	v62 =	vld [tilespmem:s15+$0x0];
	s26 =	sor.u32 s9, s20;
	v63 =	vadd.f32 v13, v11  }
0xf1: {  	s5 =	sor.u32 s16, s5;
	s24 =	sor.u32 s16, s24;
	s2 =	sand.u32 $0x3FFFFE00, s30;
	v11 =	vld [tilespmem:s25+$0x0];
	v14 =	vadd.f32 v17, v14;
	v17 =	vadd.f32 v12, v19  }
0xf2: {  	s28 =	sor.u32 s16, s23;
	s2 =	sadd.s32 $0x12800, s2;
	s12 =	sor.u32 s16, s10;
	v18 =	vmul.f32 v18, v5;
	v12 =	vld [tilespmem:s26+$0x0];
	v19 =	vadd.f32 v20, v16;
	v16 =	vmul.f32 v15, v4  }
0xf3: {  	s29 =	sor.u32 s16, s21;
	s31 =	sor.u32 s19, s2;
	s19 =	sor.u32 s16, s2;
	v13 =	vld [tilespmem:s12+$0x0];
	v22 =	vmul.f32 v22, v6;
	v23 =	vmul.f32 v23, v7;
	v17 =	vadd.f32 v17, v14  }
0xf4: {  	s21 =	sor.u32 s9, s2;
	s10 =	sor.u32 s16, s4;
	s25 =	sor.u32 s16, s22;
	v15 =	vld [tilespmem:s5+$0x0];
	v20 =	vmul.f32 v21, v8;
	v14 =	vadd.f32 v18, v16  }
0xf5: {  	s26 =	sor.u32 s16, s20;
	s20 =	sor.u32 s18, s2;
	[tilespmem:s31+$0x80] =	vst v63;
	s18 =	simm.s32 $0x0;
	v18 =	vmul.f32 v62, v3;
	v16 =	vld [tilespmem:s24+$0x0];
	v17 =	vadd.f32 v17, v19;
	v19 =	vadd.f32 v23, v22  }
.LBB2_5:
0xf6: {  	s18 =	sadd.s32 $0x4, s18;
	v11 =	vmul.f32 v11, v9;
	v21 =	vld [tilespmem:s10+$0x0]  }
0xf7: {  	s17 =	sadd.s32 $0x40, s17;
	s0 =	sshll.u32 s18, $0x7;
	p0 =	slt.u32 s18, $0x3C;
	[tilespmem:s20+$0x80] =	vst v17;
	v12 =	vmul.f32 v12, v10;
	v17 =	vadd.f32 v20, v18;
	v14 =	vadd.f32 v19, v14;
	v18 =	vld [tilespmem:s28+$0x0]  }
0xf8: {  	s20 =	sand.u32 $0x40, s17;
	s0 =	sand.u32 $0x3FFFFC00, s0;
	v13 =	vmul.f32 v13, v4;
	v19 =	vld [tilespmem:s29+$0x0]  }
0xf9: {  	s22 =	sor.u32 $0x10, s20;
	s24 =	sor.u32 $0x30, s20;
	s4 =	sadd.s32 $0x4800, s0;
	v11 =	vadd.f32 v12, v11;
	v12 =	vmul.f32 v15, v5;
	v15 =	vld [tilespmem:s25+$0x0]  }
0xfa: {  	s23 =	sor.u32 $0x20, s20;
	s2 =	sadd.s32 $0x4880, s0;
	s5 =	sor.u32 s24, s4;
	v16 =	vmul.f32 v16, v6;
	v20 =	vld [tilespmem:s26+$0x0]  }
0xfb: {  	s10 =	sadd.s32 $0x4900, s0;
	s11 =	sor.u32 s20, s4;
	v22 =	vld [tilespmem:s5+$0x0];
	s5 =	sor.u32 s24, s2;
	v11 =	vadd.f32 v11, v17;
	v17 =	vmul.f32 v21, v7;
	v12 =	vadd.f32 v12, v13  }
0xfc: {  	s25 =	sadd.s32 $0x4980, s0;
	s12 =	sor.u32 s20, s2;
	v13 =	vld [tilespmem:s5+$0x0];
	s5 =	sor.u32 s24, s10;
	v18 =	vmul.f32 v18, v3  }
0xfd: {  	s28 =	sadd.s32 $0x4A00, s0;
	s26 =	sor.u32 s20, s10;
	v21 =	vld [tilespmem:s5+$0x0];
	s5 =	sor.u32 s24, s25;
	v11 =	vadd.f32 v11, v14;
	v14 =	vmul.f32 v19, v8;
	v16 =	vadd.f32 v17, v16  }
0xfe: {  	s1 =	sadd.s32 $0x4A80, s0;
	s29 =	sor.u32 s20, s25;
	v17 =	vld [tilespmem:s5+$0x0];
	s5 =	sor.u32 s24, s28;
	v15 =	vmul.f32 v15, v9  }
0xff: {  	s3 =	sadd.s32 $0x4B00, s0;
	s15 =	sor.u32 s20, s28;
	v19 =	vld [tilespmem:s5+$0x0];
	s5 =	sor.u32 s24, s1;
	[tilespmem:s21+$0x80] =	vst v11;
	v11 =	vmul.f32 v20, v10;
	v14 =	vadd.f32 v14, v18;
	v12 =	vadd.f32 v16, v12  }
0x100: {  	s7 =	sadd.s32 $0x4B80, s0;
	s14 =	sor.u32 s20, s1;
	s0 =	sor.u32 s24, s3;
	v16 =	vld [tilespmem:s5+$0x0]  }
0x101: {  	s8 =	sor.u32 s20, s3;
	s9 =	sor.u32 s20, s7;
	v18 =	vld [tilespmem:s0+$0x0];
	s0 =	sor.u32 s24, s7;
	v11 =	vadd.f32 v11, v15  }
0x102: {  	s16 =	sor.u32 s22, s4;
	s13 =	sor.u32 s22, s2;
	s6 =	sor.u32 s22, s10;
	v15 =	vld [tilespmem:s0+$0x0]  }
0x103: {  	s30 =	sor.u32 s22, s28;
	s31 =	sor.u32 s22, s1;
	s21 =	sor.u32 s22, s25;
	v20 =	vld [tilespmem:s11+$0x0];
	v11 =	vadd.f32 v11, v14  }
0x104: {  	s5 =	sor.u32 s23, s4;
	v22 =	vmul.f32 v22, v4;
	v13 =	vmul.f32 v13, v5;
	s0 =	sor.u32 s22, s3;
	v14 =	vld [tilespmem:s12+$0x0];
	s12 =	sor.u32 s22, s7  }
0x105: {  	s4 =	sor.u32 s23, s10;
	s10 =	sor.u32 s23, s25;
	v21 =	vmul.f32 v21, v6;
	s11 =	sor.u32 s23, s2;
	v17 =	vmul.f32 v17, v7;
	v23 =	vld [tilespmem:s26+$0x0];
	v11 =	vadd.f32 v11, v12  }
0x106: {  	s28 =	sor.u32 s23, s28;
	s25 =	sor.u32 s23, s3;
	v19 =	vmul.f32 v19, v3;
	v16 =	vmul.f32 v16, v8;
	v12 =	vld [tilespmem:s29+$0x0];
	s29 =	sor.u32 s23, s1  }
0x107: {  	s26 =	sor.u32 s23, s7;
	v18 =	vmul.f32 v18, v9;
	v24 =	vld [tilespmem:s15+$0x0];
	v15 =	vmul.f32 v15, v10;
	[tilespmem:s19+$0x80] =	vst v11  }
0x108: {  	v13 =	vadd.f32 v13, v22;
	v17 =	vadd.f32 v17, v21;
	v11 =	vmul.f32 v20, v4;
	v20 =	vld [tilespmem:s14+$0x0]  }
0x109: {  	v16 =	vadd.f32 v16, v19;
	v14 =	vmul.f32 v14, v5;
	v21 =	vld [tilespmem:s8+$0x0];
	v15 =	vadd.f32 v15, v18  }
0x10a: {  	v18 =	vmul.f32 v23, v6;
	v19 =	vld [tilespmem:s9+$0x0]  }
0x10b: {  	s1 =	sshll.u32 s18, $0x6;
	v13 =	vadd.f32 v17, v13;
	v12 =	vmul.f32 v12, v7;
	v22 =	vld [tilespmem:s16+$0x0];
	v15 =	vadd.f32 v15, v16  }
0x10c: {  	s1 =	sand.u32 $0x3FFFFE00, s1;
	v11 =	vadd.f32 v14, v11;
	v16 =	vmul.f32 v24, v3;
	v14 =	vld [tilespmem:s13+$0x0]  }
0x10d: {  	s1 =	sadd.s32 $0x12800, s1;
	v17 =	vmul.f32 v20, v8;
	v12 =	vadd.f32 v12, v18;
	v18 =	vld [tilespmem:s6+$0x0];
	v13 =	vadd.f32 v15, v13  }
0x10e: {  	s20 =	sor.u32 s20, s1;
	s2 =	sor.u32 s24, s1;
	v15 =	vmul.f32 v21, v9;
	v20 =	vld [tilespmem:s21+$0x0];
	s21 =	sor.u32 s22, s1  }
0x10f: {  	s19 =	sor.u32 s23, s1;
	v19 =	vmul.f32 v19, v10;
	v16 =	vadd.f32 v17, v16;
	v17 =	vadd.f32 v12, v11;
	v21 =	vld [tilespmem:s30+$0x0];
	[tilespmem:s2+$0x80] =	vst v13  }
0x110: {  	v13 =	vmul.f32 v22, v4;
	v22 =	vld [tilespmem:s31+$0x0]  }
.Ltmp1:
0x111: {  	v15 =	vadd.f32 v19, v15;
	v14 =	vmul.f32 v14, v5;
	v11 =	vld [tilespmem:s0+$0x0];
	(pc) =	sbr.rel @p0 .LBB2_5-.Ltmp1, $4  }
0x112: {  	v19 =	vmul.f32 v18, v6;
	v12 =	vld [tilespmem:s12+$0x0]  }
0x113: {  	v16 =	vadd.f32 v15, v16;
	v23 =	vmul.f32 v20, v7;
	v14 =	vadd.f32 v14, v13;
	v13 =	vld [tilespmem:s5+$0x0]  }
0x114: {  	v18 =	vmul.f32 v21, v3;
	v15 =	vld [tilespmem:s11+$0x0]  }
0x115: {  	v17 =	vadd.f32 v16, v17;
	v20 =	vmul.f32 v22, v8;
	v19 =	vadd.f32 v23, v19;
	v16 =	vld [tilespmem:s4+$0x0]  }
0x116: {  	v21 =	vld [tilespmem:s10+$0x0]  }
0x117: {  	v22 =	vld [tilespmem:s28+$0x0]  }
0x118: {  	v23 =	vld [tilespmem:s29+$0x0]  }
0x119: {  	v24 =	vld [tilespmem:s25+$0x0]  }
0x11a: {  	v25 =	vld [tilespmem:s26+$0x0]  }
0x11b: {  	v11 =	vmul.f32 v11, v9;
	v12 =	vmul.f32 v12, v10  }
0x11c: {  	v4 =	vmul.f32 v13, v4;
	v5 =	vmul.f32 v15, v5  }
0x11d: {  	v6 =	vmul.f32 v16, v6;
	v7 =	vmul.f32 v21, v7  }
0x11e: {  	v13 =	vadd.f32 v20, v18;
	v3 =	vmul.f32 v22, v3;
	v8 =	vmul.f32 v23, v8  }
0x11f: {  	v11 =	vadd.f32 v12, v11;
	v9 =	vmul.f32 v24, v9;
	v10 =	vmul.f32 v25, v10  }
0x120: {  	v4 =	vadd.f32 v5, v4;
	v5 =	vadd.f32 v7, v6  }
0x121: {  	v3 =	vadd.f32 v8, v3;
	v6 =	vadd.f32 v10, v9  }
0x122: {  	v7 =	vadd.f32 v19, v14;
	v8 =	vadd.f32 v11, v13  }
0x123: {  	v4 =	vadd.f32 v5, v4;
	v3 =	vadd.f32 v6, v3  }
0x124: {  	v5 =	vadd.f32 v8, v7  }
0x125: {  	[tilespmem:s20+$0x80] =	vst v17;
	v3 =	vadd.f32 v3, v4  }
0x126: {  	[tilespmem:s21+$0x80] =	vst v5  }
0x127: {  	[tilespmem:s19+$0x80] =	vst v3  }
0x128: {  	v4 =	vld [tilespmem:$0x1000]  }
0x129: {  	v5 =	vld [tilespmem:$0x1080]  }
0x12a: {  	v6 =	vld [tilespmem:$0x1100]  }
0x12b: {  	v7 =	vld [tilespmem:$0x1180]  }
0x12c: {  	s0 =	simm.s32 $0x0;
	v3 =	vld [tilespmem:$0x1200]  }
0x12d: {  	s30 =	simm.s32 $0x0;
	s0 =	sand.u32 $0x3FFFFC00, s0;
	v8 =	vld [tilespmem:$0x1280]  }
0x12e: {  	s18 =	sand.u32 $0x40, s30;
	s10 =	sadd.s32 $0x6800, s0;
	v9 =	vld [tilespmem:$0x1300]  }
0x12f: {  	s5 =	sadd.s32 $0x6880, s0;
	s26 =	sor.u32 s18, s10;
	v10 =	vld [tilespmem:$0x1380]  }
0x130: {  	s31 =	sor.u32 s18, s5;
	s19 =	sor.u32 $0x30, s18;
	v19 =	vld [tilespmem:s26+$0x0]  }
0x131: {  	s1 =	sor.u32 s19, s10;
	v20 =	vld [tilespmem:s31+$0x0]  }
0x132: {  	s24 =	sadd.s32 $0x6900, s0;
	s12 =	sor.u32 s19, s5;
	v11 =	vld [tilespmem:s1+$0x0]  }
0x133: {  	s4 =	sadd.s32 $0x6980, s0;
	s13 =	sor.u32 s19, s24;
	v12 =	vld [tilespmem:s12+$0x0]  }
0x134: {  	s23 =	sadd.s32 $0x6A00, s0;
	s14 =	sor.u32 s19, s4;
	v13 =	vld [tilespmem:s13+$0x0]  }
0x135: {  	s21 =	sadd.s32 $0x6A80, s0;
	s15 =	sor.u32 s19, s23;
	v14 =	vld [tilespmem:s14+$0x0]  }
0x136: {  	s22 =	sadd.s32 $0x6B00, s0;
	s16 =	sor.u32 s19, s21;
	v15 =	vld [tilespmem:s15+$0x0]  }
0x137: {  	s20 =	sadd.s32 $0x6B80, s0;
	s17 =	sor.u32 s19, s22;
	v16 =	vld [tilespmem:s16+$0x0]  }
0x138: {  	s25 =	sor.u32 s19, s20;
	v17 =	vld [tilespmem:s17+$0x0]  }
0x139: {  	s2 =	sor.u32 s18, s24;
	v18 =	vld [tilespmem:s25+$0x0]  }
0x13a: {  	s3 =	sor.u32 s18, s4;
	v21 =	vld [tilespmem:s2+$0x0]  }
0x13b: {  	s6 =	sor.u32 s18, s23;
	v22 =	vld [tilespmem:s3+$0x0];
	v11 =	vmul.f32 v11, v4;
	v12 =	vmul.f32 v12, v5  }
0x13c: {  	s7 =	sor.u32 s18, s21;
	v23 =	vld [tilespmem:s6+$0x0];
	v13 =	vmul.f32 v13, v6;
	v14 =	vmul.f32 v14, v7  }
0x13d: {  	s8 =	sor.u32 s18, s22;
	v60 =	vld [tilespmem:s7+$0x0];
	v15 =	vmul.f32 v15, v3;
	v16 =	vmul.f32 v16, v8  }
0x13e: {  	s9 =	sor.u32 $0x10, s18;
	s2 =	sor.u32 s18, s20;
	v61 =	vld [tilespmem:s8+$0x0];
	v17 =	vmul.f32 v17, v9;
	v18 =	vmul.f32 v18, v10  }
0x13f: {  	s11 =	sor.u32 s9, s10;
	v11 =	vadd.f32 v12, v11;
	v12 =	vld [tilespmem:s2+$0x0];
	v13 =	vadd.f32 v14, v13  }
0x140: {  	s12 =	sor.u32 s9, s5;
	v14 =	vadd.f32 v16, v15;
	v15 =	vld [tilespmem:s11+$0x0];
	v16 =	vmul.f32 v19, v4;
	v17 =	vadd.f32 v18, v17  }
0x141: {  	s13 =	sor.u32 s9, s24;
	v19 =	vmul.f32 v20, v5;
	v18 =	vld [tilespmem:s12+$0x0];
	v20 =	vmul.f32 v21, v6  }
0x142: {  	s14 =	sor.u32 s9, s4;
	v21 =	vmul.f32 v22, v7;
	v22 =	vld [tilespmem:s13+$0x0];
	v11 =	vadd.f32 v13, v11;
	v13 =	vadd.f32 v17, v14  }
0x143: {  	s3 =	sor.u32 s9, s21;
	v14 =	vmul.f32 v23, v3;
	v17 =	vmul.f32 v60, v8;
	v23 =	vld [tilespmem:s14+$0x0];
	v16 =	vadd.f32 v19, v16  }
0x144: {  	s26 =	simm.s32 $0x0;
	s15 =	sor.u32 s9, s23;
	v19 =	vmul.f32 v61, v9;
	v20 =	vadd.f32 v21, v20;
	v21 =	vld [tilespmem:s3+$0x0];
	v12 =	vmul.f32 v12, v10  }
0x145: {  	s16 =	sor.u32 $0x20, s18;
	s17 =	sor.u32 s9, s22;
	s25 =	sor.u32 s9, s20;
	v62 =	vld [tilespmem:s15+$0x0];
	v63 =	vadd.f32 v13, v11  }
0x146: {  	s1 =	sand.u32 $0x3FFFFE00, s26;
	s6 =	sor.u32 s16, s10;
	s5 =	sor.u32 s16, s5;
	v11 =	vld [tilespmem:s17+$0x0];
	v14 =	vadd.f32 v17, v14;
	v17 =	vadd.f32 v12, v19  }
0x147: {  	s7 =	sor.u32 s16, s24;
	s10 =	sor.u32 s16, s4;
	s28 =	sor.u32 s16, s23;
	v13 =	vld [tilespmem:s6+$0x0];
	v18 =	vmul.f32 v18, v5;
	v19 =	vadd.f32 v20, v16;
	v16 =	vmul.f32 v15, v4  }
0x148: {  	s29 =	sor.u32 s16, s21;
	s1 =	sadd.s32 $0x12800, s1;
	s26 =	sor.u32 s16, s20;
	v22 =	vmul.f32 v22, v6;
	v12 =	vld [tilespmem:s25+$0x0];
	v23 =	vmul.f32 v23, v7;
	v17 =	vadd.f32 v17, v14  }
0x149: {  	s20 =	sor.u32 s18, s1;
	s31 =	sor.u32 s19, s1;
	s21 =	sor.u32 s9, s1;
	v15 =	vld [tilespmem:s5+$0x0];
	v20 =	vmul.f32 v21, v8;
	v14 =	vadd.f32 v18, v16  }
0x14a: {  	s1 =	sor.u32 s16, s1;
	s18 =	simm.s32 $0x0;
	[tilespmem:s31+$0x100] =	vst v63;
	s25 =	sor.u32 s16, s22;
	v18 =	vmul.f32 v62, v3;
	v16 =	vld [tilespmem:s7+$0x0];
	v17 =	vadd.f32 v17, v19;
	v19 =	vadd.f32 v23, v22  }
.LBB2_7:
0x14b: {  	s18 =	sadd.s32 $0x4, s18  }
0x14c: {  	v21 =	vld [tilespmem:s10+$0x0];
	s30 =	sadd.s32 $0x40, s30;
	s0 =	sshll.u32 s18, $0x7  }
0x14d: {  	[tilespmem:s20+$0x100] =	vst v17;
	v17 =	vadd.f32 v20, v18;
	v18 =	vld [tilespmem:s28+$0x0];
	s20 =	sand.u32 $0x40, s30;
	s12 =	sand.u32 $0x3FFFFC00, s0  }
0x14e: {  	v14 =	vadd.f32 v19, v14;
	v19 =	vld [tilespmem:s29+$0x0];
	s24 =	sor.u32 $0x30, s20;
	s0 =	sadd.s32 $0x6800, s12;
	v11 =	vmul.f32 v11, v9;
	v12 =	vmul.f32 v12, v10  }
0x14f: {  	v20 =	vld [tilespmem:s26+$0x0];
	s2 =	sor.u32 s24, s0  }
0x150: {  	s10 =	sadd.s32 $0x6900, s12;
	v22 =	vld [tilespmem:s2+$0x0];
	v11 =	vadd.f32 v12, v11  }
0x151: {  	s4 =	sadd.s32 $0x6880, s12;
	v13 =	vmul.f32 v13, v4;
	s8 =	sor.u32 s20, s10;
	v12 =	vmul.f32 v15, v5;
	v15 =	vld [tilespmem:s25+$0x0]  }
0x152: {  	s14 =	sor.u32 s24, s4;
	v23 =	vld [tilespmem:s8+$0x0];
	v11 =	vadd.f32 v11, v17  }
0x153: {  	s7 =	sadd.s32 $0x6980, s12;
	v16 =	vmul.f32 v16, v6;
	s15 =	sor.u32 s24, s10;
	v17 =	vmul.f32 v21, v7;
	v12 =	vadd.f32 v12, v13;
	v13 =	vld [tilespmem:s14+$0x0]  }
0x154: {  	s9 =	sadd.s32 $0x6A00, s12;
	s16 =	sor.u32 s24, s7;
	v21 =	vld [tilespmem:s15+$0x0];
	v11 =	vadd.f32 v11, v14  }
0x155: {  	s17 =	sor.u32 s24, s9;
	v18 =	vmul.f32 v18, v3;
	s14 =	sadd.s32 $0x6A80, s12;
	v14 =	vmul.f32 v19, v8;
	v16 =	vadd.f32 v17, v16;
	v17 =	vld [tilespmem:s16+$0x0]  }
0x156: {  	s19 =	sor.u32 s24, s14;
	s16 =	sadd.s32 $0x6B00, s12;
	v19 =	vld [tilespmem:s17+$0x0];
	v15 =	vmul.f32 v15, v9;
	[tilespmem:s21+$0x100] =	vst v11;
	v11 =	vmul.f32 v20, v10  }
0x157: {  	[dreg:$0x5] =	wrdreg s1;
	s1 =	sadd.s32 $0x6B80, s12;
	v12 =	vadd.f32 v16, v12;
	v16 =	vld [tilespmem:s19+$0x0];
	s21 =	sor.u32 s24, s16  }
0x158: {  	s25 =	sor.u32 s24, s1;
	v14 =	vadd.f32 v14, v18;
	v18 =	vld [tilespmem:s21+$0x0];
	v11 =	vadd.f32 v11, v15  }
0x159: {  	s3 =	sor.u32 s20, s0;
	v15 =	vld [tilespmem:s25+$0x0]  }
0x15a: {  	s5 =	sor.u32 s20, s4;
	v20 =	vld [tilespmem:s3+$0x0];
	v11 =	vadd.f32 v11, v14  }
0x15b: {  	s13 =	sor.u32 s20, s7;
	v22 =	vmul.f32 v22, v4;
	v13 =	vmul.f32 v13, v5;
	v14 =	vld [tilespmem:s5+$0x0]  }
0x15c: {  	s22 =	sor.u32 $0x10, s20;
	s15 =	sor.u32 s20, s9;
	v21 =	vmul.f32 v21, v6;
	v17 =	vmul.f32 v17, v7;
	v11 =	vadd.f32 v11, v12;
	v12 =	vld [tilespmem:s13+$0x0]  }
0x15d: {  	s23 =	sor.u32 $0x20, s20;
	s11 =	sor.u32 s20, s14;
	v24 =	vld [tilespmem:s15+$0x0];
	s19 =	sor.u32 s20, s16;
	v19 =	vmul.f32 v19, v3;
	v16 =	vmul.f32 v16, v8  }
0x15e: {  	s25 =	sor.u32 s23, s16;
	s5 =	sor.u32 s22, s16;
	s16 =	rddreg [dreg:$0x5];
	v17 =	vadd.f32 v17, v21;
	v21 =	vld [tilespmem:s19+$0x0];
	v18 =	vmul.f32 v18, v9;
	v15 =	vmul.f32 v15, v10  }
0x15f: {  	s12 =	sor.u32 s20, s1;
	v13 =	vadd.f32 v13, v22;
	[tilespmem:s16+$0x100] =	vst v11;
	v11 =	vmul.f32 v20, v4;
	v20 =	vld [tilespmem:s11+$0x0]  }
0x160: {  	s17 =	sor.u32 s22, s0;
	v16 =	vadd.f32 v16, v19;
	v19 =	vld [tilespmem:s12+$0x0];
	v14 =	vmul.f32 v14, v5;
	v15 =	vadd.f32 v15, v18  }
0x161: {  	s31 =	sor.u32 s22, s4;
	s26 =	sor.u32 s22, s1;
	v22 =	vld [tilespmem:s17+$0x0];
	v13 =	vadd.f32 v17, v13;
	v18 =	vmul.f32 v23, v6;
	v12 =	vmul.f32 v12, v7  }
0x162: {  	s6 =	sor.u32 s22, s10;
	[dreg:$0xe] =	wrdreg s26;
	s19 =	sshll.u32 s18, $0x6;
	v15 =	vadd.f32 v15, v16;
	v11 =	vadd.f32 v14, v11;
	v14 =	vld [tilespmem:s31+$0x0]  }
0x163: {  	s26 =	sor.u32 s23, s1;
	s21 =	sor.u32 s22, s7;
	s1 =	sand.u32 $0x3FFFFE00, s19;
	v12 =	vadd.f32 v12, v18;
	v18 =	vld [tilespmem:s6+$0x0]  }
0x164: {  	s2 =	sor.u32 s22, s9;
	s1 =	sadd.s32 $0x12800, s1;
	v16 =	vmul.f32 v24, v3;
	v17 =	vmul.f32 v20, v8;
	v13 =	vadd.f32 v15, v13;
	v20 =	vld [tilespmem:s21+$0x0]  }
0x165: {  	s3 =	sor.u32 s22, s14;
	v19 =	vmul.f32 v19, v10;
	v15 =	vmul.f32 v21, v9;
	s21 =	sor.u32 s22, s1;
	s22 =	sor.u32 s24, s1;
	v21 =	vld [tilespmem:s2+$0x0]  }
0x166: {  	p0 =	slt.u32 s18, $0x3C;
	v16 =	vadd.f32 v17, v16;
	[tilespmem:s22+$0x100] =	vst v13;
	v13 =	vmul.f32 v22, v4;
	v22 =	vld [tilespmem:s3+$0x0]  }
.Ltmp2:
0x167: {  	s0 =	sor.u32 s23, s0;
	s24 =	rddreg [dreg:$0xe];
	v17 =	vadd.f32 v12, v11;
	v15 =	vadd.f32 v19, v15;
	v11 =	vld [tilespmem:s5+$0x0];
	(pc) =	sbr.rel @p0 .LBB2_7-.Ltmp2, $4  }
0x168: {  	s4 =	sor.u32 s23, s4;
	[dreg:$0x9] =	wrdreg s0;
	v12 =	vld [tilespmem:s24+$0x0];
	v14 =	vmul.f32 v14, v5  }
0x169: {  	s31 =	rddreg [dreg:$0x9];
	v16 =	vadd.f32 v15, v16;
	v15 =	vld [tilespmem:s4+$0x0];
	v19 =	vmul.f32 v18, v6;
	v23 =	vmul.f32 v20, v7  }
0x16a: {  	s28 =	sor.u32 s23, s9;
	s8 =	sor.u32 s23, s10;
	s10 =	sor.u32 s23, s7;
	v14 =	vadd.f32 v14, v13;
	v13 =	vld [tilespmem:s31+$0x0];
	v18 =	vmul.f32 v21, v3  }
0x16b: {  	s29 =	sor.u32 s23, s14;
	s20 =	sor.u32 s20, s1;
	s1 =	sor.u32 s23, s1;
	v17 =	vadd.f32 v16, v17;
	v16 =	vld [tilespmem:s8+$0x0];
	v20 =	vmul.f32 v22, v8;
	v19 =	vadd.f32 v23, v19  }
0x16c: {  	v21 =	vld [tilespmem:s10+$0x0]  }
0x16d: {  	v22 =	vld [tilespmem:s28+$0x0]  }
0x16e: {  	v23 =	vld [tilespmem:s29+$0x0]  }
0x16f: {  	v24 =	vld [tilespmem:s25+$0x0]  }
0x170: {  	v25 =	vld [tilespmem:s26+$0x0]  }
0x171: {  	v11 =	vmul.f32 v11, v9;
	v12 =	vmul.f32 v12, v10  }
0x172: {  	v5 =	vmul.f32 v15, v5;
	v4 =	vmul.f32 v13, v4  }
0x173: {  	v6 =	vmul.f32 v16, v6;
	v7 =	vmul.f32 v21, v7  }
0x174: {  	v13 =	vadd.f32 v20, v18;
	v3 =	vmul.f32 v22, v3;
	v8 =	vmul.f32 v23, v8  }
0x175: {  	v11 =	vadd.f32 v12, v11;
	v9 =	vmul.f32 v24, v9;
	v10 =	vmul.f32 v25, v10  }
0x176: {  	v4 =	vadd.f32 v5, v4;
	v5 =	vadd.f32 v7, v6  }
0x177: {  	v3 =	vadd.f32 v8, v3;
	v6 =	vadd.f32 v10, v9  }
0x178: {  	v7 =	vadd.f32 v19, v14;
	v8 =	vadd.f32 v11, v13  }
0x179: {  	v4 =	vadd.f32 v5, v4;
	v3 =	vadd.f32 v6, v3  }
0x17a: {  	v5 =	vadd.f32 v8, v7  }
0x17b: {  	[tilespmem:s20+$0x100] =	vst v17;
	v3 =	vadd.f32 v3, v4  }
0x17c: {  	[tilespmem:s21+$0x100] =	vst v5  }
0x17d: {  	[tilespmem:s1+$0x100] =	vst v3  }
0x17e: {  	v5 =	vld [tilespmem:$0x1400]  }
0x17f: {  	v6 =	vld [tilespmem:$0x1480]  }
0x180: {  	v7 =	vld [tilespmem:$0x1500]  }
0x181: {  	v8 =	vld [tilespmem:$0x1580]  }
0x182: {  	s30 =	simm.s32 $0x0;
	s0 =	simm.s32 $0x0;
	v3 =	vld [tilespmem:$0x1600]  }
0x183: {  	s18 =	sand.u32 $0x40, s30;
	s0 =	sand.u32 $0x3FFFFC00, s0;
	v4 =	vld [tilespmem:$0x1680]  }
0x184: {  	s10 =	sadd.s32 $0x8800, s0;
	s19 =	sor.u32 $0x30, s18;
	v9 =	vld [tilespmem:$0x1700]  }
0x185: {  	s5 =	sadd.s32 $0x8880, s0;
	s11 =	sor.u32 s19, s10;
	v10 =	vld [tilespmem:$0x1780]  }
0x186: {  	s24 =	sadd.s32 $0x8900, s0;
	s12 =	sor.u32 s19, s5;
	v11 =	vld [tilespmem:s11+$0x0]  }
0x187: {  	s4 =	sadd.s32 $0x8980, s0;
	s13 =	sor.u32 s19, s24;
	v12 =	vld [tilespmem:s12+$0x0]  }
0x188: {  	s23 =	sadd.s32 $0x8A00, s0;
	s14 =	sor.u32 s19, s4;
	v13 =	vld [tilespmem:s13+$0x0]  }
0x189: {  	s15 =	sor.u32 s19, s23;
	s21 =	sadd.s32 $0x8A80, s0;
	v14 =	vld [tilespmem:s14+$0x0]  }
0x18a: {  	s22 =	sadd.s32 $0x8B00, s0;
	s16 =	sor.u32 s19, s21;
	v15 =	vld [tilespmem:s15+$0x0]  }
0x18b: {  	s20 =	sadd.s32 $0x8B80, s0;
	s17 =	sor.u32 s19, s22;
	v16 =	vld [tilespmem:s16+$0x0]  }
0x18c: {  	s25 =	sor.u32 s19, s20;
	v17 =	vld [tilespmem:s17+$0x0]  }
0x18d: {  	s26 =	sor.u32 s18, s10;
	v18 =	vld [tilespmem:s25+$0x0]  }
0x18e: {  	s31 =	sor.u32 s18, s5;
	v19 =	vld [tilespmem:s26+$0x0]  }
0x18f: {  	s2 =	sor.u32 s18, s24;
	v20 =	vld [tilespmem:s31+$0x0]  }
0x190: {  	s3 =	sor.u32 s18, s4;
	v21 =	vld [tilespmem:s2+$0x0]  }
0x191: {  	s6 =	sor.u32 s18, s23;
	v22 =	vld [tilespmem:s3+$0x0]  }
0x192: {  	s7 =	sor.u32 s18, s21;
	v23 =	vld [tilespmem:s6+$0x0];
	v11 =	vmul.f32 v11, v5;
	v12 =	vmul.f32 v12, v6  }
0x193: {  	s8 =	sor.u32 s18, s22;
	v60 =	vld [tilespmem:s7+$0x0];
	v13 =	vmul.f32 v13, v7;
	v14 =	vmul.f32 v14, v8  }
0x194: {  	s9 =	sor.u32 $0x10, s18;
	s2 =	sor.u32 s18, s20;
	v61 =	vld [tilespmem:s8+$0x0];
	v15 =	vmul.f32 v15, v3;
	v16 =	vmul.f32 v16, v4  }
0x195: {  	s11 =	sor.u32 s9, s10;
	v17 =	vmul.f32 v17, v9;
	v18 =	vmul.f32 v18, v10;
	v11 =	vadd.f32 v12, v11;
	v12 =	vld [tilespmem:s2+$0x0]  }
0x196: {  	s12 =	sor.u32 s9, s5;
	v13 =	vadd.f32 v14, v13;
	v14 =	vadd.f32 v16, v15;
	v15 =	vld [tilespmem:s11+$0x0]  }
0x197: {  	s13 =	sor.u32 s9, s24;
	v16 =	vmul.f32 v19, v5;
	v19 =	vmul.f32 v20, v6;
	v17 =	vadd.f32 v18, v17;
	v18 =	vld [tilespmem:s12+$0x0]  }
0x198: {  	s14 =	sor.u32 s9, s4;
	v20 =	vmul.f32 v21, v7;
	v21 =	vmul.f32 v22, v8;
	v11 =	vadd.f32 v13, v11;
	v13 =	vld [tilespmem:s13+$0x0]  }
0x199: {  	s15 =	sor.u32 s9, s23;
	v22 =	vmul.f32 v60, v4;
	v14 =	vadd.f32 v17, v14;
	v17 =	vmul.f32 v23, v3;
	v23 =	vld [tilespmem:s14+$0x0]  }
0x19a: {  	s16 =	sor.u32 $0x20, s18;
	s3 =	sor.u32 s9, s21;
	v62 =	vld [tilespmem:s15+$0x0];
	v16 =	vadd.f32 v19, v16;
	v19 =	vmul.f32 v61, v9;
	v12 =	vmul.f32 v12, v10  }
0x19b: {  	s17 =	sor.u32 s9, s22;
	s25 =	sor.u32 s9, s20;
	s26 =	simm.s32 $0x0;
	v20 =	vadd.f32 v21, v20;
	v21 =	vld [tilespmem:s3+$0x0];
	v63 =	vadd.f32 v14, v11  }
0x19c: {  	s6 =	sor.u32 s16, s10;
	s5 =	sor.u32 s16, s5;
	s7 =	sor.u32 s16, s24;
	v11 =	vld [tilespmem:s17+$0x0];
	v17 =	vadd.f32 v22, v17;
	v19 =	vadd.f32 v12, v19  }
0x19d: {  	s10 =	sor.u32 s16, s4;
	s28 =	sor.u32 s16, s23;
	s1 =	sand.u32 $0x3FFFFE00, s26;
	v20 =	vadd.f32 v20, v16;
	v14 =	vld [tilespmem:s6+$0x0];
	v16 =	vmul.f32 v15, v5;
	v18 =	vmul.f32 v18, v6  }
0x19e: {  	s29 =	sor.u32 s16, s21;
	s26 =	sor.u32 s16, s20;
	s1 =	sadd.s32 $0x12800, s1;
	v15 =	vld [tilespmem:s5+$0x0];
	v22 =	vmul.f32 v13, v7;
	v17 =	vadd.f32 v19, v17;
	v19 =	vmul.f32 v23, v8  }
0x19f: {  	s20 =	sor.u32 s18, s1;
	s31 =	sor.u32 s19, s1;
	s21 =	sor.u32 s9, s1;
	v12 =	vld [tilespmem:s25+$0x0];
	v13 =	vadd.f32 v18, v16;
	v18 =	vmul.f32 v62, v3  }
0x1a0: {  	s1 =	sor.u32 s16, s1;
	s18 =	simm.s32 $0x0;
	[tilespmem:s31+$0x180] =	vst v63;
	s25 =	sor.u32 s16, s22;
	v16 =	vld [tilespmem:s7+$0x0];
	v17 =	vadd.f32 v17, v20;
	v20 =	vmul.f32 v21, v4;
	v19 =	vadd.f32 v19, v22  }
.LBB2_9:
0x1a1: {  	s18 =	sadd.s32 $0x4, s18  }
0x1a2: {  	v21 =	vld [tilespmem:s10+$0x0];
	s30 =	sadd.s32 $0x40, s30;
	s0 =	sshll.u32 s18, $0x7  }
0x1a3: {  	[tilespmem:s20+$0x180] =	vst v17;
	v17 =	vadd.f32 v20, v18;
	v18 =	vld [tilespmem:s28+$0x0];
	s20 =	sand.u32 $0x40, s30;
	s12 =	sand.u32 $0x3FFFFC00, s0  }
0x1a4: {  	v13 =	vadd.f32 v19, v13;
	v19 =	vld [tilespmem:s29+$0x0];
	s24 =	sor.u32 $0x30, s20;
	s0 =	sadd.s32 $0x8800, s12;
	v11 =	vmul.f32 v11, v9;
	v12 =	vmul.f32 v12, v10  }
0x1a5: {  	v20 =	vld [tilespmem:s26+$0x0];
	s2 =	sor.u32 s24, s0  }
0x1a6: {  	s10 =	sadd.s32 $0x8900, s12;
	v22 =	vld [tilespmem:s2+$0x0];
	v11 =	vadd.f32 v12, v11  }
0x1a7: {  	s4 =	sadd.s32 $0x8880, s12;
	v14 =	vmul.f32 v14, v5;
	s8 =	sor.u32 s20, s10;
	v12 =	vmul.f32 v15, v6;
	v15 =	vld [tilespmem:s25+$0x0]  }
0x1a8: {  	s14 =	sor.u32 s24, s4;
	v23 =	vld [tilespmem:s8+$0x0];
	v11 =	vadd.f32 v11, v17  }
0x1a9: {  	s7 =	sadd.s32 $0x8980, s12;
	v16 =	vmul.f32 v16, v7;
	s15 =	sor.u32 s24, s10;
	v17 =	vmul.f32 v21, v8;
	v12 =	vadd.f32 v12, v14;
	v14 =	vld [tilespmem:s14+$0x0]  }
0x1aa: {  	s9 =	sadd.s32 $0x8A00, s12;
	s16 =	sor.u32 s24, s7;
	v21 =	vld [tilespmem:s15+$0x0];
	v11 =	vadd.f32 v11, v13  }
0x1ab: {  	s17 =	sor.u32 s24, s9;
	v18 =	vmul.f32 v18, v3;
	s14 =	sadd.s32 $0x8A80, s12;
	v13 =	vmul.f32 v19, v4;
	v16 =	vadd.f32 v17, v16;
	v17 =	vld [tilespmem:s16+$0x0]  }
0x1ac: {  	s19 =	sor.u32 s24, s14;
	s16 =	sadd.s32 $0x8B00, s12;
	v19 =	vld [tilespmem:s17+$0x0];
	v15 =	vmul.f32 v15, v9;
	[tilespmem:s21+$0x180] =	vst v11;
	v11 =	vmul.f32 v20, v10  }
0x1ad: {  	[dreg:$0x6] =	wrdreg s1;
	s1 =	sadd.s32 $0x8B80, s12;
	v12 =	vadd.f32 v16, v12;
	v16 =	vld [tilespmem:s19+$0x0];
	s21 =	sor.u32 s24, s16  }
0x1ae: {  	s25 =	sor.u32 s24, s1;
	v13 =	vadd.f32 v13, v18;
	v18 =	vld [tilespmem:s21+$0x0];
	v11 =	vadd.f32 v11, v15  }
0x1af: {  	s3 =	sor.u32 s20, s0;
	v15 =	vld [tilespmem:s25+$0x0]  }
0x1b0: {  	s5 =	sor.u32 s20, s4;
	v20 =	vld [tilespmem:s3+$0x0];
	v11 =	vadd.f32 v11, v13  }
0x1b1: {  	s13 =	sor.u32 s20, s7;
	v22 =	vmul.f32 v22, v5;
	v14 =	vmul.f32 v14, v6;
	v13 =	vld [tilespmem:s5+$0x0]  }
0x1b2: {  	s22 =	sor.u32 $0x10, s20;
	s15 =	sor.u32 s20, s9;
	v21 =	vmul.f32 v21, v7;
	v17 =	vmul.f32 v17, v8;
	v11 =	vadd.f32 v11, v12;
	v12 =	vld [tilespmem:s13+$0x0]  }
0x1b3: {  	s23 =	sor.u32 $0x20, s20;
	s11 =	sor.u32 s20, s14;
	v24 =	vld [tilespmem:s15+$0x0];
	s19 =	sor.u32 s20, s16;
	v19 =	vmul.f32 v19, v3;
	v16 =	vmul.f32 v16, v4  }
0x1b4: {  	s3 =	sor.u32 s22, s16;
	s25 =	sor.u32 s23, s16;
	s16 =	rddreg [dreg:$0x6];
	v17 =	vadd.f32 v17, v21;
	v21 =	vld [tilespmem:s19+$0x0];
	v18 =	vmul.f32 v18, v9;
	v15 =	vmul.f32 v15, v10  }
0x1b5: {  	s12 =	sor.u32 s20, s1;
	v14 =	vadd.f32 v14, v22;
	[tilespmem:s16+$0x180] =	vst v11;
	v11 =	vmul.f32 v20, v5;
	v20 =	vld [tilespmem:s11+$0x0]  }
0x1b6: {  	s17 =	sor.u32 s22, s0;
	v16 =	vadd.f32 v16, v19;
	v19 =	vld [tilespmem:s12+$0x0];
	v13 =	vmul.f32 v13, v6;
	v15 =	vadd.f32 v15, v18  }
0x1b7: {  	s31 =	sor.u32 s22, s4;
	s6 =	sor.u32 s22, s10;
	s26 =	sor.u32 s22, s14;
	v22 =	vld [tilespmem:s17+$0x0];
	v14 =	vadd.f32 v17, v14;
	v18 =	vmul.f32 v23, v7;
	v12 =	vmul.f32 v12, v8  }
0x1b8: {  	[dreg:$0xf] =	wrdreg s26;
	s26 =	sor.u32 s23, s1;
	s19 =	sshll.u32 s18, $0x6;
	v15 =	vadd.f32 v15, v16;
	v11 =	vadd.f32 v13, v11;
	v13 =	vld [tilespmem:s31+$0x0]  }
0x1b9: {  	s21 =	sor.u32 s22, s7;
	s5 =	sor.u32 s22, s1;
	s1 =	sand.u32 $0x3FFFFE00, s19;
	v12 =	vadd.f32 v12, v18;
	v18 =	vld [tilespmem:s6+$0x0]  }
0x1ba: {  	s2 =	sor.u32 s22, s9;
	s1 =	sadd.s32 $0x12800, s1;
	v16 =	vmul.f32 v24, v3;
	v17 =	vmul.f32 v20, v4;
	v14 =	vadd.f32 v15, v14;
	v20 =	vld [tilespmem:s21+$0x0]  }
0x1bb: {  	v19 =	vmul.f32 v19, v10;
	v15 =	vmul.f32 v21, v9;
	s21 =	sor.u32 s22, s1;
	s22 =	sor.u32 s24, s1;
	v21 =	vld [tilespmem:s2+$0x0];
	s24 =	rddreg [dreg:$0xf]  }
0x1bc: {  	p0 =	slt.u32 s18, $0x3C;
	v16 =	vadd.f32 v17, v16;
	[tilespmem:s22+$0x180] =	vst v14;
	v14 =	vmul.f32 v22, v5;
	v22 =	vld [tilespmem:s24+$0x0]  }
.Ltmp3:
0x1bd: {  	s0 =	sor.u32 s23, s0;
	v17 =	vadd.f32 v12, v11;
	v15 =	vadd.f32 v19, v15;
	v11 =	vld [tilespmem:s3+$0x0];
	(pc) =	sbr.rel @p0 .LBB2_9-.Ltmp3, $4  }
0x1be: {  	s4 =	sor.u32 s23, s4;
	[dreg:$0xa] =	wrdreg s0;
	v12 =	vld [tilespmem:s5+$0x0];
	v13 =	vmul.f32 v13, v6  }
0x1bf: {  	s31 =	rddreg [dreg:$0xa];
	v16 =	vadd.f32 v15, v16;
	v15 =	vld [tilespmem:s4+$0x0];
	v19 =	vmul.f32 v18, v7;
	v23 =	vmul.f32 v20, v8  }
0x1c0: {  	s28 =	sor.u32 s23, s9;
	s8 =	sor.u32 s23, s10;
	s10 =	sor.u32 s23, s7;
	v13 =	vadd.f32 v13, v14;
	v14 =	vld [tilespmem:s31+$0x0];
	v18 =	vmul.f32 v21, v3  }
0x1c1: {  	s29 =	sor.u32 s23, s14;
	s20 =	sor.u32 s20, s1;
	s1 =	sor.u32 s23, s1;
	v17 =	vadd.f32 v16, v17;
	v16 =	vld [tilespmem:s8+$0x0];
	v20 =	vmul.f32 v22, v4;
	v19 =	vadd.f32 v23, v19  }
0x1c2: {  	v21 =	vld [tilespmem:s10+$0x0]  }
0x1c3: {  	v22 =	vld [tilespmem:s28+$0x0]  }
0x1c4: {  	v23 =	vld [tilespmem:s29+$0x0]  }
0x1c5: {  	v24 =	vld [tilespmem:s25+$0x0]  }
0x1c6: {  	v25 =	vld [tilespmem:s26+$0x0]  }
0x1c7: {  	v11 =	vmul.f32 v11, v9;
	v12 =	vmul.f32 v12, v10  }
0x1c8: {  	v6 =	vmul.f32 v15, v6;
	v5 =	vmul.f32 v14, v5  }
0x1c9: {  	v7 =	vmul.f32 v16, v7;
	v8 =	vmul.f32 v21, v8  }
0x1ca: {  	v56 =	vadd.f32 v20, v18;
	v3 =	vmul.f32 v22, v3;
	v4 =	vmul.f32 v23, v4  }
0x1cb: {  	v11 =	vadd.f32 v12, v11;
	v57 =	vmul.f32 v24, v9;
	v58 =	vmul.f32 v25, v10  }
0x1cc: {  	v5 =	vadd.f32 v6, v5;
	v59 =	vadd.f32 v8, v7  }
0x1cd: {  	v3 =	vadd.f32 v4, v3;
	v60 =	vadd.f32 v58, v57  }
0x1ce: {  	v61 =	vadd.f32 v19, v13;
	v62 =	vadd.f32 v11, v56  }
0x1cf: {  	v5 =	vadd.f32 v59, v5;
	v3 =	vadd.f32 v60, v3  }
0x1d0: {  	v63 =	vadd.f32 v62, v61  }
0x1d1: {  	[tilespmem:s20+$0x180] =	vst v17;
	v3 =	vadd.f32 v3, v5  }
0x1d2: {  	[tilespmem:s21+$0x180] =	vst v63  }
0x1d3: {  	[tilespmem:s1+$0x180] =	vst v3  }
0x1d4: {  	s0 =	rddreg [dreg:$0x17]  }
0x1d5: {  	s30 =	simm.s32 $0x200;
	s2 =	simm.s32 $0x400;
	s4 =	rddreg [dreg:$0x1d]  }
0x1d6: {  	s3 =	simm.s32 $0x12800;
	s7 =	simm.s32 $0x3;
	s0 =	sadd.s32 s4, s0  }
0x1d7: {  	[hbm4b:s0+s30] =	stream.strided.scatter [tilespmem:s3], [sflag:$0x3], $0x1000, s2, s30, $0x38;
	[tilespmem:$0x13800] =	vst v63  }
0x1d8: {  	_ =	swait.ge [sflag:s7], $0x1000  }
0x1d9: {  	s31 =	rddreg [dreg:$0x1b]  }
0x1da: {  	p0 =	seq.s32 s31, $0x7  }
.Ltmp4:
0x1db: {  	_ = 	snop;
	(pc) =	sbr.rel @p0 .LBB2_12-.Ltmp4, $3  }
0x1dc: {  	_ =	sdelay $0x1  }
0x1dd: {  	[sflag:s7] =	ssyncset.done $0x0  }
0x1de: {  	[sflag:s7] =	ssyncadd.s32 $0xFFFFF000  }
0x1df: {  	s0 =	sadd.s32 $0x400, s4  }
0x1e0: {  	s1 =	sshra.s32 s0, $0x2  }
0x1e1: {  	v3 =	vld [tilespmem:s1+$0x0];
	_ =	sdelay $0x4  }
0x1e2: {  	v4 =	vshll.u32 v3, $0x3  }
0x1e3: {  	v3 =	vand.u32 $0x7, v3;
	v4 =	vand.u32 $0xFFFFFFC0, v4  }
0x1e4: {  	v3 =	vor.u32 v3, v4  }
0x1e5: {  	v4 =	vperm.xlane v3, v0;
	_ =	sdelay $0x1  }
0x1e6: {  	v4 =	vadd.s32 v1, v4;
	_ =	sdelay $0x3  }
0x1e7: {  	s2 =	rddreg [dreg:$0x0];
	s3 =	simm.s32 $0x0;
	s13 =	simm.s32 $0x2800  }
0x1e8: {  	[tilespmem:s13], [sflag:$0x1] =	stream.indirect_vreg.gather [hbm4b:s2+s3], $0x80, v4, vm0, $0xb8;
	[tilespmem:$0x13800] =	vst v63  }
0x1e9: {  	s14 =	rddreg [dreg:$0x13];
	s5 =	simm.s32 $0x3000;
	v3 =	vperm.xlane v3, v2  }
0x1ea: {  	[tilespmem:s5], [sflag:$0x1] =	stream.indirect_vreg.gather [hbm4b:s14+s3], $0x80, v4, vm0, $0xb8;
	[tilespmem:$0x13800] =	vst v63  }
0x1eb: {  	s15 =	rddreg [dreg:$0x14];
	s6 =	simm.s32 $0x3800;
	v3 =	vadd.s32 v1, v3  }
0x1ec: {  	[tilespmem:s6], [sflag:$0x1] =	stream.indirect_vreg.gather [hbm4b:s15+s3], $0x80, v4, vm0, $0xb8;
	[tilespmem:$0x13800] =	vst v63  }
0x1ed: {  	s16 =	rddreg [dreg:$0x15];
	s8 =	simm.s32 $0x4000  }
0x1ee: {  	[tilespmem:s8], [sflag:$0x1] =	stream.indirect_vreg.gather [hbm4b:s16+s3], $0x80, v4, vm0, $0xb8;
	[tilespmem:$0x13800] =	vst v63  }
0x1ef: {  	s17 =	simm.s32 $0x4800  }
0x1f0: {  	[tilespmem:s17], [sflag:$0x1] =	stream.indirect_vreg.gather [hbm4b:s2+s3], $0x80, v3, vm0, $0xb8;
	[tilespmem:$0x13800] =	vst v63  }
0x1f1: {  	s18 =	simm.s32 $0x5000  }
0x1f2: {  	[tilespmem:s18], [sflag:$0x1] =	stream.indirect_vreg.gather [hbm4b:s14+s3], $0x80, v3, vm0, $0xb8;
	[tilespmem:$0x13800] =	vst v63  }
0x1f3: {  	s19 =	simm.s32 $0x5800  }
0x1f4: {  	[tilespmem:s19], [sflag:$0x1] =	stream.indirect_vreg.gather [hbm4b:s15+s3], $0x80, v3, vm0, $0xb8;
	[tilespmem:$0x13800] =	vst v63  }
0x1f5: {  	s20 =	simm.s32 $0x6000  }
0x1f6: {  	[tilespmem:s20], [sflag:$0x1] =	stream.indirect_vreg.gather [hbm4b:s16+s3], $0x80, v3, vm0, $0xb8;
	[tilespmem:$0x13800] =	vst v63  }
0x1f7: {  	v3 =	vld [tilespmem:s1+$0x10];
	_ =	sdelay $0x4  }
0x1f8: {  	v63 =	vshll.u32 v3, $0x3  }
0x1f9: {  	v3 =	vand.u32 $0x7, v3;
	v4 =	vand.u32 $0xFFFFFFC0, v63  }
0x1fa: {  	v3 =	vor.u32 v3, v4  }
0x1fb: {  	v4 =	vperm.xlane v3, v0;
	_ =	sdelay $0x1  }
0x1fc: {  	v4 =	vadd.s32 v1, v4;
	_ =	sdelay $0x3  }
0x1fd: {  	s21 =	simm.s32 $0x6800  }
0x1fe: {  	[tilespmem:s21], [sflag:$0x1] =	stream.indirect_vreg.gather [hbm4b:s2+s3], $0x80, v4, vm0, $0xb8;
	[tilespmem:$0x13800] =	vst v63  }
0x1ff: {  	s22 =	simm.s32 $0x7000;
	v3 =	vperm.xlane v3, v2  }
0x200: {  	[tilespmem:s22], [sflag:$0x1] =	stream.indirect_vreg.gather [hbm4b:s14+s3], $0x80, v4, vm0, $0xb8;
	[tilespmem:$0x13800] =	vst v63  }
0x201: {  	s23 =	simm.s32 $0x7800;
	v3 =	vadd.s32 v1, v3  }
0x202: {  	[tilespmem:s23], [sflag:$0x1] =	stream.indirect_vreg.gather [hbm4b:s15+s3], $0x80, v4, vm0, $0xb8;
	[tilespmem:$0x13800] =	vst v63  }
0x203: {  	s24 =	simm.s32 $0x8000  }
0x204: {  	[tilespmem:s24], [sflag:$0x1] =	stream.indirect_vreg.gather [hbm4b:s16+s3], $0x80, v4, vm0, $0xb8;
	[tilespmem:$0x13800] =	vst v63  }
0x205: {  	s25 =	simm.s32 $0x8800  }
0x206: {  	[tilespmem:s25], [sflag:$0x1] =	stream.indirect_vreg.gather [hbm4b:s2+s3], $0x80, v3, vm0, $0xb8;
	[tilespmem:$0x13800] =	vst v63  }
0x207: {  	s26 =	simm.s32 $0x9000  }
0x208: {  	[tilespmem:s26], [sflag:$0x1] =	stream.indirect_vreg.gather [hbm4b:s14+s3], $0x80, v3, vm0, $0xb8;
	[tilespmem:$0x13800] =	vst v63  }
0x209: {  	s28 =	simm.s32 $0x9800  }
0x20a: {  	[tilespmem:s28], [sflag:$0x1] =	stream.indirect_vreg.gather [hbm4b:s15+s3], $0x80, v3, vm0, $0xb8;
	[tilespmem:$0x13800] =	vst v63  }
0x20b: {  	s29 =	simm.s32 $0xA000;
	s30 =	rddreg [dreg:$0x16]  }
0x20c: {  	[tilespmem:s29], [sflag:$0x1] =	stream.indirect_vreg.gather [hbm4b:s16+s3], $0x80, v3, vm0, $0xb8;
	[tilespmem:$0x13800] =	vst v63  }
0x20d: {  	s31 =	simm.s32 $0x800;
	s0 =	sadd.s32 s0, s30  }
0x20e: {  	[tilespmem:s31], [sflag:$0x3] =	stream.linear.gather [hbm4b:s0+s3], $0x1000, $0x38;
	[tilespmem:$0x13800] =	vst v63  }
0x20f: {  	_ =	swait.ge [sflag:s7], $0x1000  }
0x210: {  	[sflag:s7] =	ssyncset.done $0x0  }
0x211: {  	[sflag:s7] =	ssyncadd.s32 $0xFFFFF000  }
.LBB2_12:
0x212: {  	s0 =	simm.s32 $0x2  }
0x213: {  	_ =	swait.ge [sflag:s0], $0x8000  }
0x214: {  	[sflag:s0] =	ssyncset.done $0x0  }
0x215: {  	[sflag:s0] =	ssyncadd.s32 $0xFFFF8000  }
0x216: {  	v4 =	vld [tilespmem:$0x1800]  }
0x217: {  	v5 =	vld [tilespmem:$0x1880]  }
0x218: {  	v6 =	vld [tilespmem:$0x1900]  }
0x219: {  	v7 =	vld [tilespmem:$0x1980]  }
0x21a: {  	s16 =	simm.s32 $0x0;
	s26 =	simm.s32 $0x0;
	v3 =	vld [tilespmem:$0x1A00]  }
0x21b: {  	s4 =	sand.u32 $0x40, s16;
	s0 =	sand.u32 $0x3FFFFC00, s26;
	v8 =	vld [tilespmem:$0x1A80]  }
0x21c: {  	s28 =	sor.u32 $0x30, s4;
	v9 =	vld [tilespmem:$0x1B00];
	s1 =	sadd.s32 $0xA800, s0  }
0x21d: {  	v10 =	vld [tilespmem:$0x1B80];
	s2 =	sor.u32 s28, s1  }
0x21e: {  	v11 =	vld [tilespmem:s2+$0x0]  }
0x21f: {  	v12 =	vld [tilespmem:s2+$0x80]  }
0x220: {  	v13 =	vld [tilespmem:s2+$0x100]  }
0x221: {  	v14 =	vld [tilespmem:s2+$0x180]  }
0x222: {  	v15 =	vld [tilespmem:s2+$0x200]  }
0x223: {  	v16 =	vld [tilespmem:s2+$0x280]  }
0x224: {  	v17 =	vld [tilespmem:s2+$0x300]  }
0x225: {  	s3 =	sor.u32 s4, s1;
	v18 =	vld [tilespmem:s2+$0x380]  }
0x226: {  	v19 =	vld [tilespmem:s3+$0x0]  }
0x227: {  	v20 =	vld [tilespmem:s3+$0x80]  }
0x228: {  	v21 =	vld [tilespmem:s3+$0x100]  }
0x229: {  	v22 =	vld [tilespmem:s3+$0x180]  }
0x22a: {  	v23 =	vld [tilespmem:s3+$0x200];
	v11 =	vmul.f32 v11, v4;
	v12 =	vmul.f32 v12, v5  }
0x22b: {  	v24 =	vld [tilespmem:s3+$0x280];
	v13 =	vmul.f32 v13, v6;
	v14 =	vmul.f32 v14, v7  }
0x22c: {  	s29 =	sor.u32 $0x10, s4;
	v25 =	vld [tilespmem:s3+$0x300];
	v15 =	vmul.f32 v15, v3;
	v16 =	vmul.f32 v16, v8  }
0x22d: {  	s5 =	sor.u32 s29, s1;
	v17 =	vmul.f32 v17, v9;
	v18 =	vmul.f32 v18, v10;
	v11 =	vadd.f32 v12, v11;
	v12 =	vld [tilespmem:s3+$0x380]  }
0x22e: {  	v13 =	vadd.f32 v14, v13;
	v14 =	vadd.f32 v16, v15;
	v15 =	vld [tilespmem:s5+$0x0]  }
0x22f: {  	v16 =	vmul.f32 v19, v4;
	v19 =	vmul.f32 v20, v5;
	v17 =	vadd.f32 v18, v17;
	v18 =	vld [tilespmem:s5+$0x80]  }
0x230: {  	v20 =	vmul.f32 v21, v6;
	v21 =	vmul.f32 v22, v7;
	v22 =	vld [tilespmem:s5+$0x100];
	v11 =	vadd.f32 v13, v11  }
0x231: {  	v13 =	vadd.f32 v17, v14;
	v14 =	vmul.f32 v23, v3;
	v17 =	vmul.f32 v24, v8;
	v23 =	vld [tilespmem:s5+$0x180]  }
0x232: {  	v62 =	vld [tilespmem:s5+$0x200];
	v16 =	vadd.f32 v19, v16;
	v19 =	vmul.f32 v25, v9;
	v12 =	vmul.f32 v12, v10  }
0x233: {  	v63 =	vld [tilespmem:s5+$0x280];
	v20 =	vadd.f32 v21, v20;
	v21 =	vadd.f32 v13, v11  }
0x234: {  	s6 =	simm.s32 $0x0;
	s30 =	sor.u32 $0x20, s4;
	v11 =	vadd.f32 v17, v14;
	v14 =	vadd.f32 v12, v19;
	v12 =	vld [tilespmem:s5+$0x300]  }
0x235: {  	s31 =	sand.u32 $0x3FFFFE00, s6;
	s17 =	sor.u32 s30, s1;
	v16 =	vadd.f32 v20, v16;
	v13 =	vld [tilespmem:s5+$0x380];
	v15 =	vmul.f32 v15, v4;
	v17 =	vmul.f32 v18, v5  }
0x236: {  	s1 =	sadd.s32 $0x12800, s31;
	v19 =	vmul.f32 v22, v6;
	v22 =	vmul.f32 v23, v7;
	v20 =	vadd.f32 v14, v11;
	v14 =	vld [tilespmem:s17+$0x0]  }
0x237: {  	s18 =	simm.s32 $0x0;
	s0 =	sor.u32 s28, s1;
	v18 =	vmul.f32 v62, v3;
	v11 =	vadd.f32 v17, v15;
	v15 =	vld [tilespmem:s17+$0x80]  }
0x238: {  	s4 =	sor.u32 s4, s1;
	s20 =	sor.u32 s29, s1;
	s19 =	sor.u32 s30, s1;
	[tilespmem:s0+$0x0] =	vst v21;
	v19 =	vadd.f32 v22, v19;
	v17 =	vld [tilespmem:s17+$0x100];
	v16 =	vadd.f32 v20, v16;
	v20 =	vmul.f32 v63, v8  }
.LBB2_13:
0x239: {  	s18 =	sadd.s32 $0x4, s18;
	v12 =	vmul.f32 v12, v9;
	v21 =	vld [tilespmem:s17+$0x180]  }
0x23a: {  	s16 =	sadd.s32 $0x40, s16;
	s0 =	sshll.u32 s18, $0x7;
	p0 =	slt.u32 s18, $0x3C;
	[tilespmem:s4+$0x0] =	vst v16;
	v13 =	vmul.f32 v13, v10;
	v16 =	vadd.f32 v20, v18;
	v11 =	vadd.f32 v19, v11;
	v18 =	vld [tilespmem:s17+$0x200]  }
0x23b: {  	s21 =	sand.u32 $0x40, s16;
	s0 =	sand.u32 $0x3FFFFC00, s0;
	v14 =	vmul.f32 v14, v4;
	v19 =	vld [tilespmem:s17+$0x280]  }
0x23c: {  	s22 =	sor.u32 $0x10, s21;
	s24 =	sor.u32 $0x30, s21;
	s1 =	sadd.s32 $0xA800, s0;
	v12 =	vadd.f32 v13, v12;
	v13 =	vmul.f32 v15, v5;
	v15 =	vld [tilespmem:s17+$0x300]  }
0x23d: {  	s23 =	sor.u32 $0x20, s21;
	s0 =	sor.u32 s21, s1;
	s2 =	sor.u32 s24, s1;
	v17 =	vmul.f32 v17, v6;
	v20 =	vld [tilespmem:s17+$0x380]  }
0x23e: {  	s10 =	sor.u32 s22, s1;
	s17 =	sor.u32 s23, s1;
	v22 =	vld [tilespmem:s2+$0x0];
	v12 =	vadd.f32 v12, v16;
	v16 =	vmul.f32 v21, v7;
	v13 =	vadd.f32 v13, v14  }
0x23f: {  	v14 =	vld [tilespmem:s2+$0x80];
	v18 =	vmul.f32 v18, v3  }
0x240: {  	v21 =	vld [tilespmem:s2+$0x100];
	v11 =	vadd.f32 v12, v11;
	v12 =	vmul.f32 v19, v8;
	v16 =	vadd.f32 v16, v17  }
0x241: {  	v17 =	vld [tilespmem:s2+$0x180];
	v15 =	vmul.f32 v15, v9  }
0x242: {  	v19 =	vld [tilespmem:s2+$0x200];
	[tilespmem:s20+$0x0] =	vst v11;
	v11 =	vmul.f32 v20, v10;
	v12 =	vadd.f32 v12, v18;
	v13 =	vadd.f32 v16, v13  }
0x243: {  	v16 =	vld [tilespmem:s2+$0x280]  }
0x244: {  	v18 =	vld [tilespmem:s2+$0x300];
	v11 =	vadd.f32 v11, v15  }
0x245: {  	v15 =	vld [tilespmem:s2+$0x380]  }
0x246: {  	v20 =	vld [tilespmem:s0+$0x0];
	v11 =	vadd.f32 v11, v12  }
0x247: {  	v22 =	vmul.f32 v22, v4;
	v14 =	vmul.f32 v14, v5;
	v12 =	vld [tilespmem:s0+$0x80]  }
0x248: {  	v21 =	vmul.f32 v21, v6;
	v17 =	vmul.f32 v17, v7;
	v23 =	vld [tilespmem:s0+$0x100];
	v11 =	vadd.f32 v11, v13  }
0x249: {  	v19 =	vmul.f32 v19, v3;
	v16 =	vmul.f32 v16, v8;
	v13 =	vld [tilespmem:s0+$0x180]  }
0x24a: {  	v18 =	vmul.f32 v18, v9;
	v24 =	vld [tilespmem:s0+$0x200];
	v15 =	vmul.f32 v15, v10;
	[tilespmem:s19+$0x0] =	vst v11  }
0x24b: {  	v14 =	vadd.f32 v14, v22;
	v17 =	vadd.f32 v17, v21;
	v11 =	vmul.f32 v20, v4;
	v20 =	vld [tilespmem:s0+$0x280]  }
0x24c: {  	v16 =	vadd.f32 v16, v19;
	v12 =	vmul.f32 v12, v5;
	v21 =	vld [tilespmem:s0+$0x300];
	v15 =	vadd.f32 v15, v18  }
0x24d: {  	v18 =	vmul.f32 v23, v6;
	v19 =	vld [tilespmem:s0+$0x380]  }
0x24e: {  	v14 =	vadd.f32 v17, v14;
	s0 =	sshll.u32 s18, $0x6;
	v13 =	vmul.f32 v13, v7;
	v22 =	vld [tilespmem:s10+$0x0];
	v15 =	vadd.f32 v15, v16  }
0x24f: {  	v11 =	vadd.f32 v12, v11;
	s0 =	sand.u32 $0x3FFFFE00, s0;
	v16 =	vmul.f32 v24, v3;
	v12 =	vld [tilespmem:s10+$0x80]  }
0x250: {  	s0 =	sadd.s32 $0x12800, s0;
	v17 =	vmul.f32 v20, v8;
	v13 =	vadd.f32 v13, v18;
	v18 =	vld [tilespmem:s10+$0x100];
	v14 =	vadd.f32 v15, v14  }
0x251: {  	s4 =	sor.u32 s21, s0;
	s20 =	sor.u32 s22, s0;
	s1 =	sor.u32 s24, s0;
	v15 =	vmul.f32 v21, v9;
	v20 =	vld [tilespmem:s10+$0x180]  }
0x252: {  	s19 =	sor.u32 s23, s0;
	v19 =	vmul.f32 v19, v10;
	v16 =	vadd.f32 v17, v16;
	v17 =	vadd.f32 v13, v11;
	v21 =	vld [tilespmem:s10+$0x200];
	[tilespmem:s1+$0x0] =	vst v14  }
0x253: {  	v11 =	vmul.f32 v22, v4;
	v22 =	vld [tilespmem:s10+$0x280]  }
.Ltmp5:
0x254: {  	v14 =	vadd.f32 v19, v15;
	v15 =	vmul.f32 v12, v5;
	v12 =	vld [tilespmem:s10+$0x300];
	(pc) =	sbr.rel @p0 .LBB2_13-.Ltmp5, $4  }
0x255: {  	v19 =	vmul.f32 v18, v6;
	v13 =	vld [tilespmem:s10+$0x380]  }
0x256: {  	v16 =	vadd.f32 v14, v16;
	v23 =	vmul.f32 v20, v7;
	v11 =	vadd.f32 v15, v11;
	v14 =	vld [tilespmem:s17+$0x0]  }
0x257: {  	v18 =	vmul.f32 v21, v3;
	v15 =	vld [tilespmem:s17+$0x80]  }
0x258: {  	v16 =	vadd.f32 v16, v17;
	v20 =	vmul.f32 v22, v8;
	v19 =	vadd.f32 v23, v19;
	v17 =	vld [tilespmem:s17+$0x100]  }
0x259: {  	v21 =	vld [tilespmem:s17+$0x180]  }
0x25a: {  	v22 =	vld [tilespmem:s17+$0x200]  }
0x25b: {  	v23 =	vld [tilespmem:s17+$0x280]  }
0x25c: {  	v24 =	vld [tilespmem:s17+$0x300]  }
0x25d: {  	v25 =	vld [tilespmem:s17+$0x380]  }
0x25e: {  	v12 =	vmul.f32 v12, v9;
	v13 =	vmul.f32 v13, v10  }
0x25f: {  	v4 =	vmul.f32 v14, v4;
	v5 =	vmul.f32 v15, v5  }
0x260: {  	v6 =	vmul.f32 v17, v6;
	v7 =	vmul.f32 v21, v7  }
0x261: {  	v14 =	vadd.f32 v20, v18;
	v3 =	vmul.f32 v22, v3;
	v8 =	vmul.f32 v23, v8  }
0x262: {  	v12 =	vadd.f32 v13, v12;
	v9 =	vmul.f32 v24, v9;
	v10 =	vmul.f32 v25, v10  }
0x263: {  	v4 =	vadd.f32 v5, v4;
	v5 =	vadd.f32 v7, v6  }
0x264: {  	v3 =	vadd.f32 v8, v3;
	v6 =	vadd.f32 v10, v9  }
0x265: {  	v7 =	vadd.f32 v19, v11;
	v8 =	vadd.f32 v12, v14  }
0x266: {  	v4 =	vadd.f32 v5, v4;
	v3 =	vadd.f32 v6, v3  }
0x267: {  	v5 =	vadd.f32 v8, v7  }
0x268: {  	[tilespmem:s4+$0x0] =	vst v16;
	v3 =	vadd.f32 v3, v4  }
0x269: {  	[tilespmem:s20+$0x0] =	vst v5  }
0x26a: {  	[tilespmem:s19+$0x0] =	vst v3  }
0x26b: {  	v4 =	vld [tilespmem:$0x1C00]  }
0x26c: {  	v5 =	vld [tilespmem:$0x1C80]  }
0x26d: {  	v6 =	vld [tilespmem:$0x1D00]  }
0x26e: {  	v7 =	vld [tilespmem:$0x1D80]  }
0x26f: {  	s29 =	simm.s32 $0x0;
	s0 =	simm.s32 $0x0;
	v3 =	vld [tilespmem:$0x1E00]  }
0x270: {  	s17 =	sand.u32 $0x40, s29;
	s0 =	sand.u32 $0x3FFFFC00, s0;
	v8 =	vld [tilespmem:$0x1E80]  }
0x271: {  	s10 =	sadd.s32 $0xC800, s0;
	s18 =	sor.u32 $0x30, s17;
	v9 =	vld [tilespmem:$0x1F00]  }
0x272: {  	s5 =	sadd.s32 $0xC880, s0;
	s1 =	sor.u32 s18, s10;
	v10 =	vld [tilespmem:$0x1F80]  }
0x273: {  	s23 =	sadd.s32 $0xC900, s0;
	s14 =	sor.u32 s18, s5;
	v11 =	vld [tilespmem:s1+$0x0]  }
0x274: {  	s4 =	sadd.s32 $0xC980, s0;
	s15 =	sor.u32 s18, s23;
	v12 =	vld [tilespmem:s14+$0x0]  }
0x275: {  	s22 =	sadd.s32 $0xCA00, s0;
	s16 =	sor.u32 s18, s4;
	v13 =	vld [tilespmem:s15+$0x0]  }
0x276: {  	s20 =	sadd.s32 $0xCA80, s0;
	s19 =	sor.u32 s18, s22;
	v14 =	vld [tilespmem:s16+$0x0]  }
0x277: {  	s21 =	sadd.s32 $0xCB00, s0;
	s24 =	sor.u32 s18, s20;
	v15 =	vld [tilespmem:s19+$0x0]  }
0x278: {  	s25 =	sor.u32 s18, s21;
	v16 =	vld [tilespmem:s24+$0x0]  }
0x279: {  	s30 =	sor.u32 s17, s10;
	v17 =	vld [tilespmem:s25+$0x0]  }
0x27a: {  	s31 =	sor.u32 s17, s5;
	v19 =	vld [tilespmem:s30+$0x0]  }
0x27b: {  	s2 =	sor.u32 s17, s23;
	s19 =	sadd.s32 $0xCB80, s0;
	v20 =	vld [tilespmem:s31+$0x0]  }
0x27c: {  	v21 =	vld [tilespmem:s2+$0x0];
	s26 =	sor.u32 s18, s19  }
0x27d: {  	s3 =	sor.u32 s17, s4;
	v18 =	vld [tilespmem:s26+$0x0]  }
0x27e: {  	s6 =	sor.u32 s17, s22;
	v22 =	vld [tilespmem:s3+$0x0];
	v11 =	vmul.f32 v11, v4  }
0x27f: {  	s7 =	sor.u32 s17, s20;
	v23 =	vld [tilespmem:s6+$0x0];
	v12 =	vmul.f32 v12, v5;
	v13 =	vmul.f32 v13, v6  }
0x280: {  	s8 =	sor.u32 s17, s21;
	v60 =	vld [tilespmem:s7+$0x0];
	v14 =	vmul.f32 v14, v7;
	v15 =	vmul.f32 v15, v3  }
0x281: {  	s9 =	sor.u32 $0x10, s17;
	v61 =	vld [tilespmem:s8+$0x0];
	s2 =	sor.u32 s17, s19;
	v16 =	vmul.f32 v16, v8;
	v17 =	vmul.f32 v17, v9  }
0x282: {  	s11 =	sor.u32 s9, s10;
	v18 =	vmul.f32 v18, v10;
	v11 =	vadd.f32 v12, v11;
	v12 =	vld [tilespmem:s2+$0x0];
	v13 =	vadd.f32 v14, v13  }
0x283: {  	s13 =	sor.u32 s9, s23;
	v14 =	vadd.f32 v16, v15;
	v15 =	vld [tilespmem:s11+$0x0];
	v16 =	vmul.f32 v19, v4;
	v19 =	vmul.f32 v20, v5  }
0x284: {  	s12 =	sor.u32 s9, s5;
	v20 =	vmul.f32 v21, v6;
	v21 =	vmul.f32 v22, v7;
	v22 =	vld [tilespmem:s13+$0x0];
	v17 =	vadd.f32 v18, v17  }
0x285: {  	s14 =	sor.u32 s9, s4;
	v18 =	vld [tilespmem:s12+$0x0];
	v11 =	vadd.f32 v13, v11;
	v16 =	vadd.f32 v19, v16  }
0x286: {  	s3 =	sor.u32 s9, s20;
	v19 =	vmul.f32 v61, v9;
	v13 =	vadd.f32 v17, v14;
	v14 =	vmul.f32 v23, v3;
	v23 =	vld [tilespmem:s14+$0x0]  }
0x287: {  	s15 =	sor.u32 s9, s22;
	s16 =	sor.u32 $0x20, s17;
	v20 =	vadd.f32 v21, v20;
	v21 =	vld [tilespmem:s3+$0x0];
	v17 =	vmul.f32 v60, v8;
	v12 =	vmul.f32 v12, v10  }
0x288: {  	s25 =	sor.u32 s9, s21;
	s30 =	simm.s32 $0x0;
	v62 =	vld [tilespmem:s15+$0x0];
	s6 =	sor.u32 s16, s10;
	v63 =	vadd.f32 v13, v11  }
0x289: {  	s5 =	sor.u32 s16, s5;
	s7 =	sor.u32 s16, s23;
	s1 =	sand.u32 $0x3FFFFE00, s30;
	v11 =	vld [tilespmem:s25+$0x0];
	v14 =	vadd.f32 v17, v14;
	v17 =	vadd.f32 v12, v19  }
0x28a: {  	s10 =	sor.u32 s16, s4;
	s26 =	sor.u32 s9, s19;
	s1 =	sadd.s32 $0x12800, s1;
	v13 =	vld [tilespmem:s6+$0x0];
	v19 =	vadd.f32 v20, v16;
	v16 =	vmul.f32 v15, v4;
	v18 =	vmul.f32 v18, v5  }
0x28b: {  	s28 =	sor.u32 s16, s20;
	s24 =	sor.u32 s16, s21;
	s31 =	sor.u32 s18, s1;
	v22 =	vmul.f32 v22, v6;
	v12 =	vld [tilespmem:s26+$0x0];
	v17 =	vadd.f32 v17, v14;
	v23 =	vmul.f32 v23, v7  }
0x28c: {  	s20 =	sor.u32 s9, s1;
	s25 =	sor.u32 s16, s19;
	s19 =	sor.u32 s17, s1;
	v15 =	vld [tilespmem:s5+$0x0];
	v20 =	vmul.f32 v21, v8;
	v14 =	vadd.f32 v18, v16  }
0x28d: {  	s1 =	sor.u32 s16, s1;
	s17 =	simm.s32 $0x0;
	s26 =	sor.u32 s16, s22;
	[tilespmem:s31+$0x80] =	vst v63;
	v18 =	vmul.f32 v62, v3;
	v16 =	vld [tilespmem:s7+$0x0];
	v17 =	vadd.f32 v17, v19;
	v19 =	vadd.f32 v23, v22  }
.LBB2_15:
0x28e: {  	s17 =	sadd.s32 $0x4, s17  }
0x28f: {  	v21 =	vld [tilespmem:s10+$0x0];
	s29 =	sadd.s32 $0x40, s29;
	s0 =	sshll.u32 s17, $0x7  }
0x290: {  	[tilespmem:s19+$0x80] =	vst v17;
	v17 =	vadd.f32 v20, v18;
	v18 =	vld [tilespmem:s26+$0x0];
	s19 =	sand.u32 $0x40, s29;
	s12 =	sand.u32 $0x3FFFFC00, s0  }
0x291: {  	v14 =	vadd.f32 v19, v14;
	v19 =	vld [tilespmem:s28+$0x0];
	s23 =	sor.u32 $0x30, s19;
	s0 =	sadd.s32 $0xC800, s12;
	v11 =	vmul.f32 v11, v9;
	v12 =	vmul.f32 v12, v10  }
0x292: {  	v20 =	vld [tilespmem:s25+$0x0];
	s2 =	sor.u32 s23, s0  }
0x293: {  	s10 =	sadd.s32 $0xC900, s12;
	v22 =	vld [tilespmem:s2+$0x0];
	v11 =	vadd.f32 v12, v11  }
0x294: {  	s4 =	sadd.s32 $0xC880, s12;
	v13 =	vmul.f32 v13, v4;
	s8 =	sor.u32 s19, s10;
	v12 =	vmul.f32 v15, v5;
	v15 =	vld [tilespmem:s24+$0x0]  }
0x295: {  	s14 =	sor.u32 s23, s4;
	v23 =	vld [tilespmem:s8+$0x0];
	v11 =	vadd.f32 v11, v17  }
0x296: {  	s7 =	sadd.s32 $0xC980, s12;
	v16 =	vmul.f32 v16, v6;
	s15 =	sor.u32 s23, s10;
	v17 =	vmul.f32 v21, v7;
	v12 =	vadd.f32 v12, v13;
	v13 =	vld [tilespmem:s14+$0x0]  }
0x297: {  	s9 =	sadd.s32 $0xCA00, s12;
	s16 =	sor.u32 s23, s7;
	v21 =	vld [tilespmem:s15+$0x0];
	v11 =	vadd.f32 v11, v14  }
0x298: {  	s18 =	sor.u32 s23, s9;
	v18 =	vmul.f32 v18, v3;
	s14 =	sadd.s32 $0xCA80, s12;
	v14 =	vmul.f32 v19, v8;
	v16 =	vadd.f32 v17, v16;
	v17 =	vld [tilespmem:s16+$0x0]  }
0x299: {  	s24 =	sadd.s32 $0xCB00, s12;
	s25 =	sor.u32 s23, s14;
	v19 =	vld [tilespmem:s18+$0x0];
	v15 =	vmul.f32 v15, v9;
	[tilespmem:s20+$0x80] =	vst v11;
	v11 =	vmul.f32 v20, v10  }
0x29a: {  	[dreg:$0x7] =	wrdreg s1;
	s1 =	sadd.s32 $0xCB80, s12;
	s26 =	sor.u32 s23, s24;
	v12 =	vadd.f32 v16, v12;
	v16 =	vld [tilespmem:s25+$0x0]  }
0x29b: {  	s30 =	sor.u32 s23, s1;
	v14 =	vadd.f32 v14, v18;
	v18 =	vld [tilespmem:s26+$0x0];
	v11 =	vadd.f32 v11, v15  }
0x29c: {  	s3 =	sor.u32 s19, s0;
	v15 =	vld [tilespmem:s30+$0x0]  }
0x29d: {  	s5 =	sor.u32 s19, s4;
	v20 =	vld [tilespmem:s3+$0x0];
	v11 =	vadd.f32 v11, v14  }
0x29e: {  	s13 =	sor.u32 s19, s7;
	v22 =	vmul.f32 v22, v4;
	v13 =	vmul.f32 v13, v5;
	v14 =	vld [tilespmem:s5+$0x0]  }
0x29f: {  	s15 =	sor.u32 s19, s9;
	v21 =	vmul.f32 v21, v6;
	v17 =	vmul.f32 v17, v7;
	v11 =	vadd.f32 v11, v12;
	v12 =	vld [tilespmem:s13+$0x0]  }
0x2a0: {  	s11 =	sor.u32 s19, s24;
	v24 =	vld [tilespmem:s15+$0x0];
	v19 =	vmul.f32 v19, v3;
	v16 =	vmul.f32 v16, v8  }
0x2a1: {  	s31 =	sor.u32 s19, s14;
	s15 =	rddreg [dreg:$0x7];
	v18 =	vmul.f32 v18, v9;
	v17 =	vadd.f32 v17, v21;
	v21 =	vld [tilespmem:s11+$0x0];
	v15 =	vmul.f32 v15, v10  }
0x2a2: {  	s21 =	sor.u32 $0x10, s19;
	s18 =	sor.u32 s19, s1;
	v13 =	vadd.f32 v13, v22;
	[tilespmem:s15+$0x80] =	vst v11;
	v11 =	vmul.f32 v20, v4;
	v20 =	vld [tilespmem:s31+$0x0]  }
0x2a3: {  	s12 =	sor.u32 s21, s0;
	v16 =	vadd.f32 v16, v19;
	v19 =	vld [tilespmem:s18+$0x0];
	v14 =	vmul.f32 v14, v5;
	v15 =	vadd.f32 v15, v18  }
0x2a4: {  	s22 =	sor.u32 $0x20, s19;
	s16 =	sor.u32 s21, s4;
	v22 =	vld [tilespmem:s12+$0x0];
	v13 =	vadd.f32 v17, v13;
	v18 =	vmul.f32 v23, v6;
	v12 =	vmul.f32 v12, v7  }
0x2a5: {  	s6 =	sor.u32 s21, s10;
	s20 =	sor.u32 s21, s7;
	s18 =	sshll.u32 s17, $0x6;
	v15 =	vadd.f32 v15, v16;
	v11 =	vadd.f32 v14, v11;
	v14 =	vld [tilespmem:s16+$0x0]  }
0x2a6: {  	s25 =	sor.u32 s22, s1;
	s5 =	sor.u32 s21, s1;
	s1 =	sand.u32 $0x3FFFFE00, s18;
	v12 =	vadd.f32 v12, v18;
	v18 =	vld [tilespmem:s6+$0x0]  }
0x2a7: {  	s30 =	sor.u32 s21, s9;
	s1 =	sadd.s32 $0x12800, s1;
	v16 =	vmul.f32 v24, v3;
	v17 =	vmul.f32 v20, v8;
	v13 =	vadd.f32 v15, v13;
	v20 =	vld [tilespmem:s20+$0x0]  }
0x2a8: {  	s2 =	sor.u32 s21, s14;
	s23 =	sor.u32 s23, s1;
	v19 =	vmul.f32 v19, v10;
	v15 =	vmul.f32 v21, v9;
	v21 =	vld [tilespmem:s30+$0x0]  }
0x2a9: {  	p0 =	slt.u32 s17, $0x3C;
	s3 =	sor.u32 s21, s24;
	v16 =	vadd.f32 v17, v16;
	[tilespmem:s23+$0x80] =	vst v13;
	v13 =	vmul.f32 v22, v4;
	v22 =	vld [tilespmem:s2+$0x0]  }
.Ltmp6:
0x2aa: {  	s0 =	sor.u32 s22, s0;
	v17 =	vadd.f32 v12, v11;
	v15 =	vadd.f32 v19, v15;
	v11 =	vld [tilespmem:s3+$0x0];
	(pc) =	sbr.rel @p0 .LBB2_15-.Ltmp6, $4  }
0x2ab: {  	[dreg:$0xb] =	wrdreg s0;
	s4 =	sor.u32 s22, s4;
	v12 =	vld [tilespmem:s5+$0x0];
	v14 =	vmul.f32 v14, v5  }
0x2ac: {  	s8 =	sor.u32 s22, s10;
	s10 =	sor.u32 s22, s7;
	s31 =	rddreg [dreg:$0xb];
	v16 =	vadd.f32 v15, v16;
	v15 =	vld [tilespmem:s4+$0x0];
	v19 =	vmul.f32 v18, v6;
	v23 =	vmul.f32 v20, v7  }
0x2ad: {  	s28 =	sor.u32 s22, s14;
	s26 =	sor.u32 s22, s9;
	s24 =	sor.u32 s22, s24;
	v14 =	vadd.f32 v14, v13;
	v13 =	vld [tilespmem:s31+$0x0];
	v18 =	vmul.f32 v21, v3  }
0x2ae: {  	s19 =	sor.u32 s19, s1;
	s20 =	sor.u32 s21, s1;
	s1 =	sor.u32 s22, s1;
	v17 =	vadd.f32 v16, v17;
	v16 =	vld [tilespmem:s8+$0x0];
	v20 =	vmul.f32 v22, v8;
	v19 =	vadd.f32 v23, v19  }
0x2af: {  	v21 =	vld [tilespmem:s10+$0x0]  }
0x2b0: {  	v22 =	vld [tilespmem:s26+$0x0]  }
0x2b1: {  	v23 =	vld [tilespmem:s28+$0x0]  }
0x2b2: {  	v24 =	vld [tilespmem:s24+$0x0]  }
0x2b3: {  	v25 =	vld [tilespmem:s25+$0x0]  }
0x2b4: {  	v11 =	vmul.f32 v11, v9;
	v12 =	vmul.f32 v12, v10  }
0x2b5: {  	v5 =	vmul.f32 v15, v5;
	v4 =	vmul.f32 v13, v4  }
0x2b6: {  	v6 =	vmul.f32 v16, v6;
	v7 =	vmul.f32 v21, v7  }
0x2b7: {  	v13 =	vadd.f32 v20, v18;
	v3 =	vmul.f32 v22, v3;
	v8 =	vmul.f32 v23, v8  }
0x2b8: {  	v11 =	vadd.f32 v12, v11;
	v9 =	vmul.f32 v24, v9;
	v10 =	vmul.f32 v25, v10  }
0x2b9: {  	v4 =	vadd.f32 v5, v4;
	v5 =	vadd.f32 v7, v6  }
0x2ba: {  	v3 =	vadd.f32 v8, v3;
	v6 =	vadd.f32 v10, v9  }
0x2bb: {  	v7 =	vadd.f32 v19, v14;
	v8 =	vadd.f32 v11, v13  }
0x2bc: {  	v4 =	vadd.f32 v5, v4;
	v3 =	vadd.f32 v6, v3  }
0x2bd: {  	v5 =	vadd.f32 v8, v7  }
0x2be: {  	[tilespmem:s19+$0x80] =	vst v17;
	v3 =	vadd.f32 v3, v4  }
0x2bf: {  	[tilespmem:s20+$0x80] =	vst v5  }
0x2c0: {  	[tilespmem:s1+$0x80] =	vst v3  }
0x2c1: {  	v4 =	vld [tilespmem:$0x2000]  }
0x2c2: {  	v5 =	vld [tilespmem:$0x2080]  }
0x2c3: {  	v6 =	vld [tilespmem:$0x2100]  }
0x2c4: {  	v7 =	vld [tilespmem:$0x2180]  }
0x2c5: {  	s29 =	simm.s32 $0x0;
	s0 =	simm.s32 $0x0;
	v3 =	vld [tilespmem:$0x2200]  }
0x2c6: {  	s17 =	sand.u32 $0x40, s29;
	s0 =	sand.u32 $0x3FFFFC00, s0;
	v8 =	vld [tilespmem:$0x2280]  }
0x2c7: {  	s10 =	sadd.s32 $0xE800, s0;
	s18 =	sor.u32 $0x30, s17;
	v9 =	vld [tilespmem:$0x2300]  }
0x2c8: {  	s5 =	sadd.s32 $0xE880, s0;
	s13 =	sor.u32 s18, s10;
	v10 =	vld [tilespmem:$0x2380]  }
0x2c9: {  	s23 =	sadd.s32 $0xE900, s0;
	s14 =	sor.u32 s18, s5;
	v11 =	vld [tilespmem:s13+$0x0]  }
0x2ca: {  	s4 =	sadd.s32 $0xE980, s0;
	s15 =	sor.u32 s18, s23;
	v12 =	vld [tilespmem:s14+$0x0]  }
0x2cb: {  	s22 =	sadd.s32 $0xEA00, s0;
	s16 =	sor.u32 s18, s4;
	v13 =	vld [tilespmem:s15+$0x0]  }
0x2cc: {  	s19 =	sor.u32 s18, s22;
	s20 =	sadd.s32 $0xEA80, s0;
	v14 =	vld [tilespmem:s16+$0x0]  }
0x2cd: {  	s21 =	sadd.s32 $0xEB00, s0;
	s24 =	sor.u32 s18, s20;
	v15 =	vld [tilespmem:s19+$0x0]  }
0x2ce: {  	s25 =	sor.u32 s18, s21;
	v16 =	vld [tilespmem:s24+$0x0]  }
0x2cf: {  	s30 =	sor.u32 s17, s10;
	v17 =	vld [tilespmem:s25+$0x0]  }
0x2d0: {  	s31 =	sor.u32 s17, s5;
	v19 =	vld [tilespmem:s30+$0x0]  }
0x2d1: {  	s2 =	sor.u32 s17, s23;
	s19 =	sadd.s32 $0xEB80, s0;
	v20 =	vld [tilespmem:s31+$0x0]  }
0x2d2: {  	v21 =	vld [tilespmem:s2+$0x0];
	s26 =	sor.u32 s18, s19  }
0x2d3: {  	s3 =	sor.u32 s17, s4;
	v18 =	vld [tilespmem:s26+$0x0]  }
0x2d4: {  	s6 =	sor.u32 s17, s22;
	v22 =	vld [tilespmem:s3+$0x0];
	v11 =	vmul.f32 v11, v4  }
0x2d5: {  	s7 =	sor.u32 s17, s20;
	v23 =	vld [tilespmem:s6+$0x0];
	v12 =	vmul.f32 v12, v5;
	v13 =	vmul.f32 v13, v6  }
0x2d6: {  	s8 =	sor.u32 s17, s21;
	v60 =	vld [tilespmem:s7+$0x0];
	v14 =	vmul.f32 v14, v7;
	v15 =	vmul.f32 v15, v3  }
0x2d7: {  	s9 =	sor.u32 $0x10, s17;
	v61 =	vld [tilespmem:s8+$0x0];
	s2 =	sor.u32 s17, s19;
	v16 =	vmul.f32 v16, v8;
	v17 =	vmul.f32 v17, v9  }
0x2d8: {  	s11 =	sor.u32 s9, s10;
	v18 =	vmul.f32 v18, v10;
	v11 =	vadd.f32 v12, v11;
	v12 =	vld [tilespmem:s2+$0x0];
	v13 =	vadd.f32 v14, v13  }
0x2d9: {  	s13 =	sor.u32 s9, s23;
	v14 =	vadd.f32 v16, v15;
	v15 =	vld [tilespmem:s11+$0x0];
	v16 =	vmul.f32 v19, v4;
	v19 =	vmul.f32 v20, v5  }
0x2da: {  	s12 =	sor.u32 s9, s5;
	v20 =	vmul.f32 v21, v6;
	v21 =	vmul.f32 v22, v7;
	v22 =	vld [tilespmem:s13+$0x0];
	v17 =	vadd.f32 v18, v17  }
0x2db: {  	s14 =	sor.u32 s9, s4;
	v18 =	vld [tilespmem:s12+$0x0];
	v11 =	vadd.f32 v13, v11;
	v16 =	vadd.f32 v19, v16  }
0x2dc: {  	s3 =	sor.u32 s9, s20;
	v19 =	vmul.f32 v61, v9;
	v13 =	vadd.f32 v17, v14;
	v14 =	vmul.f32 v23, v3;
	v23 =	vld [tilespmem:s14+$0x0]  }
0x2dd: {  	s15 =	sor.u32 s9, s22;
	s16 =	sor.u32 $0x20, s17;
	v20 =	vadd.f32 v21, v20;
	v21 =	vld [tilespmem:s3+$0x0];
	v17 =	vmul.f32 v60, v8;
	v12 =	vmul.f32 v12, v10  }
0x2de: {  	s25 =	sor.u32 s9, s21;
	s30 =	simm.s32 $0x0;
	v62 =	vld [tilespmem:s15+$0x0];
	s6 =	sor.u32 s16, s10;
	v63 =	vadd.f32 v13, v11  }
0x2df: {  	s5 =	sor.u32 s16, s5;
	s7 =	sor.u32 s16, s23;
	s1 =	sand.u32 $0x3FFFFE00, s30;
	v11 =	vld [tilespmem:s25+$0x0];
	v14 =	vadd.f32 v17, v14;
	v17 =	vadd.f32 v12, v19  }
0x2e0: {  	s10 =	sor.u32 s16, s4;
	s26 =	sor.u32 s9, s19;
	s1 =	sadd.s32 $0x12800, s1;
	v13 =	vld [tilespmem:s6+$0x0];
	v19 =	vadd.f32 v20, v16;
	v16 =	vmul.f32 v15, v4;
	v18 =	vmul.f32 v18, v5  }
0x2e1: {  	s28 =	sor.u32 s16, s20;
	s24 =	sor.u32 s16, s21;
	s31 =	sor.u32 s18, s1;
	v22 =	vmul.f32 v22, v6;
	v12 =	vld [tilespmem:s26+$0x0];
	v17 =	vadd.f32 v17, v14;
	v23 =	vmul.f32 v23, v7  }
0x2e2: {  	s20 =	sor.u32 s9, s1;
	s25 =	sor.u32 s16, s19;
	s19 =	sor.u32 s17, s1;
	v15 =	vld [tilespmem:s5+$0x0];
	v20 =	vmul.f32 v21, v8;
	v14 =	vadd.f32 v18, v16  }
0x2e3: {  	s1 =	sor.u32 s16, s1;
	s17 =	simm.s32 $0x0;
	s26 =	sor.u32 s16, s22;
	[tilespmem:s31+$0x100] =	vst v63;
	v18 =	vmul.f32 v62, v3;
	v16 =	vld [tilespmem:s7+$0x0];
	v17 =	vadd.f32 v17, v19;
	v19 =	vadd.f32 v23, v22  }
.LBB2_17:
0x2e4: {  	s17 =	sadd.s32 $0x4, s17  }
0x2e5: {  	v21 =	vld [tilespmem:s10+$0x0];
	s29 =	sadd.s32 $0x40, s29;
	s0 =	sshll.u32 s17, $0x7  }
0x2e6: {  	[tilespmem:s19+$0x100] =	vst v17;
	v17 =	vadd.f32 v20, v18;
	v18 =	vld [tilespmem:s26+$0x0];
	s19 =	sand.u32 $0x40, s29;
	s12 =	sand.u32 $0x3FFFFC00, s0  }
0x2e7: {  	v14 =	vadd.f32 v19, v14;
	v19 =	vld [tilespmem:s28+$0x0];
	s23 =	sor.u32 $0x30, s19;
	s0 =	sadd.s32 $0xE800, s12;
	v11 =	vmul.f32 v11, v9;
	v12 =	vmul.f32 v12, v10  }
0x2e8: {  	v20 =	vld [tilespmem:s25+$0x0];
	s2 =	sor.u32 s23, s0  }
0x2e9: {  	s10 =	sadd.s32 $0xE900, s12;
	v22 =	vld [tilespmem:s2+$0x0];
	v11 =	vadd.f32 v12, v11  }
0x2ea: {  	s4 =	sadd.s32 $0xE880, s12;
	v13 =	vmul.f32 v13, v4;
	s8 =	sor.u32 s19, s10;
	v12 =	vmul.f32 v15, v5;
	v15 =	vld [tilespmem:s24+$0x0]  }
0x2eb: {  	s14 =	sor.u32 s23, s4;
	v23 =	vld [tilespmem:s8+$0x0];
	v11 =	vadd.f32 v11, v17  }
0x2ec: {  	s7 =	sadd.s32 $0xE980, s12;
	v16 =	vmul.f32 v16, v6;
	s15 =	sor.u32 s23, s10;
	v17 =	vmul.f32 v21, v7;
	v12 =	vadd.f32 v12, v13;
	v13 =	vld [tilespmem:s14+$0x0]  }
0x2ed: {  	s9 =	sadd.s32 $0xEA00, s12;
	s16 =	sor.u32 s23, s7;
	v21 =	vld [tilespmem:s15+$0x0];
	v11 =	vadd.f32 v11, v14  }
0x2ee: {  	s18 =	sor.u32 s23, s9;
	v18 =	vmul.f32 v18, v3;
	s14 =	sadd.s32 $0xEA80, s12;
	v14 =	vmul.f32 v19, v8;
	v16 =	vadd.f32 v17, v16;
	v17 =	vld [tilespmem:s16+$0x0]  }
0x2ef: {  	s24 =	sadd.s32 $0xEB00, s12;
	s25 =	sor.u32 s23, s14;
	v19 =	vld [tilespmem:s18+$0x0];
	v15 =	vmul.f32 v15, v9;
	[tilespmem:s20+$0x100] =	vst v11;
	v11 =	vmul.f32 v20, v10  }
0x2f0: {  	[dreg:$0x8] =	wrdreg s1;
	s1 =	sadd.s32 $0xEB80, s12;
	s26 =	sor.u32 s23, s24;
	v12 =	vadd.f32 v16, v12;
	v16 =	vld [tilespmem:s25+$0x0]  }
0x2f1: {  	s30 =	sor.u32 s23, s1;
	v14 =	vadd.f32 v14, v18;
	v18 =	vld [tilespmem:s26+$0x0];
	v11 =	vadd.f32 v11, v15  }
0x2f2: {  	s3 =	sor.u32 s19, s0;
	v15 =	vld [tilespmem:s30+$0x0]  }
0x2f3: {  	s5 =	sor.u32 s19, s4;
	v20 =	vld [tilespmem:s3+$0x0];
	v11 =	vadd.f32 v11, v14  }
0x2f4: {  	s13 =	sor.u32 s19, s7;
	v22 =	vmul.f32 v22, v4;
	v13 =	vmul.f32 v13, v5;
	v14 =	vld [tilespmem:s5+$0x0]  }
0x2f5: {  	s15 =	sor.u32 s19, s9;
	v21 =	vmul.f32 v21, v6;
	v17 =	vmul.f32 v17, v7;
	v11 =	vadd.f32 v11, v12;
	v12 =	vld [tilespmem:s13+$0x0]  }
0x2f6: {  	s11 =	sor.u32 s19, s24;
	v24 =	vld [tilespmem:s15+$0x0];
	v19 =	vmul.f32 v19, v3;
	v16 =	vmul.f32 v16, v8  }
0x2f7: {  	s31 =	sor.u32 s19, s14;
	s15 =	rddreg [dreg:$0x8];
	v18 =	vmul.f32 v18, v9;
	v17 =	vadd.f32 v17, v21;
	v21 =	vld [tilespmem:s11+$0x0];
	v15 =	vmul.f32 v15, v10  }
0x2f8: {  	s21 =	sor.u32 $0x10, s19;
	s18 =	sor.u32 s19, s1;
	v13 =	vadd.f32 v13, v22;
	[tilespmem:s15+$0x100] =	vst v11;
	v11 =	vmul.f32 v20, v4;
	v20 =	vld [tilespmem:s31+$0x0]  }
0x2f9: {  	s12 =	sor.u32 s21, s0;
	v16 =	vadd.f32 v16, v19;
	v19 =	vld [tilespmem:s18+$0x0];
	v14 =	vmul.f32 v14, v5;
	v15 =	vadd.f32 v15, v18  }
0x2fa: {  	s22 =	sor.u32 $0x20, s19;
	s16 =	sor.u32 s21, s4;
	v22 =	vld [tilespmem:s12+$0x0];
	v13 =	vadd.f32 v17, v13;
	v18 =	vmul.f32 v23, v6;
	v12 =	vmul.f32 v12, v7  }
0x2fb: {  	s6 =	sor.u32 s21, s10;
	s20 =	sor.u32 s21, s7;
	s18 =	sshll.u32 s17, $0x6;
	v15 =	vadd.f32 v15, v16;
	v11 =	vadd.f32 v14, v11;
	v14 =	vld [tilespmem:s16+$0x0]  }
0x2fc: {  	s25 =	sor.u32 s22, s1;
	s5 =	sor.u32 s21, s1;
	s1 =	sand.u32 $0x3FFFFE00, s18;
	v12 =	vadd.f32 v12, v18;
	v18 =	vld [tilespmem:s6+$0x0]  }
0x2fd: {  	s30 =	sor.u32 s21, s9;
	s1 =	sadd.s32 $0x12800, s1;
	v16 =	vmul.f32 v24, v3;
	v17 =	vmul.f32 v20, v8;
	v13 =	vadd.f32 v15, v13;
	v20 =	vld [tilespmem:s20+$0x0]  }
0x2fe: {  	s2 =	sor.u32 s21, s14;
	s23 =	sor.u32 s23, s1;
	v19 =	vmul.f32 v19, v10;
	v15 =	vmul.f32 v21, v9;
	v21 =	vld [tilespmem:s30+$0x0]  }
0x2ff: {  	p0 =	slt.u32 s17, $0x3C;
	s3 =	sor.u32 s21, s24;
	v16 =	vadd.f32 v17, v16;
	[tilespmem:s23+$0x100] =	vst v13;
	v13 =	vmul.f32 v22, v4;
	v22 =	vld [tilespmem:s2+$0x0]  }
.Ltmp7:
0x300: {  	s0 =	sor.u32 s22, s0;
	v17 =	vadd.f32 v12, v11;
	v15 =	vadd.f32 v19, v15;
	v11 =	vld [tilespmem:s3+$0x0];
	(pc) =	sbr.rel @p0 .LBB2_17-.Ltmp7, $4  }
0x301: {  	[dreg:$0xc] =	wrdreg s0;
	s4 =	sor.u32 s22, s4;
	v12 =	vld [tilespmem:s5+$0x0];
	v14 =	vmul.f32 v14, v5  }
0x302: {  	s8 =	sor.u32 s22, s10;
	s10 =	sor.u32 s22, s7;
	s31 =	rddreg [dreg:$0xc];
	v16 =	vadd.f32 v15, v16;
	v15 =	vld [tilespmem:s4+$0x0];
	v19 =	vmul.f32 v18, v6;
	v23 =	vmul.f32 v20, v7  }
0x303: {  	s28 =	sor.u32 s22, s14;
	s26 =	sor.u32 s22, s9;
	s24 =	sor.u32 s22, s24;
	v14 =	vadd.f32 v14, v13;
	v13 =	vld [tilespmem:s31+$0x0];
	v18 =	vmul.f32 v21, v3  }
0x304: {  	s19 =	sor.u32 s19, s1;
	s20 =	sor.u32 s21, s1;
	s1 =	sor.u32 s22, s1;
	v17 =	vadd.f32 v16, v17;
	v16 =	vld [tilespmem:s8+$0x0];
	v20 =	vmul.f32 v22, v8;
	v19 =	vadd.f32 v23, v19  }
0x305: {  	v21 =	vld [tilespmem:s10+$0x0]  }
0x306: {  	v22 =	vld [tilespmem:s26+$0x0]  }
0x307: {  	v23 =	vld [tilespmem:s28+$0x0]  }
0x308: {  	v24 =	vld [tilespmem:s24+$0x0]  }
0x309: {  	v25 =	vld [tilespmem:s25+$0x0]  }
0x30a: {  	v11 =	vmul.f32 v11, v9;
	v12 =	vmul.f32 v12, v10  }
0x30b: {  	v5 =	vmul.f32 v15, v5;
	v4 =	vmul.f32 v13, v4  }
0x30c: {  	v6 =	vmul.f32 v16, v6;
	v7 =	vmul.f32 v21, v7  }
0x30d: {  	v13 =	vadd.f32 v20, v18;
	v3 =	vmul.f32 v22, v3;
	v8 =	vmul.f32 v23, v8  }
0x30e: {  	v11 =	vadd.f32 v12, v11;
	v9 =	vmul.f32 v24, v9;
	v10 =	vmul.f32 v25, v10  }
0x30f: {  	v4 =	vadd.f32 v5, v4;
	v5 =	vadd.f32 v7, v6  }
0x310: {  	v3 =	vadd.f32 v8, v3;
	v6 =	vadd.f32 v10, v9  }
0x311: {  	v7 =	vadd.f32 v19, v14;
	v8 =	vadd.f32 v11, v13  }
0x312: {  	v4 =	vadd.f32 v5, v4;
	v3 =	vadd.f32 v6, v3  }
0x313: {  	v5 =	vadd.f32 v8, v7  }
0x314: {  	[tilespmem:s19+$0x100] =	vst v17;
	v3 =	vadd.f32 v3, v4  }
0x315: {  	[tilespmem:s20+$0x100] =	vst v5  }
0x316: {  	[tilespmem:s1+$0x100] =	vst v3  }
0x317: {  	v5 =	vld [tilespmem:$0x2400]  }
0x318: {  	v6 =	vld [tilespmem:$0x2480]  }
0x319: {  	v7 =	vld [tilespmem:$0x2500]  }
0x31a: {  	v8 =	vld [tilespmem:$0x2580]  }
0x31b: {  	s29 =	simm.s32 $0x0;
	s0 =	simm.s32 $0x0;
	v3 =	vld [tilespmem:$0x2600]  }
0x31c: {  	s17 =	sand.u32 $0x40, s29;
	s0 =	sand.u32 $0x3FFFFC00, s0;
	v4 =	vld [tilespmem:$0x2680]  }
0x31d: {  	s10 =	sadd.s32 $0x10800, s0;
	s18 =	sor.u32 $0x30, s17;
	v9 =	vld [tilespmem:$0x2700]  }
0x31e: {  	s5 =	sadd.s32 $0x10880, s0;
	s13 =	sor.u32 s18, s10;
	v10 =	vld [tilespmem:$0x2780]  }
0x31f: {  	s23 =	sadd.s32 $0x10900, s0;
	s14 =	sor.u32 s18, s5;
	v11 =	vld [tilespmem:s13+$0x0]  }
0x320: {  	s4 =	sadd.s32 $0x10980, s0;
	s15 =	sor.u32 s18, s23;
	v12 =	vld [tilespmem:s14+$0x0]  }
0x321: {  	s22 =	sadd.s32 $0x10A00, s0;
	s16 =	sor.u32 s18, s4;
	v13 =	vld [tilespmem:s15+$0x0]  }
0x322: {  	s19 =	sor.u32 s18, s22;
	s20 =	sadd.s32 $0x10A80, s0;
	v14 =	vld [tilespmem:s16+$0x0]  }
0x323: {  	s21 =	sadd.s32 $0x10B00, s0;
	s24 =	sor.u32 s18, s20;
	v15 =	vld [tilespmem:s19+$0x0]  }
0x324: {  	s25 =	sor.u32 s18, s21;
	v16 =	vld [tilespmem:s24+$0x0]  }
0x325: {  	s30 =	sor.u32 s17, s10;
	v17 =	vld [tilespmem:s25+$0x0]  }
0x326: {  	s31 =	sor.u32 s17, s5;
	v19 =	vld [tilespmem:s30+$0x0]  }
0x327: {  	s2 =	sor.u32 s17, s23;
	s19 =	sadd.s32 $0x10B80, s0;
	v20 =	vld [tilespmem:s31+$0x0]  }
0x328: {  	v21 =	vld [tilespmem:s2+$0x0];
	s26 =	sor.u32 s18, s19  }
0x329: {  	s3 =	sor.u32 s17, s4;
	v18 =	vld [tilespmem:s26+$0x0]  }
0x32a: {  	s6 =	sor.u32 s17, s22;
	v22 =	vld [tilespmem:s3+$0x0];
	v11 =	vmul.f32 v11, v5  }
0x32b: {  	s7 =	sor.u32 s17, s20;
	v23 =	vld [tilespmem:s6+$0x0];
	v12 =	vmul.f32 v12, v6;
	v13 =	vmul.f32 v13, v7  }
0x32c: {  	s8 =	sor.u32 s17, s21;
	v60 =	vld [tilespmem:s7+$0x0];
	v14 =	vmul.f32 v14, v8;
	v15 =	vmul.f32 v15, v3  }
0x32d: {  	s9 =	sor.u32 $0x10, s17;
	v61 =	vld [tilespmem:s8+$0x0];
	s2 =	sor.u32 s17, s19;
	v16 =	vmul.f32 v16, v4;
	v17 =	vmul.f32 v17, v9  }
0x32e: {  	s11 =	sor.u32 s9, s10;
	v18 =	vmul.f32 v18, v10;
	v11 =	vadd.f32 v12, v11;
	v12 =	vld [tilespmem:s2+$0x0];
	v13 =	vadd.f32 v14, v13  }
0x32f: {  	s12 =	sor.u32 s9, s5;
	v14 =	vadd.f32 v16, v15;
	v15 =	vld [tilespmem:s11+$0x0];
	v16 =	vmul.f32 v19, v5;
	v19 =	vmul.f32 v20, v6  }
0x330: {  	s13 =	sor.u32 s9, s23;
	v20 =	vmul.f32 v21, v7;
	v21 =	vmul.f32 v22, v8;
	v17 =	vadd.f32 v18, v17;
	v18 =	vld [tilespmem:s12+$0x0]  }
0x331: {  	s14 =	sor.u32 s9, s4;
	v22 =	vmul.f32 v60, v4;
	v11 =	vadd.f32 v13, v11;
	v13 =	vld [tilespmem:s13+$0x0];
	v16 =	vadd.f32 v19, v16  }
0x332: {  	s15 =	sor.u32 s9, s22;
	v20 =	vadd.f32 v21, v20;
	v14 =	vadd.f32 v17, v14;
	v17 =	vmul.f32 v23, v3;
	v23 =	vld [tilespmem:s14+$0x0]  }
0x333: {  	s16 =	sor.u32 $0x20, s17;
	s3 =	sor.u32 s9, s20;
	v62 =	vld [tilespmem:s15+$0x0];
	v19 =	vmul.f32 v61, v9;
	v12 =	vmul.f32 v12, v10  }
0x334: {  	s25 =	sor.u32 s9, s21;
	s30 =	simm.s32 $0x0;
	s5 =	sor.u32 s16, s5;
	v21 =	vld [tilespmem:s3+$0x0];
	v20 =	vadd.f32 v20, v16  }
0x335: {  	s6 =	sor.u32 s16, s10;
	s7 =	sor.u32 s16, s23;
	s1 =	sand.u32 $0x3FFFFE00, s30;
	v16 =	vmul.f32 v15, v5;
	v15 =	vld [tilespmem:s5+$0x0];
	v17 =	vadd.f32 v22, v17;
	v19 =	vadd.f32 v12, v19  }
0x336: {  	s10 =	sor.u32 s16, s4;
	s28 =	sor.u32 s16, s20;
	s1 =	sadd.s32 $0x12800, s1;
	v63 =	vadd.f32 v14, v11;
	v11 =	vld [tilespmem:s25+$0x0];
	v18 =	vmul.f32 v18, v6  }
0x337: {  	s24 =	sor.u32 s16, s21;
	s26 =	sor.u32 s9, s19;
	s31 =	sor.u32 s18, s1;
	v14 =	vld [tilespmem:s6+$0x0];
	v22 =	vmul.f32 v13, v7;
	v17 =	vadd.f32 v19, v17;
	v19 =	vmul.f32 v23, v8  }
0x338: {  	s20 =	sor.u32 s9, s1;
	s25 =	sor.u32 s16, s19;
	s19 =	sor.u32 s17, s1;
	v12 =	vld [tilespmem:s26+$0x0];
	v13 =	vadd.f32 v18, v16;
	v18 =	vmul.f32 v62, v3  }
0x339: {  	s1 =	sor.u32 s16, s1;
	s17 =	simm.s32 $0x0;
	s26 =	sor.u32 s16, s22;
	[tilespmem:s31+$0x180] =	vst v63;
	v16 =	vld [tilespmem:s7+$0x0];
	v17 =	vadd.f32 v17, v20;
	v20 =	vmul.f32 v21, v4;
	v19 =	vadd.f32 v19, v22  }
.LBB2_19:
0x33a: {  	s17 =	sadd.s32 $0x4, s17  }
0x33b: {  	v21 =	vld [tilespmem:s10+$0x0];
	s29 =	sadd.s32 $0x40, s29;
	s0 =	sshll.u32 s17, $0x7  }
0x33c: {  	[tilespmem:s19+$0x180] =	vst v17;
	v17 =	vadd.f32 v20, v18;
	v18 =	vld [tilespmem:s26+$0x0];
	s19 =	sand.u32 $0x40, s29;
	s12 =	sand.u32 $0x3FFFFC00, s0  }
0x33d: {  	v13 =	vadd.f32 v19, v13;
	v19 =	vld [tilespmem:s28+$0x0];
	s23 =	sor.u32 $0x30, s19;
	s0 =	sadd.s32 $0x10800, s12;
	v11 =	vmul.f32 v11, v9;
	v12 =	vmul.f32 v12, v10  }
0x33e: {  	v20 =	vld [tilespmem:s25+$0x0];
	s2 =	sor.u32 s23, s0  }
0x33f: {  	s10 =	sadd.s32 $0x10900, s12;
	v22 =	vld [tilespmem:s2+$0x0];
	v11 =	vadd.f32 v12, v11  }
0x340: {  	s4 =	sadd.s32 $0x10880, s12;
	v14 =	vmul.f32 v14, v5;
	s8 =	sor.u32 s19, s10;
	v12 =	vmul.f32 v15, v6;
	v15 =	vld [tilespmem:s24+$0x0]  }
0x341: {  	s14 =	sor.u32 s23, s4;
	v23 =	vld [tilespmem:s8+$0x0];
	v11 =	vadd.f32 v11, v17  }
0x342: {  	s7 =	sadd.s32 $0x10980, s12;
	v16 =	vmul.f32 v16, v7;
	s15 =	sor.u32 s23, s10;
	v17 =	vmul.f32 v21, v8;
	v12 =	vadd.f32 v12, v14;
	v14 =	vld [tilespmem:s14+$0x0]  }
0x343: {  	s9 =	sadd.s32 $0x10A00, s12;
	s16 =	sor.u32 s23, s7;
	v21 =	vld [tilespmem:s15+$0x0];
	v11 =	vadd.f32 v11, v13  }
0x344: {  	s18 =	sor.u32 s23, s9;
	v18 =	vmul.f32 v18, v3;
	s14 =	sadd.s32 $0x10A80, s12;
	v13 =	vmul.f32 v19, v4;
	v16 =	vadd.f32 v17, v16;
	v17 =	vld [tilespmem:s16+$0x0]  }
0x345: {  	s24 =	sadd.s32 $0x10B00, s12;
	s25 =	sor.u32 s23, s14;
	v19 =	vld [tilespmem:s18+$0x0];
	v15 =	vmul.f32 v15, v9;
	[tilespmem:s20+$0x180] =	vst v11;
	v11 =	vmul.f32 v20, v10  }
0x346: {  	[dreg:$0x4] =	wrdreg s1;
	s1 =	sadd.s32 $0x10B80, s12;
	s26 =	sor.u32 s23, s24;
	v12 =	vadd.f32 v16, v12;
	v16 =	vld [tilespmem:s25+$0x0]  }
0x347: {  	s30 =	sor.u32 s23, s1;
	v13 =	vadd.f32 v13, v18;
	v18 =	vld [tilespmem:s26+$0x0];
	v11 =	vadd.f32 v11, v15  }
0x348: {  	s3 =	sor.u32 s19, s0;
	v15 =	vld [tilespmem:s30+$0x0]  }
0x349: {  	s5 =	sor.u32 s19, s4;
	v20 =	vld [tilespmem:s3+$0x0];
	v11 =	vadd.f32 v11, v13  }
0x34a: {  	s13 =	sor.u32 s19, s7;
	v22 =	vmul.f32 v22, v5;
	v14 =	vmul.f32 v14, v6;
	v13 =	vld [tilespmem:s5+$0x0]  }
0x34b: {  	s15 =	sor.u32 s19, s9;
	v21 =	vmul.f32 v21, v7;
	v17 =	vmul.f32 v17, v8;
	v11 =	vadd.f32 v11, v12;
	v12 =	vld [tilespmem:s13+$0x0]  }
0x34c: {  	s11 =	sor.u32 s19, s24;
	v24 =	vld [tilespmem:s15+$0x0];
	v19 =	vmul.f32 v19, v3;
	v16 =	vmul.f32 v16, v4  }
0x34d: {  	s31 =	sor.u32 s19, s14;
	s15 =	rddreg [dreg:$0x4];
	v18 =	vmul.f32 v18, v9;
	v17 =	vadd.f32 v17, v21;
	v21 =	vld [tilespmem:s11+$0x0];
	v15 =	vmul.f32 v15, v10  }
0x34e: {  	s21 =	sor.u32 $0x10, s19;
	s18 =	sor.u32 s19, s1;
	v14 =	vadd.f32 v14, v22;
	[tilespmem:s15+$0x180] =	vst v11;
	v11 =	vmul.f32 v20, v5;
	v20 =	vld [tilespmem:s31+$0x0]  }
0x34f: {  	s12 =	sor.u32 s21, s0;
	v16 =	vadd.f32 v16, v19;
	v19 =	vld [tilespmem:s18+$0x0];
	v13 =	vmul.f32 v13, v6;
	v15 =	vadd.f32 v15, v18  }
0x350: {  	s22 =	sor.u32 $0x20, s19;
	s16 =	sor.u32 s21, s4;
	v22 =	vld [tilespmem:s12+$0x0];
	v14 =	vadd.f32 v17, v14;
	v18 =	vmul.f32 v23, v7;
	v12 =	vmul.f32 v12, v8  }
0x351: {  	s6 =	sor.u32 s21, s10;
	s20 =	sor.u32 s21, s7;
	s18 =	sshll.u32 s17, $0x6;
	v15 =	vadd.f32 v15, v16;
	v11 =	vadd.f32 v13, v11;
	v13 =	vld [tilespmem:s16+$0x0]  }
0x352: {  	s25 =	sor.u32 s22, s1;
	s5 =	sor.u32 s21, s1;
	s1 =	sand.u32 $0x3FFFFE00, s18;
	v12 =	vadd.f32 v12, v18;
	v18 =	vld [tilespmem:s6+$0x0]  }
0x353: {  	s30 =	sor.u32 s21, s9;
	s1 =	sadd.s32 $0x12800, s1;
	v16 =	vmul.f32 v24, v3;
	v17 =	vmul.f32 v20, v4;
	v14 =	vadd.f32 v15, v14;
	v20 =	vld [tilespmem:s20+$0x0]  }
0x354: {  	s2 =	sor.u32 s21, s14;
	s23 =	sor.u32 s23, s1;
	v19 =	vmul.f32 v19, v10;
	v15 =	vmul.f32 v21, v9;
	v21 =	vld [tilespmem:s30+$0x0]  }
0x355: {  	p0 =	slt.u32 s17, $0x3C;
	s3 =	sor.u32 s21, s24;
	v16 =	vadd.f32 v17, v16;
	[tilespmem:s23+$0x180] =	vst v14;
	v14 =	vmul.f32 v22, v5;
	v22 =	vld [tilespmem:s2+$0x0]  }
.Ltmp8:
0x356: {  	s0 =	sor.u32 s22, s0;
	v17 =	vadd.f32 v12, v11;
	v15 =	vadd.f32 v19, v15;
	v11 =	vld [tilespmem:s3+$0x0];
	(pc) =	sbr.rel @p0 .LBB2_19-.Ltmp8, $4  }
0x357: {  	[dreg:$0xd] =	wrdreg s0;
	s4 =	sor.u32 s22, s4;
	v12 =	vld [tilespmem:s5+$0x0];
	v13 =	vmul.f32 v13, v6  }
0x358: {  	s8 =	sor.u32 s22, s10;
	s10 =	sor.u32 s22, s7;
	s31 =	rddreg [dreg:$0xd];
	v16 =	vadd.f32 v15, v16;
	v15 =	vld [tilespmem:s4+$0x0];
	v19 =	vmul.f32 v18, v7;
	v23 =	vmul.f32 v20, v8  }
0x359: {  	s28 =	sor.u32 s22, s14;
	s26 =	sor.u32 s22, s9;
	s24 =	sor.u32 s22, s24;
	v13 =	vadd.f32 v13, v14;
	v14 =	vld [tilespmem:s31+$0x0];
	v18 =	vmul.f32 v21, v3  }
0x35a: {  	s19 =	sor.u32 s19, s1;
	s20 =	sor.u32 s21, s1;
	s1 =	sor.u32 s22, s1;
	v17 =	vadd.f32 v16, v17;
	v16 =	vld [tilespmem:s8+$0x0];
	v20 =	vmul.f32 v22, v4;
	v19 =	vadd.f32 v23, v19  }
0x35b: {  	v21 =	vld [tilespmem:s10+$0x0]  }
0x35c: {  	v22 =	vld [tilespmem:s26+$0x0]  }
0x35d: {  	v23 =	vld [tilespmem:s28+$0x0]  }
0x35e: {  	v24 =	vld [tilespmem:s24+$0x0]  }
0x35f: {  	v25 =	vld [tilespmem:s25+$0x0]  }
0x360: {  	v11 =	vmul.f32 v11, v9;
	v12 =	vmul.f32 v12, v10  }
0x361: {  	v6 =	vmul.f32 v15, v6;
	v5 =	vmul.f32 v14, v5  }
0x362: {  	v7 =	vmul.f32 v16, v7;
	v8 =	vmul.f32 v21, v8  }
0x363: {  	v56 =	vadd.f32 v20, v18;
	v3 =	vmul.f32 v22, v3;
	v4 =	vmul.f32 v23, v4  }
0x364: {  	v11 =	vadd.f32 v12, v11;
	v57 =	vmul.f32 v24, v9;
	v58 =	vmul.f32 v25, v10  }
0x365: {  	v5 =	vadd.f32 v6, v5;
	v59 =	vadd.f32 v8, v7  }
0x366: {  	v3 =	vadd.f32 v4, v3;
	v60 =	vadd.f32 v58, v57  }
0x367: {  	v61 =	vadd.f32 v19, v13;
	v62 =	vadd.f32 v11, v56  }
0x368: {  	v5 =	vadd.f32 v59, v5;
	v3 =	vadd.f32 v60, v3  }
0x369: {  	v63 =	vadd.f32 v62, v61  }
0x36a: {  	[tilespmem:s19+$0x180] =	vst v17;
	v3 =	vadd.f32 v3, v5  }
0x36b: {  	[tilespmem:s20+$0x180] =	vst v63  }
0x36c: {  	s30 =	simm.s32 $0x200;
	s0 =	rddreg [dreg:$0x1c];
	[tilespmem:s1+$0x180] =	vst v3  }
0x36d: {  	s2 =	simm.s32 $0x400;
	s0 =	sand.u32 $0x3FC00, s0;
	s1 =	rddreg [dreg:$0x18]  }
0x36e: {  	s3 =	simm.s32 $0x12800;
	s6 =	simm.s32 $0x3;
	s0 =	sadd.s32 s0, s1  }
0x36f: {  	[hbm4b:s0+s30] =	stream.strided.scatter [tilespmem:s3], [sflag:$0x3], $0x1000, s2, s30, $0x38;
	[tilespmem:$0x13800] =	vst v63  }
0x370: {  	_ =	swait.ge [sflag:s6], $0x1000  }
0x371: {  	s31 =	rddreg [dreg:$0x1b]  }
0x372: {  	s0 =	sadd.s32 $0x1, s31  }
0x373: {  	p0 =	sne.s32 s0, $0x8  }
.Ltmp9:
0x374: {  	_ = 	snop;
	(pc) =	sbr.rel @p0 .LBB2_2-.Ltmp9, $3  }
0x375: {  	_ =	sdelay $0x1  }
0x376: {  	[sflag:s6] =	ssyncset.done $0x0  }
0x377: {  	[sflag:s6] =	ssyncadd.s32 $0xFFFFF000  }
0x378: {  	s1 =	rddreg [dreg:$0x1a]  }
0x379: {  	s0 =	rddreg [dreg:$0x19];
	s1 =	sadd.s32 $0x1, s1  }
0x37a: {  	p0 =	sne.s32 s1, s0  }
.Ltmp10:
0x37b: {  	_ = 	snop;
	(pc) =	sbr.rel @p0 .LBB2_1-.Ltmp10, $1  }
0x37c: {  	_ =	sdelay $0x3  }
0x37d: {  	_ =	sfence.sel $0x180000  }
0x37e: {  	[bflag:$0x0] =	sbarrier.arrive $0xFFFF  }
0x37f: {  	_ =	strace $0x90000047  }
0x380: {  	s0 =	stileid.u32;
	[bflag:$0x2] =	sbarrier.arrive $0xFFFF  }
0x381: {  	p0 =	sne.s32 s0, $0x0;
	s0 =	rddreg [dreg:$0x3]  }
0x382: {  	s0 =	sadd.s32 @!p0 $0x100000, s0  }
0x383: {  	[sflag:s0] =	ssyncadd.tile.s32 @!p0 $0x1;
	_ =	shalt  }
.Lfunc_end2:
_tile_overlayer_lowered:
.L_overlay_start_2:
0x384: {  	(tag) =	ssettag $0x2  }
0x385: {  	s0 =	rddreg [dreg:$0x0];
	s2 =	stileid.u32  }
0x386: {  	s1 =	rddreg [dreg:$0x1];
	p0 =	sne.s32 s2, $0x0  }
0x387: {  	s3 =	rddreg [dreg:$0x2];
	[bflag:$0x3] =	sbarrier.arrive $0xFFFF;
	s2 =	simm.s32 @!p0 $0x1C03  }
0x388: {  	[timem:s3], [sflag:s2] =	dma.local @!p0 [hbm:s0], s1  }
0x389: {  	s0 =	simm.s32 @!p0 $0x3  }
0x38a: {  	_ =	swait.ge @!p0 [sflag:s0], s1  }
0x38b: {  	s1 =	ssub.s32 @!p0 $0x0, s1;
	[sflag:s0] =	ssyncset.done @!p0 $0x0  }
0x38c: {  	[sflag:s0] =	ssyncadd.s32 @!p0 s1  }
0x38d: {  	[bflag:$0x3] =	sbarrier.arrive $0xFFFF  }
0x38e: {  	_ =	shalt  }

</sc_bundles>
